<compile_context>
chip_gen: v7x
topology: tpu7x:2x2x1
jax: 0.10.2.dev20260603
libtpu: 0.0.44.dev20260713+nightly
codegen_flags: <defaults>
</compile_context>

<pallas_src>
import functools

import jax
import jax.numpy as jnp
from jax import lax
from jax.experimental import pallas as pl
from jax.experimental.pallas import tpu as pltpu
from jax.experimental.pallas import tpu_sc as plsc

N = 256
E = 65280
EPAD = 65536
IN = 7
HID = 128
HEADS = 2
OUT = N * 6

NC = 2
NS = 16
EPT = EPAD // (NC * NS)
EREAL = E // (NC * NS)
ROWS = EPT // 128
SLC = EPAD // NS

FCK = 16
FKB = (N * HID) // FCK


def _count_body(edge_hbm, zero_hbm, out_hbm,
                s_v, d_v, idx2, ones_v, cnt_sh, sem):
    cid = lax.axis_index("c")
    sid = lax.axis_index("s")
    tid = cid * NS + sid
    base = tid * EREAL

    pltpu.sync_copy(edge_hbm.at[pl.ds(base, EREAL)], s_v.at[pl.ds(0, EREAL)])
    pltpu.sync_copy(edge_hbm.at[pl.ds(E + base, EREAL)], d_v.at[pl.ds(0, EREAL)])
    pltpu.sync_copy(zero_hbm.at[pl.ds(sid * SLC, SLC)], cnt_sh.at[pl.ds(sid * SLC, SLC)])
    for k in range(8):
        ones_v[pl.ds(k * 16, 16)] = jnp.full((16,), 1.0, jnp.float32)

    lane = lax.iota(jnp.int32, 16)
    for r in range(ROWS):
        for c in range(8):
            o = r * 128 + c * 16
            iv = d_v[pl.ds(o, 16)] * N + s_v[pl.ds(o, 16)]
            if o + 16 > EREAL:
                iv = jnp.where(lane < EREAL - o, iv, 0)
            idx2[r, pl.ds(c * 16, 16)] = iv

    plsc.subcore_barrier()

    handles = []
    for r in range(ROWS):
        handles.append(pltpu.async_copy(ones_v, cnt_sh.at[idx2.at[r]], sem, add=True))
    for h in handles:
        h.wait()

    plsc.subcore_barrier()

    pltpu.sync_copy(cnt_sh.at[pl.ds(sid * SLC, SLC)],
                    out_hbm.at[cid, pl.ds(sid * SLC, SLC)])


def _build_counts(edge_index):
    zero = jnp.zeros((EPAD,), jnp.float32)
    return pl.kernel(
        _count_body,
        mesh=plsc.VectorSubcoreMesh(core_axis_name="c", subcore_axis_name="s"),
        out_type=jax.ShapeDtypeStruct((NC, EPAD), jnp.float32),
        scratch_types=[
            pltpu.VMEM((EPT,), jnp.int32),
            pltpu.VMEM((EPT,), jnp.int32),
            pltpu.VMEM((ROWS, 128), jnp.int32),
            pltpu.VMEM((128,), jnp.float32),
            pltpu.VMEM_SHARED((EPAD,), jnp.float32),
            pltpu.SemaphoreType.DMA,
        ],
    )(edge_index.reshape(2 * E), zero)


def _gnn_fc_body(c2_ref, x_ref, w1r_ref, w1o_ref, b1_ref,
                 w2r_ref, w2o_ref, b2_ref, w3_ref, as_ref, ad_ref, b3_ref,
                 wres_ref, bres_ref, wfc_ref, bfc_ref, o_ref, h_s):
    k = pl.program_id(0)

    @pl.when(k == 0)
    def _():
        _gnn_compute(c2_ref, x_ref, w1r_ref, w1o_ref, b1_ref,
                     w2r_ref, w2o_ref, b2_ref, w3_ref, as_ref, ad_ref, b3_ref,
                     wres_ref, bres_ref, h_s)
        o_ref[:] = bfc_ref[:]

    flat_blk = h_s[pl.ds(k * (FKB // HID), FKB // HID), :].reshape(1, FKB)
    o_ref[:] += jnp.dot(flat_blk, wfc_ref[:], preferred_element_type=jnp.float32)


def _gnn_compute(c2_ref, x_ref, w1r_ref, w1o_ref, b1_ref,
                 w2r_ref, w2o_ref, b2_ref, w3_ref, as_ref, ad_ref, b3_ref,
                 wres_ref, bres_ref, h_ref):
    f32 = jnp.float32
    row_i = jax.lax.broadcasted_iota(jnp.int32, (N, N), 0)
    col_i = jax.lax.broadcasted_iota(jnp.int32, (N, N), 1)
    corner = ((row_i == 0) & (col_i == 0)).astype(f32)
    C = (c2_ref[0] + c2_ref[1]).reshape(N, N) - float(EPAD - E) * corner

    xdot = functools.partial(jnp.dot, preferred_element_type=f32,
                             precision=jax.lax.Precision.HIGHEST)
    dot = functools.partial(jnp.dot, preferred_element_type=f32)
    relu = lambda v: jnp.maximum(v, 0.0)

    x = x_ref[:]
    agg1 = xdot(C, x)
    h1 = relu(dot(agg1, w1r_ref[:]) + dot(x, w1o_ref[:]) + b1_ref[:]
              + dot(x, wres_ref[:]) + bres_ref[:])
    h2 = relu(dot(xdot(C, h1), w2r_ref[:]) + dot(h1, w2o_ref[:]) + b2_ref[:])

    Cp = C + (row_i == col_i).astype(f32)
    mask = Cp > 0.0
    xp = dot(h2, w3_ref[:])
    acc = jnp.zeros((N, HID), f32)
    for hh in range(HEADS):
        xph = xp[:, hh * HID:(hh + 1) * HID]
        al_s = jnp.sum(xph * as_ref[hh, :][None, :], axis=1)
        al_d = jnp.sum(xph * ad_ref[hh, :][None, :], axis=1)
        e = al_d[:, None] + al_s[None, :]
        e = jnp.where(e >= 0.0, e, 0.2 * e)
        m = jnp.max(jnp.where(mask, e, -1e30), axis=1, keepdims=True)
        ee = Cp * jnp.exp(jnp.minimum(e - m, 0.0))
        denom = jnp.sum(ee, axis=1, keepdims=True)
        acc = acc + xdot(ee, xph) / denom
    h_ref[:] = relu(acc * (1.0 / HEADS) + b3_ref[:])


def kernel(x, edge_index, W1_rel, W1_root, b1, W2_rel, W2_root, b2, W3,
           a_src, a_dst, b3, Wres, bres, Wfc, bfc):
    c2 = _build_counts(edge_index)

    const = lambda k: (0, 0)
    out = pl.pallas_call(
        _gnn_fc_body,
        grid=(FCK,),
        in_specs=[
            pl.BlockSpec((NC, EPAD), const),
            pl.BlockSpec((N, IN), const),
            pl.BlockSpec((IN, HID), const),
            pl.BlockSpec((IN, HID), const),
            pl.BlockSpec((1, HID), const),
            pl.BlockSpec((HID, HID), const),
            pl.BlockSpec((HID, HID), const),
            pl.BlockSpec((1, HID), const),
            pl.BlockSpec((HID, HEADS * HID), const),
            pl.BlockSpec((HEADS, HID), const),
            pl.BlockSpec((HEADS, HID), const),
            pl.BlockSpec((1, HID), const),
            pl.BlockSpec((IN, HID), const),
            pl.BlockSpec((1, HID), const),
            pl.BlockSpec((FKB, OUT), lambda k: (k, 0)),
            pl.BlockSpec((1, OUT), const),
        ],
        out_specs=pl.BlockSpec((1, OUT), const),
        out_shape=jax.ShapeDtypeStruct((1, OUT), jnp.float32),
        scratch_shapes=[pltpu.VMEM((N, HID), jnp.float32)],
    )(c2, x, W1_rel, W1_root, b1.reshape(1, HID),
      W2_rel, W2_root, b2.reshape(1, HID), W3, a_src, a_dst,
      b3.reshape(1, HID), Wres, bres.reshape(1, HID), Wfc, bfc.reshape(1, OUT))
    return out

# --- scband reference (transcript-rebuilt; emitter-appended) ---
"""Pipeline reference for scband-nbody-gnn-6914897347306 (READ-ONLY COPY).

The authoritative reference and input builder live on the scoring server;
editing this copy changes nothing except your own understanding.
"""

import jax, jax.numpy as jnp
import numpy as np

N = 256
E = 65280
IN = 7
HID = 128
HEADS = 2
OUT = N * 6


def _glorot(k, shape):
    fan_in, fan_out = shape[0], shape[-1]
    lim = (6.0 / (fan_in + fan_out)) ** 0.5
    return jax.random.uniform(k, shape, minval=-lim, maxval=lim, dtype=jnp.float32)


def setup_inputs(seed: int = 0):
    key = jax.random.key(seed)
    ks = jax.random.split(key, 20)
    x = jax.random.normal(ks[0], (N, IN), dtype=jnp.float32)
    edge_index = jax.random.randint(ks[1], (2, E), 0, N, dtype=jnp.int32)
    return {
        'x': x,
        'edge_index': edge_index,
        'W1_rel': _glorot(ks[2], (IN, HID)),
        'W1_root': _glorot(ks[3], (IN, HID)),
        'b1': jnp.zeros((HID,), jnp.float32),
        'W2_rel': _glorot(ks[4], (HID, HID)),
        'W2_root': _glorot(ks[5], (HID, HID)),
        'b2': jnp.zeros((HID,), jnp.float32),
        'W3': _glorot(ks[6], (HID, HEADS * HID)),
        'a_src': _glorot(ks[7], (HEADS, HID)),
        'a_dst': _glorot(ks[8], (HEADS, HID)),
        'b3': jnp.zeros((HID,), jnp.float32),
        'Wres': _glorot(ks[9], (IN, HID)),
        'bres': jnp.zeros((HID,), jnp.float32),
        'Wfc': _glorot(ks[10], (N * HID, OUT)),
        'bfc': jnp.zeros((OUT,), jnp.float32),
    }


def _graph_conv(x, src, dst, Wrel, Wroot, b):
    # PyG GraphConv (aggr='add'): out_i = W_root x_i + W_rel * sum_{j->i} x_j + b
    agg = jax.ops.segment_sum(x[src], dst, num_segments=N)
    return agg @ Wrel + x @ Wroot + b


def _gat_conv(x, src, dst, W, a_src, a_dst, b):
    # PyG GATConv heads=2, concat=False, add_self_loops=True
    xp = (x @ W).reshape(N, HEADS, HID)
    loop = jnp.arange(N, dtype=src.dtype)
    s = jnp.concatenate([src, loop])
    d = jnp.concatenate([dst, loop])
    alpha_s = jnp.sum(xp * a_src[None, :, :], axis=-1)  # [N, HEADS]
    alpha_d = jnp.sum(xp * a_dst[None, :, :], axis=-1)
    e = jax.nn.leaky_relu(alpha_s[s] + alpha_d[d], 0.2)  # [E+N, HEADS]
    m = jax.ops.segment_max(e, d, num_segments=N)
    ee = jnp.exp(e - m[d])
    denom = jax.ops.segment_sum(ee, d, num_segments=N)
    alpha = ee / denom[d]
    out = jax.ops.segment_sum(xp[s] * alpha[:, :, None], d, num_segments=N)
    return out.mean(axis=1) + b


def reference(x, edge_index, W1_rel, W1_root, b1, W2_rel, W2_root, b2, W3, a_src, a_dst, b3, Wres, bres, Wfc, bfc):
    src = edge_index[0]
    dst = edge_index[1]
    x_res = x @ Wres + bres
    h = jax.nn.relu(_graph_conv(x, src, dst, W1_rel, W1_root, b1) + x_res)
    # dropout is identity in eval mode
    h = jax.nn.relu(_graph_conv(h, src, dst, W2_rel, W2_root, b2))
    h = jax.nn.relu(_gat_conv(h, src, dst, W3, a_src, a_dst, b3))
    flat = h.reshape(1, -1)
    out = flat @ Wfc + bfc
    return out

if __name__ == "__main__":
    import jax
    _d = setup_inputs()
    print(jax.jit(kernel)(*tuple(_d.values())))

</pallas_src>

<mosaic_0001>
#map = affine_map<(d0, d1) -> (0)>
#map1 = affine_map<(d0, d1) -> (0, 0)>
module attributes {stable_mosaic.version = 14 : i64} {
  func.func @_count_body(%arg0: i32, %arg1: i32, %arg2: memref<130560xi32, #tpu.memory_space<hbm>>, %arg3: memref<65536xf32, #tpu.memory_space<hbm>>, %arg4: memref<2x65536xf32, #tpu.memory_space<hbm>>, %arg5: memref<2048xi32, #tpu.memory_space<vmem>>, %arg6: memref<2048xi32, #tpu.memory_space<vmem>>, %arg7: memref<16x128xi32, #tpu.memory_space<vmem>>, %arg8: memref<128xf32, #tpu.memory_space<vmem>>, %arg9: memref<65536xf32, #tpu.memory_space<vmem_shared>>, %arg10: memref<!tpu.dma_semaphore, #tpu.memory_space<semaphore_mem>>) attributes {dimension_semantics = [#tpu.dimension_semantics<core_parallel>, #tpu.dimension_semantics<subcore_parallel>], iteration_bounds = array<i64: 2, 16>, scalar_prefetch = 0 : i64, scratch_operands = 6 : i64, tpu.core_type = #tpu.core_type<sc_vector_subcore>, window_params = [{transform_indices = #map}, {transform_indices = #map}, {transform_indices = #map1}]} {
    %mul3A = arith.constant 16 : i32
    %mul3A_0 = arith.muli %arg0, %mul3A : i32
    %add3A = arith.addi %mul3A_0, %arg1 : i32
    %mul3A_1 = arith.constant 2040 : i32
    %mul3A_2 = arith.muli %add3A, %mul3A_1 : i32
    "tpu.region"() ({
      %run_scoped3A = tpu.sem_alloc : memref<!tpu.dma_semaphore, #tpu.memory_space<semaphore_mem>>
      %dma_start3A_2300 = arith.constant 0 : i32
      %dma_start3A_2301 = tpu.memref_slice %arg5[%dma_start3A_2300] : memref<2048xi32, #tpu.memory_space<vmem>> -> memref<2040xi32, #tpu.memory_space<vmem>>
      %dma_start3A_2302 = tpu.memref_slice %arg2[%mul3A_2] : memref<130560xi32, #tpu.memory_space<hbm>> -> memref<2040xi32, #tpu.memory_space<hbm>>
      %dma_start3A_2303 = arith.constant 0 : i32
      %dma_start3A_2304 = tpu.memref_slice %arg5[%dma_start3A_2303] : memref<2048xi32, #tpu.memory_space<vmem>> -> memref<2040xi32, #tpu.memory_space<vmem>>
      %dma_start3A_2305 = tpu.memref_slice %arg2[%mul3A_2] : memref<130560xi32, #tpu.memory_space<hbm>> -> memref<2040xi32, #tpu.memory_space<hbm>>
      tpu.enqueue_dma source(%dma_start3A_2305 : memref<2040xi32, #tpu.memory_space<hbm>>) target(%dma_start3A_2304 : memref<2040xi32, #tpu.memory_space<vmem>>) target_semaphore(%run_scoped3A : memref<!tpu.dma_semaphore, #tpu.memory_space<semaphore_mem>>)
      %dma_wait3A_2306 = arith.constant 0 : i32
      %dma_wait3A_2307 = tpu.memref_slice %arg5[%dma_wait3A_2306] : memref<2048xi32, #tpu.memory_space<vmem>> -> memref<2040xi32, #tpu.memory_space<vmem>>
      %dma_wait3A_2308 = tpu.memref_slice %arg2[%mul3A_2] : memref<130560xi32, #tpu.memory_space<hbm>> -> memref<2040xi32, #tpu.memory_space<hbm>>
      %dma_wait3A_2309 = arith.constant 0 : i32
      %dma_wait3A_2310 = tpu.memref_slice %arg5[%dma_wait3A_2309] : memref<2048xi32, #tpu.memory_space<vmem>> -> memref<2040xi32, #tpu.memory_space<vmem>>
      %dma_wait3A_2311 = tpu.memref_slice %arg2[%mul3A_2] : memref<130560xi32, #tpu.memory_space<hbm>> -> memref<2040xi32, #tpu.memory_space<hbm>>
      tpu.wait_dma2 semaphore(%run_scoped3A : memref<!tpu.dma_semaphore, #tpu.memory_space<semaphore_mem>>) src(%dma_wait3A_2311 : memref<2040xi32, #tpu.memory_space<hbm>>) dst(%dma_wait3A_2310 : memref<2040xi32, #tpu.memory_space<vmem>>)
      tpu.yield
    }) : () -> ()
    %add3A_3 = arith.constant 65280 : i32
    %add3A_4 = arith.addi %add3A_3, %mul3A_2 : i32
    "tpu.region"() ({
      %run_scoped3A = tpu.sem_alloc : memref<!tpu.dma_semaphore, #tpu.memory_space<semaphore_mem>>
      %dma_start3A_2300 = arith.constant 0 : i32
      %dma_start3A_2301 = tpu.memref_slice %arg6[%dma_start3A_2300] : memref<2048xi32, #tpu.memory_space<vmem>> -> memref<2040xi32, #tpu.memory_space<vmem>>
      %dma_start3A_2302 = tpu.memref_slice %arg2[%add3A_4] : memref<130560xi32, #tpu.memory_space<hbm>> -> memref<2040xi32, #tpu.memory_space<hbm>>
      %dma_start3A_2303 = arith.constant 0 : i32
      %dma_start3A_2304 = tpu.memref_slice %arg6[%dma_start3A_2303] : memref<2048xi32, #tpu.memory_space<vmem>> -> memref<2040xi32, #tpu.memory_space<vmem>>
      %dma_start3A_2305 = tpu.memref_slice %arg2[%add3A_4] : memref<130560xi32, #tpu.memory_space<hbm>> -> memref<2040xi32, #tpu.memory_space<hbm>>
      tpu.enqueue_dma source(%dma_start3A_2305 : memref<2040xi32, #tpu.memory_space<hbm>>) target(%dma_start3A_2304 : memref<2040xi32, #tpu.memory_space<vmem>>) target_semaphore(%run_scoped3A : memref<!tpu.dma_semaphore, #tpu.memory_space<semaphore_mem>>)
      %dma_wait3A_2306 = arith.constant 0 : i32
      %dma_wait3A_2307 = tpu.memref_slice %arg6[%dma_wait3A_2306] : memref<2048xi32, #tpu.memory_space<vmem>> -> memref<2040xi32, #tpu.memory_space<vmem>>
      %dma_wait3A_2308 = tpu.memref_slice %arg2[%add3A_4] : memref<130560xi32, #tpu.memory_space<hbm>> -> memref<2040xi32, #tpu.memory_space<hbm>>
      %dma_wait3A_2309 = arith.constant 0 : i32
      %dma_wait3A_2310 = tpu.memref_slice %arg6[%dma_wait3A_2309] : memref<2048xi32, #tpu.memory_space<vmem>> -> memref<2040xi32, #tpu.memory_space<vmem>>
      %dma_wait3A_2311 = tpu.memref_slice %arg2[%add3A_4] : memref<130560xi32, #tpu.memory_space<hbm>> -> memref<2040xi32, #tpu.memory_space<hbm>>
      tpu.wait_dma2 semaphore(%run_scoped3A : memref<!tpu.dma_semaphore, #tpu.memory_space<semaphore_mem>>) src(%dma_wait3A_2311 : memref<2040xi32, #tpu.memory_space<hbm>>) dst(%dma_wait3A_2310 : memref<2040xi32, #tpu.memory_space<vmem>>)
      tpu.yield
    }) : () -> ()
    %mul3A_5 = arith.constant 4096 : i32
    %mul3A_6 = arith.muli %arg1, %mul3A_5 : i32
    %mul3A_7 = arith.constant 4096 : i32
    %mul3A_8 = arith.muli %arg1, %mul3A_7 : i32
    "tpu.region"() ({
      %run_scoped3A = tpu.sem_alloc : memref<!tpu.dma_semaphore, #tpu.memory_space<semaphore_mem>>
      %dma_start3A_2300 = tpu.memref_slice %arg9[%mul3A_8] : memref<65536xf32, #tpu.memory_space<vmem_shared>> -> memref<4096xf32, #tpu.memory_space<vmem_shared>>
      %dma_start3A_2301 = tpu.memref_slice %arg3[%mul3A_6] : memref<65536xf32, #tpu.memory_space<hbm>> -> memref<4096xf32, #tpu.memory_space<hbm>>
      tpu.enqueue_dma source(%dma_start3A_2301 : memref<4096xf32, #tpu.memory_space<hbm>>) target(%dma_start3A_2300 : memref<4096xf32, #tpu.memory_space<vmem_shared>>) target_semaphore(%run_scoped3A : memref<!tpu.dma_semaphore, #tpu.memory_space<semaphore_mem>>)
      %dma_wait3A_2302 = tpu.memref_slice %arg9[%mul3A_8] : memref<65536xf32, #tpu.memory_space<vmem_shared>> -> memref<4096xf32, #tpu.memory_space<vmem_shared>>
      %dma_wait3A_2303 = tpu.memref_slice %arg3[%mul3A_6] : memref<65536xf32, #tpu.memory_space<hbm>> -> memref<4096xf32, #tpu.memory_space<hbm>>
      tpu.wait_dma2 semaphore(%run_scoped3A : memref<!tpu.dma_semaphore, #tpu.memory_space<semaphore_mem>>) src(%dma_wait3A_2303 : memref<4096xf32, #tpu.memory_space<hbm>>) dst(%dma_wait3A_2302 : memref<4096xf32, #tpu.memory_space<vmem_shared>>)
      tpu.yield
    }) : () -> ()
    %broadcast_in_dim3A = arith.constant 1.000000e+00 : f32
    %broadcast_in_dim3A_9 = vector.broadcast %broadcast_in_dim3A : f32 to vector<16xf32>
    %swap3A = arith.constant 0 : index
    %swap3A_10 = tpu.vector_load %arg8[%swap3A] {strides = array<i32>} : memref<128xf32, #tpu.memory_space<vmem>>, vector<16xf32>,
    %swap3A_11 = vector.shape_cast %swap3A_10 : vector<16xf32> to vector<16xf32>
    %swap3A_12 = vector.shape_cast %broadcast_in_dim3A_9 : vector<16xf32> to vector<16xf32>
    tpu.vector_store %arg8[%swap3A], %swap3A_12 {strides = array<i32>} : memref<128xf32, #tpu.memory_space<vmem>>, vector<16xf32>,
    %broadcast_in_dim3A_13 = arith.constant 1.000000e+00 : f32
    %broadcast_in_dim3A_14 = vector.broadcast %broadcast_in_dim3A_13 : f32 to vector<16xf32>
    %swap3A_15 = arith.constant 16 : index
    %swap3A_16 = tpu.vector_load %arg8[%swap3A_15] {strides = array<i32>} : memref<128xf32, #tpu.memory_space<vmem>>, vector<16xf32>,
    %swap3A_17 = vector.shape_cast %swap3A_16 : vector<16xf32> to vector<16xf32>
    %swap3A_18 = vector.shape_cast %broadcast_in_dim3A_14 : vector<16xf32> to vector<16xf32>
    tpu.vector_store %arg8[%swap3A_15], %swap3A_18 {strides = array<i32>} : memref<128xf32, #tpu.memory_space<vmem>>, vector<16xf32>,
    %broadcast_in_dim3A_19 = arith.constant 1.000000e+00 : f32
    %broadcast_in_dim3A_20 = vector.broadcast %broadcast_in_dim3A_19 : f32 to vector<16xf32>
    %swap3A_21 = arith.constant 32 : index
    %swap3A_22 = tpu.vector_load %arg8[%swap3A_21] {strides = array<i32>} : memref<128xf32, #tpu.memory_space<vmem>>, vector<16xf32>,
    %swap3A_23 = vector.shape_cast %swap3A_22 : vector<16xf32> to vector<16xf32>
    %swap3A_24 = vector.shape_cast %broadcast_in_dim3A_20 : vector<16xf32> to vector<16xf32>
    tpu.vector_store %arg8[%swap3A_21], %swap3A_24 {strides = array<i32>} : memref<128xf32, #tpu.memory_space<vmem>>, vector<16xf32>,
    %broadcast_in_dim3A_25 = arith.constant 1.000000e+00 : f32
    %broadcast_in_dim3A_26 = vector.broadcast %broadcast_in_dim3A_25 : f32 to vector<16xf32>
    %swap3A_27 = arith.constant 48 : index
    %swap3A_28 = tpu.vector_load %arg8[%swap3A_27] {strides = array<i32>} : memref<128xf32, #tpu.memory_space<vmem>>, vector<16xf32>,
    %swap3A_29 = vector.shape_cast %swap3A_28 : vector<16xf32> to vector<16xf32>
    %swap3A_30 = vector.shape_cast %broadcast_in_dim3A_26 : vector<16xf32> to vector<16xf32>
    tpu.vector_store %arg8[%swap3A_27], %swap3A_30 {strides = array<i32>} : memref<128xf32, #tpu.memory_space<vmem>>, vector<16xf32>,
    %broadcast_in_dim3A_31 = arith.constant 1.000000e+00 : f32
    %broadcast_in_dim3A_32 = vector.broadcast %broadcast_in_dim3A_31 : f32 to vector<16xf32>
    %swap3A_33 = arith.constant 64 : index
    %swap3A_34 = tpu.vector_load %arg8[%swap3A_33] {strides = array<i32>} : memref<128xf32, #tpu.memory_space<vmem>>, vector<16xf32>,
    %swap3A_35 = vector.shape_cast %swap3A_34 : vector<16xf32> to vector<16xf32>
    %swap3A_36 = vector.shape_cast %broadcast_in_dim3A_32 : vector<16xf32> to vector<16xf32>
    tpu.vector_store %arg8[%swap3A_33], %swap3A_36 {strides = array<i32>} : memref<128xf32, #tpu.memory_space<vmem>>, vector<16xf32>,
    %broadcast_in_dim3A_37 = arith.constant 1.000000e+00 : f32
    %broadcast_in_dim3A_38 = vector.broadcast %broadcast_in_dim3A_37 : f32 to vector<16xf32>
    %swap3A_39 = arith.constant 80 : index
    %swap3A_40 = tpu.vector_load %arg8[%swap3A_39] {strides = array<i32>} : memref<128xf32, #tpu.memory_space<vmem>>, vector<16xf32>,
    %swap3A_41 = vector.shape_cast %swap3A_40 : vector<16xf32> to vector<16xf32>
    %swap3A_42 = vector.shape_cast %broadcast_in_dim3A_38 : vector<16xf32> to vector<16xf32>
    tpu.vector_store %arg8[%swap3A_39], %swap3A_42 {strides = array<i32>} : memref<128xf32, #tpu.memory_space<vmem>>, vector<16xf32>,
    %broadcast_in_dim3A_43 = arith.constant 1.000000e+00 : f32
    %broadcast_in_dim3A_44 = vector.broadcast %broadcast_in_dim3A_43 : f32 to vector<16xf32>
    %swap3A_45 = arith.constant 96 : index
    %swap3A_46 = tpu.vector_load %arg8[%swap3A_45] {strides = array<i32>} : memref<128xf32, #tpu.memory_space<vmem>>, vector<16xf32>,
    %swap3A_47 = vector.shape_cast %swap3A_46 : vector<16xf32> to vector<16xf32>
    %swap3A_48 = vector.shape_cast %broadcast_in_dim3A_44 : vector<16xf32> to vector<16xf32>
    tpu.vector_store %arg8[%swap3A_45], %swap3A_48 {strides = array<i32>} : memref<128xf32, #tpu.memory_space<vmem>>, vector<16xf32>,
    %broadcast_in_dim3A_49 = arith.constant 1.000000e+00 : f32
    %broadcast_in_dim3A_50 = vector.broadcast %broadcast_in_dim3A_49 : f32 to vector<16xf32>
    %swap3A_51 = arith.constant 112 : index
    %swap3A_52 = tpu.vector_load %arg8[%swap3A_51] {strides = array<i32>} : memref<128xf32, #tpu.memory_space<vmem>>, vector<16xf32>,
    %swap3A_53 = vector.shape_cast %swap3A_52 : vector<16xf32> to vector<16xf32>
    %swap3A_54 = vector.shape_cast %broadcast_in_dim3A_50 : vector<16xf32> to vector<16xf32>
    tpu.vector_store %arg8[%swap3A_51], %swap3A_54 {strides = array<i32>} : memref<128xf32, #tpu.memory_space<vmem>>, vector<16xf32>,
    %iota3A = tpu.iota {dimensions = array<i32: 0>} : vector<16xi32>
    %get3A = arith.constant 0 : index
    %get3A_55 = tpu.vector_load %arg6[%get3A] {strides = array<i32>} : memref<2048xi32, #tpu.memory_space<vmem>>, vector<16xi32>,
    %get3A_56 = vector.shape_cast %get3A_55 : vector<16xi32> to vector<16xi32>
    %mul3A_57 = arith.constant 256 : i32
    %mul3A_58 = vector.broadcast %mul3A_57 : i32 to vector<16xi32>
    %mul3A_59 = arith.muli %get3A_56, %mul3A_58 : vector<16xi32>
    %get3A_60 = arith.constant 0 : index
    %get3A_61 = tpu.vector_load %arg5[%get3A_60] {strides = array<i32>} : memref<2048xi32, #tpu.memory_space<vmem>>, vector<16xi32>,
    %get3A_62 = vector.shape_cast %get3A_61 : vector<16xi32> to vector<16xi32>
    %add3A_63 = arith.addi %mul3A_59, %get3A_62 : vector<16xi32>
    %swap3A_64 = arith.constant 0 : i32
    %swap3A_65 = arith.index_cast %swap3A_64 : i32 to index
    %swap3A_66 = arith.constant 0 : index
    %swap3A_67 = tpu.vector_load %arg7[%swap3A_65, %swap3A_66] {strides = array<i32>} : memref<16x128xi32, #tpu.memory_space<vmem>>, vector<1x16xi32>,
    %swap3A_68 = vector.shape_cast %swap3A_67 : vector<1x16xi32> to vector<16xi32>
    %swap3A_69 = vector.shape_cast %add3A_63 : vector<16xi32> to vector<1x16xi32>
    tpu.vector_store %arg7[%swap3A_65, %swap3A_66], %swap3A_69 {strides = array<i32>} : memref<16x128xi32, #tpu.memory_space<vmem>>, vector<1x16xi32>,
    %get3A_70 = arith.constant 16 : index
    %get3A_71 = tpu.vector_load %arg6[%get3A_70] {strides = array<i32>} : memref<2048xi32, #tpu.memory_space<vmem>>, vector<16xi32>,
    %get3A_72 = vector.shape_cast %get3A_71 : vector<16xi32> to vector<16xi32>
    %mul3A_73 = arith.constant 256 : i32
    %mul3A_74 = vector.broadcast %mul3A_73 : i32 to vector<16xi32>
    %mul3A_75 = arith.muli %get3A_72, %mul3A_74 : vector<16xi32>
    %get3A_76 = arith.constant 16 : index
    %get3A_77 = tpu.vector_load %arg5[%get3A_76] {strides = array<i32>} : memref<2048xi32, #tpu.memory_space<vmem>>, vector<16xi32>,
    %get3A_78 = vector.shape_cast %get3A_77 : vector<16xi32> to vector<16xi32>
    %add3A_79 = arith.addi %mul3A_75, %get3A_78 : vector<16xi32>
    %swap3A_80 = arith.constant 0 : i32
    %swap3A_81 = arith.index_cast %swap3A_80 : i32 to index
    %swap3A_82 = arith.constant 16 : index
    %swap3A_83 = tpu.vector_load %arg7[%swap3A_81, %swap3A_82] {strides = array<i32>} : memref<16x128xi32, #tpu.memory_space<vmem>>, vector<1x16xi32>,
    %swap3A_84 = vector.shape_cast %swap3A_83 : vector<1x16xi32> to vector<16xi32>
    %swap3A_85 = vector.shape_cast %add3A_79 : vector<16xi32> to vector<1x16xi32>
    tpu.vector_store %arg7[%swap3A_81, %swap3A_82], %swap3A_85 {strides = array<i32>} : memref<16x128xi32, #tpu.memory_space<vmem>>, vector<1x16xi32>,
    %get3A_86 = arith.constant 32 : index
    %get3A_87 = tpu.vector_load %arg6[%get3A_86] {strides = array<i32>} : memref<2048xi32, #tpu.memory_space<vmem>>, vector<16xi32>,
    %get3A_88 = vector.shape_cast %get3A_87 : vector<16xi32> to vector<16xi32>
    %mul3A_89 = arith.constant 256 : i32
    %mul3A_90 = vector.broadcast %mul3A_89 : i32 to vector<16xi32>
    %mul3A_91 = arith.muli %get3A_88, %mul3A_90 : vector<16xi32>
    %get3A_92 = arith.constant 32 : index
    %get3A_93 = tpu.vector_load %arg5[%get3A_92] {strides = array<i32>} : memref<2048xi32, #tpu.memory_space<vmem>>, vector<16xi32>,
    %get3A_94 = vector.shape_cast %get3A_93 : vector<16xi32> to vector<16xi32>
    %add3A_95 = arith.addi %mul3A_91, %get3A_94 : vector<16xi32>
    %swap3A_96 = arith.constant 0 : i32
    %swap3A_97 = arith.index_cast %swap3A_96 : i32 to index
    %swap3A_98 = arith.constant 32 : index
    %swap3A_99 = tpu.vector_load %arg7[%swap3A_97, %swap3A_98] {strides = array<i32>} : memref<16x128xi32, #tpu.memory_space<vmem>>, vector<1x16xi32>,
    %swap3A_100 = vector.shape_cast %swap3A_99 : vector<1x16xi32> to vector<16xi32>
    %swap3A_101 = vector.shape_cast %add3A_95 : vector<16xi32> to vector<1x16xi32>
    tpu.vector_store %arg7[%swap3A_97, %swap3A_98], %swap3A_101 {strides = array<i32>} : memref<16x128xi32, #tpu.memory_space<vmem>>, vector<1x16xi32>,
    %get3A_102 = arith.constant 48 : index
    %get3A_103 = tpu.vector_load %arg6[%get3A_102] {strides = array<i32>} : memref<2048xi32, #tpu.memory_space<vmem>>, vector<16xi32>,
    %get3A_104 = vector.shape_cast %get3A_103 : vector<16xi32> to vector<16xi32>
    %mul3A_105 = arith.constant 256 : i32
    %mul3A_106 = vector.broadcast %mul3A_105 : i32 to vector<16xi32>
    %mul3A_107 = arith.muli %get3A_104, %mul3A_106 : vector<16xi32>
    %get3A_108 = arith.constant 48 : index
    %get3A_109 = tpu.vector_load %arg5[%get3A_108] {strides = array<i32>} : memref<2048xi32, #tpu.memory_space<vmem>>, vector<16xi32>,
    %get3A_110 = vector.shape_cast %get3A_109 : vector<16xi32> to vector<16xi32>
    %add3A_111 = arith.addi %mul3A_107, %get3A_110 : vector<16xi32>
    %swap3A_112 = arith.constant 0 : i32
    %swap3A_113 = arith.index_cast %swap3A_112 : i32 to index
    %swap3A_114 = arith.constant 48 : index
    %swap3A_115 = tpu.vector_load %arg7[%swap3A_113, %swap3A_114] {strides = array<i32>} : memref<16x128xi32, #tpu.memory_space<vmem>>, vector<1x16xi32>,
    %swap3A_116 = vector.shape_cast %swap3A_115 : vector<1x16xi32> to vector<16xi32>
    %swap3A_117 = vector.shape_cast %add3A_111 : vector<16xi32> to vector<1x16xi32>
    tpu.vector_store %arg7[%swap3A_113, %swap3A_114], %swap3A_117 {strides = array<i32>} : memref<16x128xi32, #tpu.memory_space<vmem>>, vector<1x16xi32>,
    %get3A_118 = arith.constant 64 : index
    %get3A_119 = tpu.vector_load %arg6[%get3A_118] {strides = array<i32>} : memref<2048xi32, #tpu.memory_space<vmem>>, vector<16xi32>,
    %get3A_120 = vector.shape_cast %get3A_119 : vector<16xi32> to vector<16xi32>
    %mul3A_121 = arith.constant 256 : i32
    %mul3A_122 = vector.broadcast %mul3A_121 : i32 to vector<16xi32>
    %mul3A_123 = arith.muli %get3A_120, %mul3A_122 : vector<16xi32>
    %get3A_124 = arith.constant 64 : index
    %get3A_125 = tpu.vector_load %arg5[%get3A_124] {strides = array<i32>} : memref<2048xi32, #tpu.memory_space<vmem>>, vector<16xi32>,
    %get3A_126 = vector.shape_cast %get3A_125 : vector<16xi32> to vector<16xi32>
    %add3A_127 = arith.addi %mul3A_123, %get3A_126 : vector<16xi32>
    %swap3A_128 = arith.constant 0 : i32
    %swap3A_129 = arith.index_cast %swap3A_128 : i32 to index
    %swap3A_130 = arith.constant 64 : index
    %swap3A_131 = tpu.vector_load %arg7[%swap3A_129, %swap3A_130] {strides = array<i32>} : memref<16x128xi32, #tpu.memory_space<vmem>>, vector<1x16xi32>,
    %swap3A_132 = vector.shape_cast %swap3A_131 : vector<1x16xi32> to vector<16xi32>
    %swap3A_133 = vector.shape_cast %add3A_127 : vector<16xi32> to vector<1x16xi32>
    tpu.vector_store %arg7[%swap3A_129, %swap3A_130], %swap3A_133 {strides = array<i32>} : memref<16x128xi32, #tpu.memory_space<vmem>>, vector<1x16xi32>,
    %get3A_134 = arith.constant 80 : index
    %get3A_135 = tpu.vector_load %arg6[%get3A_134] {strides = array<i32>} : memref<2048xi32, #tpu.memory_space<vmem>>, vector<16xi32>,
    %get3A_136 = vector.shape_cast %get3A_135 : vector<16xi32> to vector<16xi32>
    %mul3A_137 = arith.constant 256 : i32
    %mul3A_138 = vector.broadcast %mul3A_137 : i32 to vector<16xi32>
    %mul3A_139 = arith.muli %get3A_136, %mul3A_138 : vector<16xi32>
    %get3A_140 = arith.constant 80 : index
    %get3A_141 = tpu.vector_load %arg5[%get3A_140] {strides = array<i32>} : memref<2048xi32, #tpu.memory_space<vmem>>, vector<16xi32>,
    %get3A_142 = vector.shape_cast %get3A_141 : vector<16xi32> to vector<16xi32>
    %add3A_143 = arith.addi %mul3A_139, %get3A_142 : vector<16xi32>
    %swap3A_144 = arith.constant 0 : i32
    %swap3A_145 = arith.index_cast %swap3A_144 : i32 to index
    %swap3A_146 = arith.constant 80 : index
    %swap3A_147 = tpu.vector_load %arg7[%swap3A_145, %swap3A_146] {strides = array<i32>} : memref<16x128xi32, #tpu.memory_space<vmem>>, vector<1x16xi32>,
    %swap3A_148 = vector.shape_cast %swap3A_147 : vector<1x16xi32> to vector<16xi32>
    %swap3A_149 = vector.shape_cast %add3A_143 : vector<16xi32> to vector<1x16xi32>
    tpu.vector_store %arg7[%swap3A_145, %swap3A_146], %swap3A_149 {strides = array<i32>} : memref<16x128xi32, #tpu.memory_space<vmem>>, vector<1x16xi32>,
    %get3A_150 = arith.constant 96 : index
    %get3A_151 = tpu.vector_load %arg6[%get3A_150] {strides = array<i32>} : memref<2048xi32, #tpu.memory_space<vmem>>, vector<16xi32>,
    %get3A_152 = vector.shape_cast %get3A_151 : vector<16xi32> to vector<16xi32>
    %mul3A_153 = arith.constant 256 : i32
    %mul3A_154 = vector.broadcast %mul3A_153 : i32 to vector<16xi32>
    %mul3A_155 = arith.muli %get3A_152, %mul3A_154 : vector<16xi32>
    %get3A_156 = arith.constant 96 : index
    %get3A_157 = tpu.vector_load %arg5[%get3A_156] {strides = array<i32>} : memref<2048xi32, #tpu.memory_space<vmem>>, vector<16xi32>,
    %get3A_158 = vector.shape_cast %get3A_157 : vector<16xi32> to vector<16xi32>
    %add3A_159 = arith.addi %mul3A_155, %get3A_158 : vector<16xi32>
    %swap3A_160 = arith.constant 0 : i32
    %swap3A_161 = arith.index_cast %swap3A_160 : i32 to index
    %swap3A_162 = arith.constant 96 : index
    %swap3A_163 = tpu.vector_load %arg7[%swap3A_161, %swap3A_162] {strides = array<i32>} : memref<16x128xi32, #tpu.memory_space<vmem>>, vector<1x16xi32>,
    %swap3A_164 = vector.shape_cast %swap3A_163 : vector<1x16xi32> to vector<16xi32>
    %swap3A_165 = vector.shape_cast %add3A_159 : vector<16xi32> to vector<1x16xi32>
    tpu.vector_store %arg7[%swap3A_161, %swap3A_162], %swap3A_165 {strides = array<i32>} : memref<16x128xi32, #tpu.memory_space<vmem>>, vector<1x16xi32>,
    %get3A_166 = arith.constant 112 : index
    %get3A_167 = tpu.vector_load %arg6[%get3A_166] {strides = array<i32>} : memref<2048xi32, #tpu.memory_space<vmem>>, vector<16xi32>,
    %get3A_168 = vector.shape_cast %get3A_167 : vector<16xi32> to vector<16xi32>
    %mul3A_169 = arith.constant 256 : i32
    %mul3A_170 = vector.broadcast %mul3A_169 : i32 to vector<16xi32>
    %mul3A_171 = arith.muli %get3A_168, %mul3A_170 : vector<16xi32>
    %get3A_172 = arith.constant 112 : index
    %get3A_173 = tpu.vector_load %arg5[%get3A_172] {strides = array<i32>} : memref<2048xi32, #tpu.memory_space<vmem>>, vector<16xi32>,
    %get3A_174 = vector.shape_cast %get3A_173 : vector<16xi32> to vector<16xi32>
    %add3A_175 = arith.addi %mul3A_171, %get3A_174 : vector<16xi32>
    %swap3A_176 = arith.constant 0 : i32
    %swap3A_177 = arith.index_cast %swap3A_176 : i32 to index
    %swap3A_178 = arith.constant 112 : index
    %swap3A_179 = tpu.vector_load %arg7[%swap3A_177, %swap3A_178] {strides = array<i32>} : memref<16x128xi32, #tpu.memory_space<vmem>>, vector<1x16xi32>,
    %swap3A_180 = vector.shape_cast %swap3A_179 : vector<1x16xi32> to vector<16xi32>
    %swap3A_181 = vector.shape_cast %add3A_175 : vector<16xi32> to vector<1x16xi32>
    tpu.vector_store %arg7[%swap3A_177, %swap3A_178], %swap3A_181 {strides = array<i32>} : memref<16x128xi32, #tpu.memory_space<vmem>>, vector<1x16xi32>,
    %get3A_182 = arith.constant 128 : index
    %get3A_183 = tpu.vector_load %arg6[%get3A_182] {strides = array<i32>} : memref<2048xi32, #tpu.memory_space<vmem>>, vector<16xi32>,
    %get3A_184 = vector.shape_cast %get3A_183 : vector<16xi32> to vector<16xi32>
    %mul3A_185 = arith.constant 256 : i32
    %mul3A_186 = vector.broadcast %mul3A_185 : i32 to vector<16xi32>
    %mul3A_187 = arith.muli %get3A_184, %mul3A_186 : vector<16xi32>
    %get3A_188 = arith.constant 128 : index
    %get3A_189 = tpu.vector_load %arg5[%get3A_188] {strides = array<i32>} : memref<2048xi32, #tpu.memory_space<vmem>>, vector<16xi32>,
    %get3A_190 = vector.shape_cast %get3A_189 : vector<16xi32> to vector<16xi32>
    %add3A_191 = arith.addi %mul3A_187, %get3A_190 : vector<16xi32>
    %swap3A_192 = arith.constant 1 : i32
    %swap3A_193 = arith.index_cast %swap3A_192 : i32 to index
    %swap3A_194 = arith.constant 0 : index
    %swap3A_195 = tpu.vector_load %arg7[%swap3A_193, %swap3A_194] {strides = array<i32>} : memref<16x128xi32, #tpu.memory_space<vmem>>, vector<1x16xi32>,
    %swap3A_196 = vector.shape_cast %swap3A_195 : vector<1x16xi32> to vector<16xi32>
    %swap3A_197 = vector.shape_cast %add3A_191 : vector<16xi32> to vector<1x16xi32>
    tpu.vector_store %arg7[%swap3A_193, %swap3A_194], %swap3A_197 {strides = array<i32>} : memref<16x128xi32, #tpu.memory_space<vmem>>, vector<1x16xi32>,
    %get3A_198 = arith.constant 144 : index
    %get3A_199 = tpu.vector_load %arg6[%get3A_198] {strides = array<i32>} : memref<2048xi32, #tpu.memory_space<vmem>>, vector<16xi32>,
    %get3A_200 = vector.shape_cast %get3A_199 : vector<16xi32> to vector<16xi32>
    %mul3A_201 = arith.constant 256 : i32
    %mul3A_202 = vector.broadcast %mul3A_201 : i32 to vector<16xi32>
    %mul3A_203 = arith.muli %get3A_200, %mul3A_202 : vector<16xi32>
    %get3A_204 = arith.constant 144 : index
    %get3A_205 = tpu.vector_load %arg5[%get3A_204] {strides = array<i32>} : memref<2048xi32, #tpu.memory_space<vmem>>, vector<16xi32>,
    %get3A_206 = vector.shape_cast %get3A_205 : vector<16xi32> to vector<16xi32>
    %add3A_207 = arith.addi %mul3A_203, %get3A_206 : vector<16xi32>
    %swap3A_208 = arith.constant 1 : i32
    %swap3A_209 = arith.index_cast %swap3A_208 : i32 to index
    %swap3A_210 = arith.constant 16 : index
    %swap3A_211 = tpu.vector_load %arg7[%swap3A_209, %swap3A_210] {strides = array<i32>} : memref<16x128xi32, #tpu.memory_space<vmem>>, vector<1x16xi32>,
    %swap3A_212 = vector.shape_cast %swap3A_211 : vector<1x16xi32> to vector<16xi32>
    %swap3A_213 = vector.shape_cast %add3A_207 : vector<16xi32> to vector<1x16xi32>
    tpu.vector_store %arg7[%swap3A_209, %swap3A_210], %swap3A_213 {strides = array<i32>} : memref<16x128xi32, #tpu.memory_space<vmem>>, vector<1x16xi32>,
    %get3A_214 = arith.constant 160 : index
    %get3A_215 = tpu.vector_load %arg6[%get3A_214] {strides = array<i32>} : memref<2048xi32, #tpu.memory_space<vmem>>, vector<16xi32>,
    %get3A_216 = vector.shape_cast %get3A_215 : vector<16xi32> to vector<16xi32>
    %mul3A_217 = arith.constant 256 : i32
    %mul3A_218 = vector.broadcast %mul3A_217 : i32 to vector<16xi32>
    %mul3A_219 = arith.muli %get3A_216, %mul3A_218 : vector<16xi32>
    %get3A_220 = arith.constant 160 : index
    %get3A_221 = tpu.vector_load %arg5[%get3A_220] {strides = array<i32>} : memref<2048xi32, #tpu.memory_space<vmem>>, vector<16xi32>,
    %get3A_222 = vector.shape_cast %get3A_221 : vector<16xi32> to vector<16xi32>
    %add3A_223 = arith.addi %mul3A_219, %get3A_222 : vector<16xi32>
    %swap3A_224 = arith.constant 1 : i32
    %swap3A_225 = arith.index_cast %swap3A_224 : i32 to index
    %swap3A_226 = arith.constant 32 : index
    %swap3A_227 = tpu.vector_load %arg7[%swap3A_225, %swap3A_226] {strides = array<i32>} : memref<16x128xi32, #tpu.memory_space<vmem>>, vector<1x16xi32>,
    %swap3A_228 = vector.shape_cast %swap3A_227 : vector<1x16xi32> to vector<16xi32>
    %swap3A_229 = vector.shape_cast %add3A_223 : vector<16xi32> to vector<1x16xi32>
    tpu.vector_store %arg7[%swap3A_225, %swap3A_226], %swap3A_229 {strides = array<i32>} : memref<16x128xi32, #tpu.memory_space<vmem>>, vector<1x16xi32>,
    %get3A_230 = arith.constant 176 : index
    %get3A_231 = tpu.vector_load %arg6[%get3A_230] {strides = array<i32>} : memref<2048xi32, #tpu.memory_space<vmem>>, vector<16xi32>,
    %get3A_232 = vector.shape_cast %get3A_231 : vector<16xi32> to vector<16xi32>
    %mul3A_233 = arith.constant 256 : i32
    %mul3A_234 = vector.broadcast %mul3A_233 : i32 to vector<16xi32>
    %mul3A_235 = arith.muli %get3A_232, %mul3A_234 : vector<16xi32>
    %get3A_236 = arith.constant 176 : index
    %get3A_237 = tpu.vector_load %arg5[%get3A_236] {strides = array<i32>} : memref<2048xi32, #tpu.memory_space<vmem>>, vector<16xi32>,
    %get3A_238 = vector.shape_cast %get3A_237 : vector<16xi32> to vector<16xi32>
    %add3A_239 = arith.addi %mul3A_235, %get3A_238 : vector<16xi32>
    %swap3A_240 = arith.constant 1 : i32
    %swap3A_241 = arith.index_cast %swap3A_240 : i32 to index
    %swap3A_242 = arith.constant 48 : index
    %swap3A_243 = tpu.vector_load %arg7[%swap3A_241, %swap3A_242] {strides = array<i32>} : memref<16x128xi32, #tpu.memory_space<vmem>>, vector<1x16xi32>,
    %swap3A_244 = vector.shape_cast %swap3A_243 : vector<1x16xi32> to vector<16xi32>
    %swap3A_245 = vector.shape_cast %add3A_239 : vector<16xi32> to vector<1x16xi32>
    tpu.vector_store %arg7[%swap3A_241, %swap3A_242], %swap3A_245 {strides = array<i32>} : memref<16x128xi32, #tpu.memory_space<vmem>>, vector<1x16xi32>,
    %get3A_246 = arith.constant 192 : index
    %get3A_247 = tpu.vector_load %arg6[%get3A_246] {strides = array<i32>} : memref<2048xi32, #tpu.memory_space<vmem>>, vector<16xi32>,
    %get3A_248 = vector.shape_cast %get3A_247 : vector<16xi32> to vector<16xi32>
    %mul3A_249 = arith.constant 256 : i32
    %mul3A_250 = vector.broadcast %mul3A_249 : i32 to vector<16xi32>
    %mul3A_251 = arith.muli %get3A_248, %mul3A_250 : vector<16xi32>
    %get3A_252 = arith.constant 192 : index
    %get3A_253 = tpu.vector_load %arg5[%get3A_252] {strides = array<i32>} : memref<2048xi32, #tpu.memory_space<vmem>>, vector<16xi32>,
    %get3A_254 = vector.shape_cast %get3A_253 : vector<16xi32> to vector<16xi32>
    %add3A_255 = arith.addi %mul3A_251, %get3A_254 : vector<16xi32>
    %swap3A_256 = arith.constant 1 : i32
    %swap3A_257 = arith.index_cast %swap3A_256 : i32 to index
    %swap3A_258 = arith.constant 64 : index
    %swap3A_259 = tpu.vector_load %arg7[%swap3A_257, %swap3A_258] {strides = array<i32>} : memref<16x128xi32, #tpu.memory_space<vmem>>, vector<1x16xi32>,
    %swap3A_260 = vector.shape_cast %swap3A_259 : vector<1x16xi32> to vector<16xi32>
    %swap3A_261 = vector.shape_cast %add3A_255 : vector<16xi32> to vector<1x16xi32>
    tpu.vector_store %arg7[%swap3A_257, %swap3A_258], %swap3A_261 {strides = array<i32>} : memref<16x128xi32, #tpu.memory_space<vmem>>, vector<1x16xi32>,
    %get3A_262 = arith.constant 208 : index
    %get3A_263 = tpu.vector_load %arg6[%get3A_262] {strides = array<i32>} : memref<2048xi32, #tpu.memory_space<vmem>>, vector<16xi32>,
    %get3A_264 = vector.shape_cast %get3A_263 : vector<16xi32> to vector<16xi32>
    %mul3A_265 = arith.constant 256 : i32
    %mul3A_266 = vector.broadcast %mul3A_265 : i32 to vector<16xi32>
    %mul3A_267 = arith.muli %get3A_264, %mul3A_266 : vector<16xi32>
    %get3A_268 = arith.constant 208 : index
    %get3A_269 = tpu.vector_load %arg5[%get3A_268] {strides = array<i32>} : memref<2048xi32, #tpu.memory_space<vmem>>, vector<16xi32>,
    %get3A_270 = vector.shape_cast %get3A_269 : vector<16xi32> to vector<16xi32>
    %add3A_271 = arith.addi %mul3A_267, %get3A_270 : vector<16xi32>
    %swap3A_272 = arith.constant 1 : i32
    %swap3A_273 = arith.index_cast %swap3A_272 : i32 to index
    %swap3A_274 = arith.constant 80 : index
    %swap3A_275 = tpu.vector_load %arg7[%swap3A_273, %swap3A_274] {strides = array<i32>} : memref<16x128xi32, #tpu.memory_space<vmem>>, vector<1x16xi32>,
    %swap3A_276 = vector.shape_cast %swap3A_275 : vector<1x16xi32> to vector<16xi32>
    %swap3A_277 = vector.shape_cast %add3A_271 : vector<16xi32> to vector<1x16xi32>
    tpu.vector_store %arg7[%swap3A_273, %swap3A_274], %swap3A_277 {strides = array<i32>} : memref<16x128xi32, #tpu.memory_space<vmem>>, vector<1x16xi32>,
    %get3A_278 = arith.constant 224 : index
    %get3A_279 = tpu.vector_load %arg6[%get3A_278] {strides = array<i32>} : memref<2048xi32, #tpu.memory_space<vmem>>, vector<16xi32>,
    %get3A_280 = vector.shape_cast %get3A_279 : vector<16xi32> to vector<16xi32>
    %mul3A_281 = arith.constant 256 : i32
    %mul3A_282 = vector.broadcast %mul3A_281 : i32 to vector<16xi32>
    %mul3A_283 = arith.muli %get3A_280, %mul3A_282 : vector<16xi32>
    %get3A_284 = arith.constant 224 : index
    %get3A_285 = tpu.vector_load %arg5[%get3A_284] {strides = array<i32>} : memref<2048xi32, #tpu.memory_space<vmem>>, vector<16xi32>,
    %get3A_286 = vector.shape_cast %get3A_285 : vector<16xi32> to vector<16xi32>
    %add3A_287 = arith.addi %mul3A_283, %get3A_286 : vector<16xi32>
    %swap3A_288 = arith.constant 1 : i32
    %swap3A_289 = arith.index_cast %swap3A_288 : i32 to index
    %swap3A_290 = arith.constant 96 : index
    %swap3A_291 = tpu.vector_load %arg7[%swap3A_289, %swap3A_290] {strides = array<i32>} : memref<16x128xi32, #tpu.memory_space<vmem>>, vector<1x16xi32>,
    %swap3A_292 = vector.shape_cast %swap3A_291 : vector<1x16xi32> to vector<16xi32>
    %swap3A_293 = vector.shape_cast %add3A_287 : vector<16xi32> to vector<1x16xi32>
    tpu.vector_store %arg7[%swap3A_289, %swap3A_290], %swap3A_293 {strides = array<i32>} : memref<16x128xi32, #tpu.memory_space<vmem>>, vector<1x16xi32>,
    %get3A_294 = arith.constant 240 : index
    %get3A_295 = tpu.vector_load %arg6[%get3A_294] {strides = array<i32>} : memref<2048xi32, #tpu.memory_space<vmem>>, vector<16xi32>,
    %get3A_296 = vector.shape_cast %get3A_295 : vector<16xi32> to vector<16xi32>
    %mul3A_297 = arith.constant 256 : i32
    %mul3A_298 = vector.broadcast %mul3A_297 : i32 to vector<16xi32>
    %mul3A_299 = arith.muli %get3A_296, %mul3A_298 : vector<16xi32>
    %get3A_300 = arith.constant 240 : index
    %get3A_301 = tpu.vector_load %arg5[%get3A_300] {strides = array<i32>} : memref<2048xi32, #tpu.memory_space<vmem>>, vector<16xi32>,
    %get3A_302 = vector.shape_cast %get3A_301 : vector<16xi32> to vector<16xi32>
    %add3A_303 = arith.addi %mul3A_299, %get3A_302 : vector<16xi32>
    %swap3A_304 = arith.constant 1 : i32
    %swap3A_305 = arith.index_cast %swap3A_304 : i32 to index
    %swap3A_306 = arith.constant 112 : index
    %swap3A_307 = tpu.vector_load %arg7[%swap3A_305, %swap3A_306] {strides = array<i32>} : memref<16x128xi32, #tpu.memory_space<vmem>>, vector<1x16xi32>,
    %swap3A_308 = vector.shape_cast %swap3A_307 : vector<1x16xi32> to vector<16xi32>
    %swap3A_309 = vector.shape_cast %add3A_303 : vector<16xi32> to vector<1x16xi32>
    tpu.vector_store %arg7[%swap3A_305, %swap3A_306], %swap3A_309 {strides = array<i32>} : memref<16x128xi32, #tpu.memory_space<vmem>>, vector<1x16xi32>,
    %get3A_310 = arith.constant 256 : index
    %get3A_311 = tpu.vector_load %arg6[%get3A_310] {strides = array<i32>} : memref<2048xi32, #tpu.memory_space<vmem>>, vector<16xi32>,
    %get3A_312 = vector.shape_cast %get3A_311 : vector<16xi32> to vector<16xi32>
    %mul3A_313 = arith.constant 256 : i32
    %mul3A_314 = vector.broadcast %mul3A_313 : i32 to vector<16xi32>
    %mul3A_315 = arith.muli %get3A_312, %mul3A_314 : vector<16xi32>
    %get3A_316 = arith.constant 256 : index
    %get3A_317 = tpu.vector_load %arg5[%get3A_316] {strides = array<i32>} : memref<2048xi32, #tpu.memory_space<vmem>>, vector<16xi32>,
    %get3A_318 = vector.shape_cast %get3A_317 : vector<16xi32> to vector<16xi32>
    %add3A_319 = arith.addi %mul3A_315, %get3A_318 : vector<16xi32>
    %swap3A_320 = arith.constant 2 : i32
    %swap3A_321 = arith.index_cast %swap3A_320 : i32 to index
    %swap3A_322 = arith.constant 0 : index
    %swap3A_323 = tpu.vector_load %arg7[%swap3A_321, %swap3A_322] {strides = array<i32>} : memref<16x128xi32, #tpu.memory_space<vmem>>, vector<1x16xi32>,
    %swap3A_324 = vector.shape_cast %swap3A_323 : vector<1x16xi32> to vector<16xi32>
    %swap3A_325 = vector.shape_cast %add3A_319 : vector<16xi32> to vector<1x16xi32>
    tpu.vector_store %arg7[%swap3A_321, %swap3A_322], %swap3A_325 {strides = array<i32>} : memref<16x128xi32, #tpu.memory_space<vmem>>, vector<1x16xi32>,
    %get3A_326 = arith.constant 272 : index
    %get3A_327 = tpu.vector_load %arg6[%get3A_326] {strides = array<i32>} : memref<2048xi32, #tpu.memory_space<vmem>>, vector<16xi32>,
    %get3A_328 = vector.shape_cast %get3A_327 : vector<16xi32> to vector<16xi32>
    %mul3A_329 = arith.constant 256 : i32
    %mul3A_330 = vector.broadcast %mul3A_329 : i32 to vector<16xi32>
    %mul3A_331 = arith.muli %get3A_328, %mul3A_330 : vector<16xi32>
    %get3A_332 = arith.constant 272 : index
    %get3A_333 = tpu.vector_load %arg5[%get3A_332] {strides = array<i32>} : memref<2048xi32, #tpu.memory_space<vmem>>, vector<16xi32>,
    %get3A_334 = vector.shape_cast %get3A_333 : vector<16xi32> to vector<16xi32>
    %add3A_335 = arith.addi %mul3A_331, %get3A_334 : vector<16xi32>
    %swap3A_336 = arith.constant 2 : i32
    %swap3A_337 = arith.index_cast %swap3A_336 : i32 to index
    %swap3A_338 = arith.constant 16 : index
    %swap3A_339 = tpu.vector_load %arg7[%swap3A_337, %swap3A_338] {strides = array<i32>} : memref<16x128xi32, #tpu.memory_space<vmem>>, vector<1x16xi32>,
    %swap3A_340 = vector.shape_cast %swap3A_339 : vector<1x16xi32> to vector<16xi32>
    %swap3A_341 = vector.shape_cast %add3A_335 : vector<16xi32> to vector<1x16xi32>
    tpu.vector_store %arg7[%swap3A_337, %swap3A_338], %swap3A_341 {strides = array<i32>} : memref<16x128xi32, #tpu.memory_space<vmem>>, vector<1x16xi32>,
    %get3A_342 = arith.constant 288 : index
    %get3A_343 = tpu.vector_load %arg6[%get3A_342] {strides = array<i32>} : memref<2048xi32, #tpu.memory_space<vmem>>, vector<16xi32>,
    %get3A_344 = vector.shape_cast %get3A_343 : vector<16xi32> to vector<16xi32>
    %mul3A_345 = arith.constant 256 : i32
    %mul3A_346 = vector.broadcast %mul3A_345 : i32 to vector<16xi32>
    %mul3A_347 = arith.muli %get3A_344, %mul3A_346 : vector<16xi32>
    %get3A_348 = arith.constant 288 : index
    %get3A_349 = tpu.vector_load %arg5[%get3A_348] {strides = array<i32>} : memref<2048xi32, #tpu.memory_space<vmem>>, vector<16xi32>,
    %get3A_350 = vector.shape_cast %get3A_349 : vector<16xi32> to vector<16xi32>
    %add3A_351 = arith.addi %mul3A_347, %get3A_350 : vector<16xi32>
    %swap3A_352 = arith.constant 2 : i32
    %swap3A_353 = arith.index_cast %swap3A_352 : i32 to index
    %swap3A_354 = arith.constant 32 : index
    %swap3A_355 = tpu.vector_load %arg7[%swap3A_353, %swap3A_354] {strides = array<i32>} : memref<16x128xi32, #tpu.memory_space<vmem>>, vector<1x16xi32>,
    %swap3A_356 = vector.shape_cast %swap3A_355 : vector<1x16xi32> to vector<16xi32>
    %swap3A_357 = vector.shape_cast %add3A_351 : vector<16xi32> to vector<1x16xi32>
    tpu.vector_store %arg7[%swap3A_353, %swap3A_354], %swap3A_357 {strides = array<i32>} : memref<16x128xi32, #tpu.memory_space<vmem>>, vector<1x16xi32>,
    %get3A_358 = arith.constant 304 : index
    %get3A_359 = tpu.vector_load %arg6[%get3A_358] {strides = array<i32>} : memref<2048xi32, #tpu.memory_space<vmem>>, vector<16xi32>,
    %get3A_360 = vector.shape_cast %get3A_359 : vector<16xi32> to vector<16xi32>
    %mul3A_361 = arith.constant 256 : i32
    %mul3A_362 = vector.broadcast %mul3A_361 : i32 to vector<16xi32>
    %mul3A_363 = arith.muli %get3A_360, %mul3A_362 : vector<16xi32>
    %get3A_364 = arith.constant 304 : index
    %get3A_365 = tpu.vector_load %arg5[%get3A_364] {strides = array<i32>} : memref<2048xi32, #tpu.memory_space<vmem>>, vector<16xi32>,
    %get3A_366 = vector.shape_cast %get3A_365 : vector<16xi32> to vector<16xi32>
    %add3A_367 = arith.addi %mul3A_363, %get3A_366 : vector<16xi32>
    %swap3A_368 = arith.constant 2 : i32
    %swap3A_369 = arith.index_cast %swap3A_368 : i32 to index
    %swap3A_370 = arith.constant 48 : index
    %swap3A_371 = tpu.vector_load %arg7[%swap3A_369, %swap3A_370] {strides = array<i32>} : memref<16x128xi32, #tpu.memory_space<vmem>>, vector<1x16xi32>,
    %swap3A_372 = vector.shape_cast %swap3A_371 : vector<1x16xi32> to vector<16xi32>
    %swap3A_373 = vector.shape_cast %add3A_367 : vector<16xi32> to vector<1x16xi32>
    tpu.vector_store %arg7[%swap3A_369, %swap3A_370], %swap3A_373 {strides = array<i32>} : memref<16x128xi32, #tpu.memory_space<vmem>>, vector<1x16xi32>,
    %get3A_374 = arith.constant 320 : index
    %get3A_375 = tpu.vector_load %arg6[%get3A_374] {strides = array<i32>} : memref<2048xi32, #tpu.memory_space<vmem>>, vector<16xi32>,
    %get3A_376 = vector.shape_cast %get3A_375 : vector<16xi32> to vector<16xi32>
    %mul3A_377 = arith.constant 256 : i32
    %mul3A_378 = vector.broadcast %mul3A_377 : i32 to vector<16xi32>
    %mul3A_379 = arith.muli %get3A_376, %mul3A_378 : vector<16xi32>
    %get3A_380 = arith.constant 320 : index
    %get3A_381 = tpu.vector_load %arg5[%get3A_380] {strides = array<i32>} : memref<2048xi32, #tpu.memory_space<vmem>>, vector<16xi32>,
    %get3A_382 = vector.shape_cast %get3A_381 : vector<16xi32> to vector<16xi32>
    %add3A_383 = arith.addi %mul3A_379, %get3A_382 : vector<16xi32>
    %swap3A_384 = arith.constant 2 : i32
    %swap3A_385 = arith.index_cast %swap3A_384 : i32 to index
    %swap3A_386 = arith.constant 64 : index
    %swap3A_387 = tpu.vector_load %arg7[%swap3A_385, %swap3A_386] {strides = array<i32>} : memref<16x128xi32, #tpu.memory_space<vmem>>, vector<1x16xi32>,
    %swap3A_388 = vector.shape_cast %swap3A_387 : vector<1x16xi32> to vector<16xi32>
    %swap3A_389 = vector.shape_cast %add3A_383 : vector<16xi32> to vector<1x16xi32>
    tpu.vector_store %arg7[%swap3A_385, %swap3A_386], %swap3A_389 {strides = array<i32>} : memref<16x128xi32, #tpu.memory_space<vmem>>, vector<1x16xi32>,
    %get3A_390 = arith.constant 336 : index
    %get3A_391 = tpu.vector_load %arg6[%get3A_390] {strides = array<i32>} : memref<2048xi32, #tpu.memory_space<vmem>>, vector<16xi32>,
    %get3A_392 = vector.shape_cast %get3A_391 : vector<16xi32> to vector<16xi32>
    %mul3A_393 = arith.constant 256 : i32
    %mul3A_394 = vector.broadcast %mul3A_393 : i32 to vector<16xi32>
    %mul3A_395 = arith.muli %get3A_392, %mul3A_394 : vector<16xi32>
    %get3A_396 = arith.constant 336 : index
    %get3A_397 = tpu.vector_load %arg5[%get3A_396] {strides = array<i32>} : memref<2048xi32, #tpu.memory_space<vmem>>, vector<16xi32>,
    %get3A_398 = vector.shape_cast %get3A_397 : vector<16xi32> to vector<16xi32>
    %add3A_399 = arith.addi %mul3A_395, %get3A_398 : vector<16xi32>
    %swap3A_400 = arith.constant 2 : i32
    %swap3A_401 = arith.index_cast %swap3A_400 : i32 to index
    %swap3A_402 = arith.constant 80 : index
    %swap3A_403 = tpu.vector_load %arg7[%swap3A_401, %swap3A_402] {strides = array<i32>} : memref<16x128xi32, #tpu.memory_space<vmem>>, vector<1x16xi32>,
    %swap3A_404 = vector.shape_cast %swap3A_403 : vector<1x16xi32> to vector<16xi32>
    %swap3A_405 = vector.shape_cast %add3A_399 : vector<16xi32> to vector<1x16xi32>
    tpu.vector_store %arg7[%swap3A_401, %swap3A_402], %swap3A_405 {strides = array<i32>} : memref<16x128xi32, #tpu.memory_space<vmem>>, vector<1x16xi32>,
    %get3A_406 = arith.constant 352 : index
    %get3A_407 = tpu.vector_load %arg6[%get3A_406] {strides = array<i32>} : memref<2048xi32, #tpu.memory_space<vmem>>, vector<16xi32>,
    %get3A_408 = vector.shape_cast %get3A_407 : vector<16xi32> to vector<16xi32>
    %mul3A_409 = arith.constant 256 : i32
    %mul3A_410 = vector.broadcast %mul3A_409 : i32 to vector<16xi32>
    %mul3A_411 = arith.muli %get3A_408, %mul3A_410 : vector<16xi32>
    %get3A_412 = arith.constant 352 : index
    %get3A_413 = tpu.vector_load %arg5[%get3A_412] {strides = array<i32>} : memref<2048xi32, #tpu.memory_space<vmem>>, vector<16xi32>,
    %get3A_414 = vector.shape_cast %get3A_413 : vector<16xi32> to vector<16xi32>
    %add3A_415 = arith.addi %mul3A_411, %get3A_414 : vector<16xi32>
    %swap3A_416 = arith.constant 2 : i32
    %swap3A_417 = arith.index_cast %swap3A_416 : i32 to index
    %swap3A_418 = arith.constant 96 : index
    %swap3A_419 = tpu.vector_load %arg7[%swap3A_417, %swap3A_418] {strides = array<i32>} : memref<16x128xi32, #tpu.memory_space<vmem>>, vector<1x16xi32>,
    %swap3A_420 = vector.shape_cast %swap3A_419 : vector<1x16xi32> to vector<16xi32>
    %swap3A_421 = vector.shape_cast %add3A_415 : vector<16xi32> to vector<1x16xi32>
    tpu.vector_store %arg7[%swap3A_417, %swap3A_418], %swap3A_421 {strides = array<i32>} : memref<16x128xi32, #tpu.memory_space<vmem>>, vector<1x16xi32>,
    %get3A_422 = arith.constant 368 : index
    %get3A_423 = tpu.vector_load %arg6[%get3A_422] {strides = array<i32>} : memref<2048xi32, #tpu.memory_space<vmem>>, vector<16xi32>,
    %get3A_424 = vector.shape_cast %get3A_423 : vector<16xi32> to vector<16xi32>
    %mul3A_425 = arith.constant 256 : i32
    %mul3A_426 = vector.broadcast %mul3A_425 : i32 to vector<16xi32>
    %mul3A_427 = arith.muli %get3A_424, %mul3A_426 : vector<16xi32>
    %get3A_428 = arith.constant 368 : index
    %get3A_429 = tpu.vector_load %arg5[%get3A_428] {strides = array<i32>} : memref<2048xi32, #tpu.memory_space<vmem>>, vector<16xi32>,
    %get3A_430 = vector.shape_cast %get3A_429 : vector<16xi32> to vector<16xi32>
    %add3A_431 = arith.addi %mul3A_427, %get3A_430 : vector<16xi32>
    %swap3A_432 = arith.constant 2 : i32
    %swap3A_433 = arith.index_cast %swap3A_432 : i32 to index
    %swap3A_434 = arith.constant 112 : index
    %swap3A_435 = tpu.vector_load %arg7[%swap3A_433, %swap3A_434] {strides = array<i32>} : memref<16x128xi32, #tpu.memory_space<vmem>>, vector<1x16xi32>,
    %swap3A_436 = vector.shape_cast %swap3A_435 : vector<1x16xi32> to vector<16xi32>
    %swap3A_437 = vector.shape_cast %add3A_431 : vector<16xi32> to vector<1x16xi32>
    tpu.vector_store %arg7[%swap3A_433, %swap3A_434], %swap3A_437 {strides = array<i32>} : memref<16x128xi32, #tpu.memory_space<vmem>>, vector<1x16xi32>,
    %get3A_438 = arith.constant 384 : index
    %get3A_439 = tpu.vector_load %arg6[%get3A_438] {strides = array<i32>} : memref<2048xi32, #tpu.memory_space<vmem>>, vector<16xi32>,
    %get3A_440 = vector.shape_cast %get3A_439 : vector<16xi32> to vector<16xi32>
    %mul3A_441 = arith.constant 256 : i32
    %mul3A_442 = vector.broadcast %mul3A_441 : i32 to vector<16xi32>
    %mul3A_443 = arith.muli %get3A_440, %mul3A_442 : vector<16xi32>
    %get3A_444 = arith.constant 384 : index
    %get3A_445 = tpu.vector_load %arg5[%get3A_444] {strides = array<i32>} : memref<2048xi32, #tpu.memory_space<vmem>>, vector<16xi32>,
    %get3A_446 = vector.shape_cast %get3A_445 : vector<16xi32> to vector<16xi32>
    %add3A_447 = arith.addi %mul3A_443, %get3A_446 : vector<16xi32>
    %swap3A_448 = arith.constant 3 : i32
    %swap3A_449 = arith.index_cast %swap3A_448 : i32 to index
    %swap3A_450 = arith.constant 0 : index
    %swap3A_451 = tpu.vector_load %arg7[%swap3A_449, %swap3A_450] {strides = array<i32>} : memref<16x128xi32, #tpu.memory_space<vmem>>, vector<1x16xi32>,
    %swap3A_452 = vector.shape_cast %swap3A_451 : vector<1x16xi32> to vector<16xi32>
    %swap3A_453 = vector.shape_cast %add3A_447 : vector<16xi32> to vector<1x16xi32>
    tpu.vector_store %arg7[%swap3A_449, %swap3A_450], %swap3A_453 {strides = array<i32>} : memref<16x128xi32, #tpu.memory_space<vmem>>, vector<1x16xi32>,
    %get3A_454 = arith.constant 400 : index
    %get3A_455 = tpu.vector_load %arg6[%get3A_454] {strides = array<i32>} : memref<2048xi32, #tpu.memory_space<vmem>>, vector<16xi32>,
    %get3A_456 = vector.shape_cast %get3A_455 : vector<16xi32> to vector<16xi32>
    %mul3A_457 = arith.constant 256 : i32
    %mul3A_458 = vector.broadcast %mul3A_457 : i32 to vector<16xi32>
    %mul3A_459 = arith.muli %get3A_456, %mul3A_458 : vector<16xi32>
    %get3A_460 = arith.constant 400 : index
    %get3A_461 = tpu.vector_load %arg5[%get3A_460] {strides = array<i32>} : memref<2048xi32, #tpu.memory_space<vmem>>, vector<16xi32>,
    %get3A_462 = vector.shape_cast %get3A_461 : vector<16xi32> to vector<16xi32>
    %add3A_463 = arith.addi %mul3A_459, %get3A_462 : vector<16xi32>
    %swap3A_464 = arith.constant 3 : i32
    %swap3A_465 = arith.index_cast %swap3A_464 : i32 to index
    %swap3A_466 = arith.constant 16 : index
    %swap3A_467 = tpu.vector_load %arg7[%swap3A_465, %swap3A_466] {strides = array<i32>} : memref<16x128xi32, #tpu.memory_space<vmem>>, vector<1x16xi32>,
    %swap3A_468 = vector.shape_cast %swap3A_467 : vector<1x16xi32> to vector<16xi32>
    %swap3A_469 = vector.shape_cast %add3A_463 : vector<16xi32> to vector<1x16xi32>
    tpu.vector_store %arg7[%swap3A_465, %swap3A_466], %swap3A_469 {strides = array<i32>} : memref<16x128xi32, #tpu.memory_space<vmem>>, vector<1x16xi32>,
    %get3A_470 = arith.constant 416 : index
    %get3A_471 = tpu.vector_load %arg6[%get3A_470] {strides = array<i32>} : memref<2048xi32, #tpu.memory_space<vmem>>, vector<16xi32>,
    %get3A_472 = vector.shape_cast %get3A_471 : vector<16xi32> to vector<16xi32>
    %mul3A_473 = arith.constant 256 : i32
    %mul3A_474 = vector.broadcast %mul3A_473 : i32 to vector<16xi32>
    %mul3A_475 = arith.muli %get3A_472, %mul3A_474 : vector<16xi32>
    %get3A_476 = arith.constant 416 : index
    %get3A_477 = tpu.vector_load %arg5[%get3A_476] {strides = array<i32>} : memref<2048xi32, #tpu.memory_space<vmem>>, vector<16xi32>,
    %get3A_478 = vector.shape_cast %get3A_477 : vector<16xi32> to vector<16xi32>
    %add3A_479 = arith.addi %mul3A_475, %get3A_478 : vector<16xi32>
    %swap3A_480 = arith.constant 3 : i32
    %swap3A_481 = arith.index_cast %swap3A_480 : i32 to index
    %swap3A_482 = arith.constant 32 : index
    %swap3A_483 = tpu.vector_load %arg7[%swap3A_481, %swap3A_482] {strides = array<i32>} : memref<16x128xi32, #tpu.memory_space<vmem>>, vector<1x16xi32>,
    %swap3A_484 = vector.shape_cast %swap3A_483 : vector<1x16xi32> to vector<16xi32>
    %swap3A_485 = vector.shape_cast %add3A_479 : vector<16xi32> to vector<1x16xi32>
    tpu.vector_store %arg7[%swap3A_481, %swap3A_482], %swap3A_485 {strides = array<i32>} : memref<16x128xi32, #tpu.memory_space<vmem>>, vector<1x16xi32>,
    %get3A_486 = arith.constant 432 : index
    %get3A_487 = tpu.vector_load %arg6[%get3A_486] {strides = array<i32>} : memref<2048xi32, #tpu.memory_space<vmem>>, vector<16xi32>,
    %get3A_488 = vector.shape_cast %get3A_487 : vector<16xi32> to vector<16xi32>
    %mul3A_489 = arith.constant 256 : i32
    %mul3A_490 = vector.broadcast %mul3A_489 : i32 to vector<16xi32>
    %mul3A_491 = arith.muli %get3A_488, %mul3A_490 : vector<16xi32>
    %get3A_492 = arith.constant 432 : index
    %get3A_493 = tpu.vector_load %arg5[%get3A_492] {strides = array<i32>} : memref<2048xi32, #tpu.memory_space<vmem>>, vector<16xi32>,
    %get3A_494 = vector.shape_cast %get3A_493 : vector<16xi32> to vector<16xi32>
    %add3A_495 = arith.addi %mul3A_491, %get3A_494 : vector<16xi32>
    %swap3A_496 = arith.constant 3 : i32
    %swap3A_497 = arith.index_cast %swap3A_496 : i32 to index
    %swap3A_498 = arith.constant 48 : index
    %swap3A_499 = tpu.vector_load %arg7[%swap3A_497, %swap3A_498] {strides = array<i32>} : memref<16x128xi32, #tpu.memory_space<vmem>>, vector<1x16xi32>,
    %swap3A_500 = vector.shape_cast %swap3A_499 : vector<1x16xi32> to vector<16xi32>
    %swap3A_501 = vector.shape_cast %add3A_495 : vector<16xi32> to vector<1x16xi32>
    tpu.vector_store %arg7[%swap3A_497, %swap3A_498], %swap3A_501 {strides = array<i32>} : memref<16x128xi32, #tpu.memory_space<vmem>>, vector<1x16xi32>,
    %get3A_502 = arith.constant 448 : index
    %get3A_503 = tpu.vector_load %arg6[%get3A_502] {strides = array<i32>} : memref<2048xi32, #tpu.memory_space<vmem>>, vector<16xi32>,
    %get3A_504 = vector.shape_cast %get3A_503 : vector<16xi32> to vector<16xi32>
    %mul3A_505 = arith.constant 256 : i32
    %mul3A_506 = vector.broadcast %mul3A_505 : i32 to vector<16xi32>
    %mul3A_507 = arith.muli %get3A_504, %mul3A_506 : vector<16xi32>
    %get3A_508 = arith.constant 448 : index
    %get3A_509 = tpu.vector_load %arg5[%get3A_508] {strides = array<i32>} : memref<2048xi32, #tpu.memory_space<vmem>>, vector<16xi32>,
    %get3A_510 = vector.shape_cast %get3A_509 : vector<16xi32> to vector<16xi32>
    %add3A_511 = arith.addi %mul3A_507, %get3A_510 : vector<16xi32>
    %swap3A_512 = arith.constant 3 : i32
    %swap3A_513 = arith.index_cast %swap3A_512 : i32 to index
    %swap3A_514 = arith.constant 64 : index
    %swap3A_515 = tpu.vector_load %arg7[%swap3A_513, %swap3A_514] {strides = array<i32>} : memref<16x128xi32, #tpu.memory_space<vmem>>, vector<1x16xi32>,
    %swap3A_516 = vector.shape_cast %swap3A_515 : vector<1x16xi32> to vector<16xi32>
    %swap3A_517 = vector.shape_cast %add3A_511 : vector<16xi32> to vector<1x16xi32>
    tpu.vector_store %arg7[%swap3A_513, %swap3A_514], %swap3A_517 {strides = array<i32>} : memref<16x128xi32, #tpu.memory_space<vmem>>, vector<1x16xi32>,
    %get3A_518 = arith.constant 464 : index
    %get3A_519 = tpu.vector_load %arg6[%get3A_518] {strides = array<i32>} : memref<2048xi32, #tpu.memory_space<vmem>>, vector<16xi32>,
    %get3A_520 = vector.shape_cast %get3A_519 : vector<16xi32> to vector<16xi32>
    %mul3A_521 = arith.constant 256 : i32
    %mul3A_522 = vector.broadcast %mul3A_521 : i32 to vector<16xi32>
    %mul3A_523 = arith.muli %get3A_520, %mul3A_522 : vector<16xi32>
    %get3A_524 = arith.constant 464 : index
    %get3A_525 = tpu.vector_load %arg5[%get3A_524] {strides = array<i32>} : memref<2048xi32, #tpu.memory_space<vmem>>, vector<16xi32>,
    %get3A_526 = vector.shape_cast %get3A_525 : vector<16xi32> to vector<16xi32>
    %add3A_527 = arith.addi %mul3A_523, %get3A_526 : vector<16xi32>
    %swap3A_528 = arith.constant 3 : i32
    %swap3A_529 = arith.index_cast %swap3A_528 : i32 to index
    %swap3A_530 = arith.constant 80 : index
    %swap3A_531 = tpu.vector_load %arg7[%swap3A_529, %swap3A_530] {strides = array<i32>} : memref<16x128xi32, #tpu.memory_space<vmem>>, vector<1x16xi32>,
    %swap3A_532 = vector.shape_cast %swap3A_531 : vector<1x16xi32> to vector<16xi32>
    %swap3A_533 = vector.shape_cast %add3A_527 : vector<16xi32> to vector<1x16xi32>
    tpu.vector_store %arg7[%swap3A_529, %swap3A_530], %swap3A_533 {strides = array<i32>} : memref<16x128xi32, #tpu.memory_space<vmem>>, vector<1x16xi32>,
    %get3A_534 = arith.constant 480 : index
    %get3A_535 = tpu.vector_load %arg6[%get3A_534] {strides = array<i32>} : memref<2048xi32, #tpu.memory_space<vmem>>, vector<16xi32>,
    %get3A_536 = vector.shape_cast %get3A_535 : vector<16xi32> to vector<16xi32>
    %mul3A_537 = arith.constant 256 : i32
    %mul3A_538 = vector.broadcast %mul3A_537 : i32 to vector<16xi32>
    %mul3A_539 = arith.muli %get3A_536, %mul3A_538 : vector<16xi32>
    %get3A_540 = arith.constant 480 : index
    %get3A_541 = tpu.vector_load %arg5[%get3A_540] {strides = array<i32>} : memref<2048xi32, #tpu.memory_space<vmem>>, vector<16xi32>,
    %get3A_542 = vector.shape_cast %get3A_541 : vector<16xi32> to vector<16xi32>
    %add3A_543 = arith.addi %mul3A_539, %get3A_542 : vector<16xi32>
    %swap3A_544 = arith.constant 3 : i32
    %swap3A_545 = arith.index_cast %swap3A_544 : i32 to index
    %swap3A_546 = arith.constant 96 : index
    %swap3A_547 = tpu.vector_load %arg7[%swap3A_545, %swap3A_546] {strides = array<i32>} : memref<16x128xi32, #tpu.memory_space<vmem>>, vector<1x16xi32>,
    %swap3A_548 = vector.shape_cast %swap3A_547 : vector<1x16xi32> to vector<16xi32>
    %swap3A_549 = vector.shape_cast %add3A_543 : vector<16xi32> to vector<1x16xi32>
    tpu.vector_store %arg7[%swap3A_545, %swap3A_546], %swap3A_549 {strides = array<i32>} : memref<16x128xi32, #tpu.memory_space<vmem>>, vector<1x16xi32>,
    %get3A_550 = arith.constant 496 : index
    %get3A_551 = tpu.vector_load %arg6[%get3A_550] {strides = array<i32>} : memref<2048xi32, #tpu.memory_space<vmem>>, vector<16xi32>,
    %get3A_552 = vector.shape_cast %get3A_551 : vector<16xi32> to vector<16xi32>
    %mul3A_553 = arith.constant 256 : i32
    %mul3A_554 = vector.broadcast %mul3A_553 : i32 to vector<16xi32>
    %mul3A_555 = arith.muli %get3A_552, %mul3A_554 : vector<16xi32>
    %get3A_556 = arith.constant 496 : index
    %get3A_557 = tpu.vector_load %arg5[%get3A_556] {strides = array<i32>} : memref<2048xi32, #tpu.memory_space<vmem>>, vector<16xi32>,
    %get3A_558 = vector.shape_cast %get3A_557 : vector<16xi32> to vector<16xi32>
    %add3A_559 = arith.addi %mul3A_555, %get3A_558 : vector<16xi32>
    %swap3A_560 = arith.constant 3 : i32
    %swap3A_561 = arith.index_cast %swap3A_560 : i32 to index
    %swap3A_562 = arith.constant 112 : index
    %swap3A_563 = tpu.vector_load %arg7[%swap3A_561, %swap3A_562] {strides = array<i32>} : memref<16x128xi32, #tpu.memory_space<vmem>>, vector<1x16xi32>,
    %swap3A_564 = vector.shape_cast %swap3A_563 : vector<1x16xi32> to vector<16xi32>
    %swap3A_565 = vector.shape_cast %add3A_559 : vector<16xi32> to vector<1x16xi32>
    tpu.vector_store %arg7[%swap3A_561, %swap3A_562], %swap3A_565 {strides = array<i32>} : memref<16x128xi32, #tpu.memory_space<vmem>>, vector<1x16xi32>,
    %get3A_566 = arith.constant 512 : index
    %get3A_567 = tpu.vector_load %arg6[%get3A_566] {strides = array<i32>} : memref<2048xi32, #tpu.memory_space<vmem>>, vector<16xi32>,
    %get3A_568 = vector.shape_cast %get3A_567 : vector<16xi32> to vector<16xi32>
    %mul3A_569 = arith.constant 256 : i32
    %mul3A_570 = vector.broadcast %mul3A_569 : i32 to vector<16xi32>
    %mul3A_571 = arith.muli %get3A_568, %mul3A_570 : vector<16xi32>
    %get3A_572 = arith.constant 512 : index
    %get3A_573 = tpu.vector_load %arg5[%get3A_572] {strides = array<i32>} : memref<2048xi32, #tpu.memory_space<vmem>>, vector<16xi32>,
    %get3A_574 = vector.shape_cast %get3A_573 : vector<16xi32> to vector<16xi32>
    %add3A_575 = arith.addi %mul3A_571, %get3A_574 : vector<16xi32>
    %swap3A_576 = arith.constant 4 : i32
    %swap3A_577 = arith.index_cast %swap3A_576 : i32 to index
    %swap3A_578 = arith.constant 0 : index
    %swap3A_579 = tpu.vector_load %arg7[%swap3A_577, %swap3A_578] {strides = array<i32>} : memref<16x128xi32, #tpu.memory_space<vmem>>, vector<1x16xi32>,
    %swap3A_580 = vector.shape_cast %swap3A_579 : vector<1x16xi32> to vector<16xi32>
    %swap3A_581 = vector.shape_cast %add3A_575 : vector<16xi32> to vector<1x16xi32>
    tpu.vector_store %arg7[%swap3A_577, %swap3A_578], %swap3A_581 {strides = array<i32>} : memref<16x128xi32, #tpu.memory_space<vmem>>, vector<1x16xi32>,
    %get3A_582 = arith.constant 528 : index
    %get3A_583 = tpu.vector_load %arg6[%get3A_582] {strides = array<i32>} : memref<2048xi32, #tpu.memory_space<vmem>>, vector<16xi32>,
    %get3A_584 = vector.shape_cast %get3A_583 : vector<16xi32> to vector<16xi32>
    %mul3A_585 = arith.constant 256 : i32
    %mul3A_586 = vector.broadcast %mul3A_585 : i32 to vector<16xi32>
    %mul3A_587 = arith.muli %get3A_584, %mul3A_586 : vector<16xi32>
    %get3A_588 = arith.constant 528 : index
    %get3A_589 = tpu.vector_load %arg5[%get3A_588] {strides = array<i32>} : memref<2048xi32, #tpu.memory_space<vmem>>, vector<16xi32>,
    %get3A_590 = vector.shape_cast %get3A_589 : vector<16xi32> to vector<16xi32>
    %add3A_591 = arith.addi %mul3A_587, %get3A_590 : vector<16xi32>
    %swap3A_592 = arith.constant 4 : i32
    %swap3A_593 = arith.index_cast %swap3A_592 : i32 to index
    %swap3A_594 = arith.constant 16 : index
    %swap3A_595 = tpu.vector_load %arg7[%swap3A_593, %swap3A_594] {strides = array<i32>} : memref<16x128xi32, #tpu.memory_space<vmem>>, vector<1x16xi32>,
    %swap3A_596 = vector.shape_cast %swap3A_595 : vector<1x16xi32> to vector<16xi32>
    %swap3A_597 = vector.shape_cast %add3A_591 : vector<16xi32> to vector<1x16xi32>
    tpu.vector_store %arg7[%swap3A_593, %swap3A_594], %swap3A_597 {strides = array<i32>} : memref<16x128xi32, #tpu.memory_space<vmem>>, vector<1x16xi32>,
    %get3A_598 = arith.constant 544 : index
    %get3A_599 = tpu.vector_load %arg6[%get3A_598] {strides = array<i32>} : memref<2048xi32, #tpu.memory_space<vmem>>, vector<16xi32>,
    %get3A_600 = vector.shape_cast %get3A_599 : vector<16xi32> to vector<16xi32>
    %mul3A_601 = arith.constant 256 : i32
    %mul3A_602 = vector.broadcast %mul3A_601 : i32 to vector<16xi32>
    %mul3A_603 = arith.muli %get3A_600, %mul3A_602 : vector<16xi32>
    %get3A_604 = arith.constant 544 : index
    %get3A_605 = tpu.vector_load %arg5[%get3A_604] {strides = array<i32>} : memref<2048xi32, #tpu.memory_space<vmem>>, vector<16xi32>,
    %get3A_606 = vector.shape_cast %get3A_605 : vector<16xi32> to vector<16xi32>
    %add3A_607 = arith.addi %mul3A_603, %get3A_606 : vector<16xi32>
    %swap3A_608 = arith.constant 4 : i32
    %swap3A_609 = arith.index_cast %swap3A_608 : i32 to index
    %swap3A_610 = arith.constant 32 : index
    %swap3A_611 = tpu.vector_load %arg7[%swap3A_609, %swap3A_610] {strides = array<i32>} : memref<16x128xi32, #tpu.memory_space<vmem>>, vector<1x16xi32>,
    %swap3A_612 = vector.shape_cast %swap3A_611 : vector<1x16xi32> to vector<16xi32>
    %swap3A_613 = vector.shape_cast %add3A_607 : vector<16xi32> to vector<1x16xi32>
    tpu.vector_store %arg7[%swap3A_609, %swap3A_610], %swap3A_613 {strides = array<i32>} : memref<16x128xi32, #tpu.memory_space<vmem>>, vector<1x16xi32>,
    %get3A_614 = arith.constant 560 : index
    %get3A_615 = tpu.vector_load %arg6[%get3A_614] {strides = array<i32>} : memref<2048xi32, #tpu.memory_space<vmem>>, vector<16xi32>,
    %get3A_616 = vector.shape_cast %get3A_615 : vector<16xi32> to vector<16xi32>
    %mul3A_617 = arith.constant 256 : i32
    %mul3A_618 = vector.broadcast %mul3A_617 : i32 to vector<16xi32>
    %mul3A_619 = arith.muli %get3A_616, %mul3A_618 : vector<16xi32>
    %get3A_620 = arith.constant 560 : index
    %get3A_621 = tpu.vector_load %arg5[%get3A_620] {strides = array<i32>} : memref<2048xi32, #tpu.memory_space<vmem>>, vector<16xi32>,
    %get3A_622 = vector.shape_cast %get3A_621 : vector<16xi32> to vector<16xi32>
    %add3A_623 = arith.addi %mul3A_619, %get3A_622 : vector<16xi32>
    %swap3A_624 = arith.constant 4 : i32
    %swap3A_625 = arith.index_cast %swap3A_624 : i32 to index
    %swap3A_626 = arith.constant 48 : index
    %swap3A_627 = tpu.vector_load %arg7[%swap3A_625, %swap3A_626] {strides = array<i32>} : memref<16x128xi32, #tpu.memory_space<vmem>>, vector<1x16xi32>,
    %swap3A_628 = vector.shape_cast %swap3A_627 : vector<1x16xi32> to vector<16xi32>
    %swap3A_629 = vector.shape_cast %add3A_623 : vector<16xi32> to vector<1x16xi32>
    tpu.vector_store %arg7[%swap3A_625, %swap3A_626], %swap3A_629 {strides = array<i32>} : memref<16x128xi32, #tpu.memory_space<vmem>>, vector<1x16xi32>,
    %get3A_630 = arith.constant 576 : index
    %get3A_631 = tpu.vector_load %arg6[%get3A_630] {strides = array<i32>} : memref<2048xi32, #tpu.memory_space<vmem>>, vector<16xi32>,
    %get3A_632 = vector.shape_cast %get3A_631 : vector<16xi32> to vector<16xi32>
    %mul3A_633 = arith.constant 256 : i32
    %mul3A_634 = vector.broadcast %mul3A_633 : i32 to vector<16xi32>
    %mul3A_635 = arith.muli %get3A_632, %mul3A_634 : vector<16xi32>
    %get3A_636 = arith.constant 576 : index
    %get3A_637 = tpu.vector_load %arg5[%get3A_636] {strides = array<i32>} : memref<2048xi32, #tpu.memory_space<vmem>>, vector<16xi32>,
    %get3A_638 = vector.shape_cast %get3A_637 : vector<16xi32> to vector<16xi32>
    %add3A_639 = arith.addi %mul3A_635, %get3A_638 : vector<16xi32>
    %swap3A_640 = arith.constant 4 : i32
    %swap3A_641 = arith.index_cast %swap3A_640 : i32 to index
    %swap3A_642 = arith.constant 64 : index
    %swap3A_643 = tpu.vector_load %arg7[%swap3A_641, %swap3A_642] {strides = array<i32>} : memref<16x128xi32, #tpu.memory_space<vmem>>, vector<1x16xi32>,
    %swap3A_644 = vector.shape_cast %swap3A_643 : vector<1x16xi32> to vector<16xi32>
    %swap3A_645 = vector.shape_cast %add3A_639 : vector<16xi32> to vector<1x16xi32>
    tpu.vector_store %arg7[%swap3A_641, %swap3A_642], %swap3A_645 {strides = array<i32>} : memref<16x128xi32, #tpu.memory_space<vmem>>, vector<1x16xi32>,
    %get3A_646 = arith.constant 592 : index
    %get3A_647 = tpu.vector_load %arg6[%get3A_646] {strides = array<i32>} : memref<2048xi32, #tpu.memory_space<vmem>>, vector<16xi32>,
    %get3A_648 = vector.shape_cast %get3A_647 : vector<16xi32> to vector<16xi32>
    %mul3A_649 = arith.constant 256 : i32
    %mul3A_650 = vector.broadcast %mul3A_649 : i32 to vector<16xi32>
    %mul3A_651 = arith.muli %get3A_648, %mul3A_650 : vector<16xi32>
    %get3A_652 = arith.constant 592 : index
    %get3A_653 = tpu.vector_load %arg5[%get3A_652] {strides = array<i32>} : memref<2048xi32, #tpu.memory_space<vmem>>, vector<16xi32>,
    %get3A_654 = vector.shape_cast %get3A_653 : vector<16xi32> to vector<16xi32>
    %add3A_655 = arith.addi %mul3A_651, %get3A_654 : vector<16xi32>
    %swap3A_656 = arith.constant 4 : i32
    %swap3A_657 = arith.index_cast %swap3A_656 : i32 to index
    %swap3A_658 = arith.constant 80 : index
    %swap3A_659 = tpu.vector_load %arg7[%swap3A_657, %swap3A_658] {strides = array<i32>} : memref<16x128xi32, #tpu.memory_space<vmem>>, vector<1x16xi32>,
    %swap3A_660 = vector.shape_cast %swap3A_659 : vector<1x16xi32> to vector<16xi32>
    %swap3A_661 = vector.shape_cast %add3A_655 : vector<16xi32> to vector<1x16xi32>
    tpu.vector_store %arg7[%swap3A_657, %swap3A_658], %swap3A_661 {strides = array<i32>} : memref<16x128xi32, #tpu.memory_space<vmem>>, vector<1x16xi32>,
    %get3A_662 = arith.constant 608 : index
    %get3A_663 = tpu.vector_load %arg6[%get3A_662] {strides = array<i32>} : memref<2048xi32, #tpu.memory_space<vmem>>, vector<16xi32>,
    %get3A_664 = vector.shape_cast %get3A_663 : vector<16xi32> to vector<16xi32>
    %mul3A_665 = arith.constant 256 : i32
    %mul3A_666 = vector.broadcast %mul3A_665 : i32 to vector<16xi32>
    %mul3A_667 = arith.muli %get3A_664, %mul3A_666 : vector<16xi32>
    %get3A_668 = arith.constant 608 : index
    %get3A_669 = tpu.vector_load %arg5[%get3A_668] {strides = array<i32>} : memref<2048xi32, #tpu.memory_space<vmem>>, vector<16xi32>,
    %get3A_670 = vector.shape_cast %get3A_669 : vector<16xi32> to vector<16xi32>
    %add3A_671 = arith.addi %mul3A_667, %get3A_670 : vector<16xi32>
    %swap3A_672 = arith.constant 4 : i32
    %swap3A_673 = arith.index_cast %swap3A_672 : i32 to index
    %swap3A_674 = arith.constant 96 : index
    %swap3A_675 = tpu.vector_load %arg7[%swap3A_673, %swap3A_674] {strides = array<i32>} : memref<16x128xi32, #tpu.memory_space<vmem>>, vector<1x16xi32>,
    %swap3A_676 = vector.shape_cast %swap3A_675 : vector<1x16xi32> to vector<16xi32>
    %swap3A_677 = vector.shape_cast %add3A_671 : vector<16xi32> to vector<1x16xi32>
    tpu.vector_store %arg7[%swap3A_673, %swap3A_674], %swap3A_677 {strides = array<i32>} : memref<16x128xi32, #tpu.memory_space<vmem>>, vector<1x16xi32>,
    %get3A_678 = arith.constant 624 : index
    %get3A_679 = tpu.vector_load %arg6[%get3A_678] {strides = array<i32>} : memref<2048xi32, #tpu.memory_space<vmem>>, vector<16xi32>,
    %get3A_680 = vector.shape_cast %get3A_679 : vector<16xi32> to vector<16xi32>
    %mul3A_681 = arith.constant 256 : i32
    %mul3A_682 = vector.broadcast %mul3A_681 : i32 to vector<16xi32>
    %mul3A_683 = arith.muli %get3A_680, %mul3A_682 : vector<16xi32>
    %get3A_684 = arith.constant 624 : index
    %get3A_685 = tpu.vector_load %arg5[%get3A_684] {strides = array<i32>} : memref<2048xi32, #tpu.memory_space<vmem>>, vector<16xi32>,
    %get3A_686 = vector.shape_cast %get3A_685 : vector<16xi32> to vector<16xi32>
    %add3A_687 = arith.addi %mul3A_683, %get3A_686 : vector<16xi32>
    %swap3A_688 = arith.constant 4 : i32
    %swap3A_689 = arith.index_cast %swap3A_688 : i32 to index
    %swap3A_690 = arith.constant 112 : index
    %swap3A_691 = tpu.vector_load %arg7[%swap3A_689, %swap3A_690] {strides = array<i32>} : memref<16x128xi32, #tpu.memory_space<vmem>>, vector<1x16xi32>,
    %swap3A_692 = vector.shape_cast %swap3A_691 : vector<1x16xi32> to vector<16xi32>
    %swap3A_693 = vector.shape_cast %add3A_687 : vector<16xi32> to vector<1x16xi32>
    tpu.vector_store %arg7[%swap3A_689, %swap3A_690], %swap3A_693 {strides = array<i32>} : memref<16x128xi32, #tpu.memory_space<vmem>>, vector<1x16xi32>,
    %get3A_694 = arith.constant 640 : index
    %get3A_695 = tpu.vector_load %arg6[%get3A_694] {strides = array<i32>} : memref<2048xi32, #tpu.memory_space<vmem>>, vector<16xi32>,
    %get3A_696 = vector.shape_cast %get3A_695 : vector<16xi32> to vector<16xi32>
    %mul3A_697 = arith.constant 256 : i32
    %mul3A_698 = vector.broadcast %mul3A_697 : i32 to vector<16xi32>
    %mul3A_699 = arith.muli %get3A_696, %mul3A_698 : vector<16xi32>
    %get3A_700 = arith.constant 640 : index
    %get3A_701 = tpu.vector_load %arg5[%get3A_700] {strides = array<i32>} : memref<2048xi32, #tpu.memory_space<vmem>>, vector<16xi32>,
    %get3A_702 = vector.shape_cast %get3A_701 : vector<16xi32> to vector<16xi32>
    %add3A_703 = arith.addi %mul3A_699, %get3A_702 : vector<16xi32>
    %swap3A_704 = arith.constant 5 : i32
    %swap3A_705 = arith.index_cast %swap3A_704 : i32 to index
    %swap3A_706 = arith.constant 0 : index
    %swap3A_707 = tpu.vector_load %arg7[%swap3A_705, %swap3A_706] {strides = array<i32>} : memref<16x128xi32, #tpu.memory_space<vmem>>, vector<1x16xi32>,
    %swap3A_708 = vector.shape_cast %swap3A_707 : vector<1x16xi32> to vector<16xi32>
    %swap3A_709 = vector.shape_cast %add3A_703 : vector<16xi32> to vector<1x16xi32>
    tpu.vector_store %arg7[%swap3A_705, %swap3A_706], %swap3A_709 {strides = array<i32>} : memref<16x128xi32, #tpu.memory_space<vmem>>, vector<1x16xi32>,
    %get3A_710 = arith.constant 656 : index
    %get3A_711 = tpu.vector_load %arg6[%get3A_710] {strides = array<i32>} : memref<2048xi32, #tpu.memory_space<vmem>>, vector<16xi32>,
    %get3A_712 = vector.shape_cast %get3A_711 : vector<16xi32> to vector<16xi32>
    %mul3A_713 = arith.constant 256 : i32
    %mul3A_714 = vector.broadcast %mul3A_713 : i32 to vector<16xi32>
    %mul3A_715 = arith.muli %get3A_712, %mul3A_714 : vector<16xi32>
    %get3A_716 = arith.constant 656 : index
    %get3A_717 = tpu.vector_load %arg5[%get3A_716] {strides = array<i32>} : memref<2048xi32, #tpu.memory_space<vmem>>, vector<16xi32>,
    %get3A_718 = vector.shape_cast %get3A_717 : vector<16xi32> to vector<16xi32>
    %add3A_719 = arith.addi %mul3A_715, %get3A_718 : vector<16xi32>
    %swap3A_720 = arith.constant 5 : i32
    %swap3A_721 = arith.index_cast %swap3A_720 : i32 to index
    %swap3A_722 = arith.constant 16 : index
    %swap3A_723 = tpu.vector_load %arg7[%swap3A_721, %swap3A_722] {strides = array<i32>} : memref<16x128xi32, #tpu.memory_space<vmem>>, vector<1x16xi32>,
    %swap3A_724 = vector.shape_cast %swap3A_723 : vector<1x16xi32> to vector<16xi32>
    %swap3A_725 = vector.shape_cast %add3A_719 : vector<16xi32> to vector<1x16xi32>
    tpu.vector_store %arg7[%swap3A_721, %swap3A_722], %swap3A_725 {strides = array<i32>} : memref<16x128xi32, #tpu.memory_space<vmem>>, vector<1x16xi32>,
    %get3A_726 = arith.constant 672 : index
    %get3A_727 = tpu.vector_load %arg6[%get3A_726] {strides = array<i32>} : memref<2048xi32, #tpu.memory_space<vmem>>, vector<16xi32>,
    %get3A_728 = vector.shape_cast %get3A_727 : vector<16xi32> to vector<16xi32>
    %mul3A_729 = arith.constant 256 : i32
    %mul3A_730 = vector.broadcast %mul3A_729 : i32 to vector<16xi32>
    %mul3A_731 = arith.muli %get3A_728, %mul3A_730 : vector<16xi32>
    %get3A_732 = arith.constant 672 : index
    %get3A_733 = tpu.vector_load %arg5[%get3A_732] {strides = array<i32>} : memref<2048xi32, #tpu.memory_space<vmem>>, vector<16xi32>,
    %get3A_734 = vector.shape_cast %get3A_733 : vector<16xi32> to vector<16xi32>
    %add3A_735 = arith.addi %mul3A_731, %get3A_734 : vector<16xi32>
    %swap3A_736 = arith.constant 5 : i32
    %swap3A_737 = arith.index_cast %swap3A_736 : i32 to index
    %swap3A_738 = arith.constant 32 : index
    %swap3A_739 = tpu.vector_load %arg7[%swap3A_737, %swap3A_738] {strides = array<i32>} : memref<16x128xi32, #tpu.memory_space<vmem>>, vector<1x16xi32>,
    %swap3A_740 = vector.shape_cast %swap3A_739 : vector<1x16xi32> to vector<16xi32>
    %swap3A_741 = vector.shape_cast %add3A_735 : vector<16xi32> to vector<1x16xi32>
    tpu.vector_store %arg7[%swap3A_737, %swap3A_738], %swap3A_741 {strides = array<i32>} : memref<16x128xi32, #tpu.memory_space<vmem>>, vector<1x16xi32>,
    %get3A_742 = arith.constant 688 : index
    %get3A_743 = tpu.vector_load %arg6[%get3A_742] {strides = array<i32>} : memref<2048xi32, #tpu.memory_space<vmem>>, vector<16xi32>,
    %get3A_744 = vector.shape_cast %get3A_743 : vector<16xi32> to vector<16xi32>
    %mul3A_745 = arith.constant 256 : i32
    %mul3A_746 = vector.broadcast %mul3A_745 : i32 to vector<16xi32>
    %mul3A_747 = arith.muli %get3A_744, %mul3A_746 : vector<16xi32>
    %get3A_748 = arith.constant 688 : index
    %get3A_749 = tpu.vector_load %arg5[%get3A_748] {strides = array<i32>} : memref<2048xi32, #tpu.memory_space<vmem>>, vector<16xi32>,
    %get3A_750 = vector.shape_cast %get3A_749 : vector<16xi32> to vector<16xi32>
    %add3A_751 = arith.addi %mul3A_747, %get3A_750 : vector<16xi32>
    %swap3A_752 = arith.constant 5 : i32
    %swap3A_753 = arith.index_cast %swap3A_752 : i32 to index
    %swap3A_754 = arith.constant 48 : index
    %swap3A_755 = tpu.vector_load %arg7[%swap3A_753, %swap3A_754] {strides = array<i32>} : memref<16x128xi32, #tpu.memory_space<vmem>>, vector<1x16xi32>,
    %swap3A_756 = vector.shape_cast %swap3A_755 : vector<1x16xi32> to vector<16xi32>
    %swap3A_757 = vector.shape_cast %add3A_751 : vector<16xi32> to vector<1x16xi32>
    tpu.vector_store %arg7[%swap3A_753, %swap3A_754], %swap3A_757 {strides = array<i32>} : memref<16x128xi32, #tpu.memory_space<vmem>>, vector<1x16xi32>,
    %get3A_758 = arith.constant 704 : index
    %get3A_759 = tpu.vector_load %arg6[%get3A_758] {strides = array<i32>} : memref<2048xi32, #tpu.memory_space<vmem>>, vector<16xi32>,
    %get3A_760 = vector.shape_cast %get3A_759 : vector<16xi32> to vector<16xi32>
    %mul3A_761 = arith.constant 256 : i32
    %mul3A_762 = vector.broadcast %mul3A_761 : i32 to vector<16xi32>
    %mul3A_763 = arith.muli %get3A_760, %mul3A_762 : vector<16xi32>
    %get3A_764 = arith.constant 704 : index
    %get3A_765 = tpu.vector_load %arg5[%get3A_764] {strides = array<i32>} : memref<2048xi32, #tpu.memory_space<vmem>>, vector<16xi32>,
    %get3A_766 = vector.shape_cast %get3A_765 : vector<16xi32> to vector<16xi32>
    %add3A_767 = arith.addi %mul3A_763, %get3A_766 : vector<16xi32>
    %swap3A_768 = arith.constant 5 : i32
    %swap3A_769 = arith.index_cast %swap3A_768 : i32 to index
    %swap3A_770 = arith.constant 64 : index
    %swap3A_771 = tpu.vector_load %arg7[%swap3A_769, %swap3A_770] {strides = array<i32>} : memref<16x128xi32, #tpu.memory_space<vmem>>, vector<1x16xi32>,
    %swap3A_772 = vector.shape_cast %swap3A_771 : vector<1x16xi32> to vector<16xi32>
    %swap3A_773 = vector.shape_cast %add3A_767 : vector<16xi32> to vector<1x16xi32>
    tpu.vector_store %arg7[%swap3A_769, %swap3A_770], %swap3A_773 {strides = array<i32>} : memref<16x128xi32, #tpu.memory_space<vmem>>, vector<1x16xi32>,
    %get3A_774 = arith.constant 720 : index
    %get3A_775 = tpu.vector_load %arg6[%get3A_774] {strides = array<i32>} : memref<2048xi32, #tpu.memory_space<vmem>>, vector<16xi32>,
    %get3A_776 = vector.shape_cast %get3A_775 : vector<16xi32> to vector<16xi32>
    %mul3A_777 = arith.constant 256 : i32
    %mul3A_778 = vector.broadcast %mul3A_777 : i32 to vector<16xi32>
    %mul3A_779 = arith.muli %get3A_776, %mul3A_778 : vector<16xi32>
    %get3A_780 = arith.constant 720 : index
    %get3A_781 = tpu.vector_load %arg5[%get3A_780] {strides = array<i32>} : memref<2048xi32, #tpu.memory_space<vmem>>, vector<16xi32>,
    %get3A_782 = vector.shape_cast %get3A_781 : vector<16xi32> to vector<16xi32>
    %add3A_783 = arith.addi %mul3A_779, %get3A_782 : vector<16xi32>
    %swap3A_784 = arith.constant 5 : i32
    %swap3A_785 = arith.index_cast %swap3A_784 : i32 to index
    %swap3A_786 = arith.constant 80 : index
    %swap3A_787 = tpu.vector_load %arg7[%swap3A_785, %swap3A_786] {strides = array<i32>} : memref<16x128xi32, #tpu.memory_space<vmem>>, vector<1x16xi32>,
    %swap3A_788 = vector.shape_cast %swap3A_787 : vector<1x16xi32> to vector<16xi32>
    %swap3A_789 = vector.shape_cast %add3A_783 : vector<16xi32> to vector<1x16xi32>
    tpu.vector_store %arg7[%swap3A_785, %swap3A_786], %swap3A_789 {strides = array<i32>} : memref<16x128xi32, #tpu.memory_space<vmem>>, vector<1x16xi32>,
    %get3A_790 = arith.constant 736 : index
    %get3A_791 = tpu.vector_load %arg6[%get3A_790] {strides = array<i32>} : memref<2048xi32, #tpu.memory_space<vmem>>, vector<16xi32>,
    %get3A_792 = vector.shape_cast %get3A_791 : vector<16xi32> to vector<16xi32>
    %mul3A_793 = arith.constant 256 : i32
    %mul3A_794 = vector.broadcast %mul3A_793 : i32 to vector<16xi32>
    %mul3A_795 = arith.muli %get3A_792, %mul3A_794 : vector<16xi32>
    %get3A_796 = arith.constant 736 : index
    %get3A_797 = tpu.vector_load %arg5[%get3A_796] {strides = array<i32>} : memref<2048xi32, #tpu.memory_space<vmem>>, vector<16xi32>,
    %get3A_798 = vector.shape_cast %get3A_797 : vector<16xi32> to vector<16xi32>
    %add3A_799 = arith.addi %mul3A_795, %get3A_798 : vector<16xi32>
    %swap3A_800 = arith.constant 5 : i32
    %swap3A_801 = arith.index_cast %swap3A_800 : i32 to index
    %swap3A_802 = arith.constant 96 : index
    %swap3A_803 = tpu.vector_load %arg7[%swap3A_801, %swap3A_802] {strides = array<i32>} : memref<16x128xi32, #tpu.memory_space<vmem>>, vector<1x16xi32>,
    %swap3A_804 = vector.shape_cast %swap3A_803 : vector<1x16xi32> to vector<16xi32>
    %swap3A_805 = vector.shape_cast %add3A_799 : vector<16xi32> to vector<1x16xi32>
    tpu.vector_store %arg7[%swap3A_801, %swap3A_802], %swap3A_805 {strides = array<i32>} : memref<16x128xi32, #tpu.memory_space<vmem>>, vector<1x16xi32>,
    %get3A_806 = arith.constant 752 : index
    %get3A_807 = tpu.vector_load %arg6[%get3A_806] {strides = array<i32>} : memref<2048xi32, #tpu.memory_space<vmem>>, vector<16xi32>,
    %get3A_808 = vector.shape_cast %get3A_807 : vector<16xi32> to vector<16xi32>
    %mul3A_809 = arith.constant 256 : i32
    %mul3A_810 = vector.broadcast %mul3A_809 : i32 to vector<16xi32>
    %mul3A_811 = arith.muli %get3A_808, %mul3A_810 : vector<16xi32>
    %get3A_812 = arith.constant 752 : index
    %get3A_813 = tpu.vector_load %arg5[%get3A_812] {strides = array<i32>} : memref<2048xi32, #tpu.memory_space<vmem>>, vector<16xi32>,
    %get3A_814 = vector.shape_cast %get3A_813 : vector<16xi32> to vector<16xi32>
    %add3A_815 = arith.addi %mul3A_811, %get3A_814 : vector<16xi32>
    %swap3A_816 = arith.constant 5 : i32
    %swap3A_817 = arith.index_cast %swap3A_816 : i32 to index
    %swap3A_818 = arith.constant 112 : index
    %swap3A_819 = tpu.vector_load %arg7[%swap3A_817, %swap3A_818] {strides = array<i32>} : memref<16x128xi32, #tpu.memory_space<vmem>>, vector<1x16xi32>,
    %swap3A_820 = vector.shape_cast %swap3A_819 : vector<1x16xi32> to vector<16xi32>
    %swap3A_821 = vector.shape_cast %add3A_815 : vector<16xi32> to vector<1x16xi32>
    tpu.vector_store %arg7[%swap3A_817, %swap3A_818], %swap3A_821 {strides = array<i32>} : memref<16x128xi32, #tpu.memory_space<vmem>>, vector<1x16xi32>,
    %get3A_822 = arith.constant 768 : index
    %get3A_823 = tpu.vector_load %arg6[%get3A_822] {strides = array<i32>} : memref<2048xi32, #tpu.memory_space<vmem>>, vector<16xi32>,
    %get3A_824 = vector.shape_cast %get3A_823 : vector<16xi32> to vector<16xi32>
    %mul3A_825 = arith.constant 256 : i32
    %mul3A_826 = vector.broadcast %mul3A_825 : i32 to vector<16xi32>
    %mul3A_827 = arith.muli %get3A_824, %mul3A_826 : vector<16xi32>
    %get3A_828 = arith.constant 768 : index
    %get3A_829 = tpu.vector_load %arg5[%get3A_828] {strides = array<i32>} : memref<2048xi32, #tpu.memory_space<vmem>>, vector<16xi32>,
    %get3A_830 = vector.shape_cast %get3A_829 : vector<16xi32> to vector<16xi32>
    %add3A_831 = arith.addi %mul3A_827, %get3A_830 : vector<16xi32>
    %swap3A_832 = arith.constant 6 : i32
    %swap3A_833 = arith.index_cast %swap3A_832 : i32 to index
    %swap3A_834 = arith.constant 0 : index
    %swap3A_835 = tpu.vector_load %arg7[%swap3A_833, %swap3A_834] {strides = array<i32>} : memref<16x128xi32, #tpu.memory_space<vmem>>, vector<1x16xi32>,
    %swap3A_836 = vector.shape_cast %swap3A_835 : vector<1x16xi32> to vector<16xi32>
    %swap3A_837 = vector.shape_cast %add3A_831 : vector<16xi32> to vector<1x16xi32>
    tpu.vector_store %arg7[%swap3A_833, %swap3A_834], %swap3A_837 {strides = array<i32>} : memref<16x128xi32, #tpu.memory_space<vmem>>, vector<1x16xi32>,
    %get3A_838 = arith.constant 784 : index
    %get3A_839 = tpu.vector_load %arg6[%get3A_838] {strides = array<i32>} : memref<2048xi32, #tpu.memory_space<vmem>>, vector<16xi32>,
    %get3A_840 = vector.shape_cast %get3A_839 : vector<16xi32> to vector<16xi32>
    %mul3A_841 = arith.constant 256 : i32
    %mul3A_842 = vector.broadcast %mul3A_841 : i32 to vector<16xi32>
    %mul3A_843 = arith.muli %get3A_840, %mul3A_842 : vector<16xi32>
    %get3A_844 = arith.constant 784 : index
    %get3A_845 = tpu.vector_load %arg5[%get3A_844] {strides = array<i32>} : memref<2048xi32, #tpu.memory_space<vmem>>, vector<16xi32>,
    %get3A_846 = vector.shape_cast %get3A_845 : vector<16xi32> to vector<16xi32>
    %add3A_847 = arith.addi %mul3A_843, %get3A_846 : vector<16xi32>
    %swap3A_848 = arith.constant 6 : i32
    %swap3A_849 = arith.index_cast %swap3A_848 : i32 to index
    %swap3A_850 = arith.constant 16 : index
    %swap3A_851 = tpu.vector_load %arg7[%swap3A_849, %swap3A_850] {strides = array<i32>} : memref<16x128xi32, #tpu.memory_space<vmem>>, vector<1x16xi32>,
    %swap3A_852 = vector.shape_cast %swap3A_851 : vector<1x16xi32> to vector<16xi32>
    %swap3A_853 = vector.shape_cast %add3A_847 : vector<16xi32> to vector<1x16xi32>
    tpu.vector_store %arg7[%swap3A_849, %swap3A_850], %swap3A_853 {strides = array<i32>} : memref<16x128xi32, #tpu.memory_space<vmem>>, vector<1x16xi32>,
    %get3A_854 = arith.constant 800 : index
    %get3A_855 = tpu.vector_load %arg6[%get3A_854] {strides = array<i32>} : memref<2048xi32, #tpu.memory_space<vmem>>, vector<16xi32>,
    %get3A_856 = vector.shape_cast %get3A_855 : vector<16xi32> to vector<16xi32>
    %mul3A_857 = arith.constant 256 : i32
    %mul3A_858 = vector.broadcast %mul3A_857 : i32 to vector<16xi32>
    %mul3A_859 = arith.muli %get3A_856, %mul3A_858 : vector<16xi32>
    %get3A_860 = arith.constant 800 : index
    %get3A_861 = tpu.vector_load %arg5[%get3A_860] {strides = array<i32>} : memref<2048xi32, #tpu.memory_space<vmem>>, vector<16xi32>,
    %get3A_862 = vector.shape_cast %get3A_861 : vector<16xi32> to vector<16xi32>
    %add3A_863 = arith.addi %mul3A_859, %get3A_862 : vector<16xi32>
    %swap3A_864 = arith.constant 6 : i32
    %swap3A_865 = arith.index_cast %swap3A_864 : i32 to index
    %swap3A_866 = arith.constant 32 : index
    %swap3A_867 = tpu.vector_load %arg7[%swap3A_865, %swap3A_866] {strides = array<i32>} : memref<16x128xi32, #tpu.memory_space<vmem>>, vector<1x16xi32>,
    %swap3A_868 = vector.shape_cast %swap3A_867 : vector<1x16xi32> to vector<16xi32>
    %swap3A_869 = vector.shape_cast %add3A_863 : vector<16xi32> to vector<1x16xi32>
    tpu.vector_store %arg7[%swap3A_865, %swap3A_866], %swap3A_869 {strides = array<i32>} : memref<16x128xi32, #tpu.memory_space<vmem>>, vector<1x16xi32>,
    %get3A_870 = arith.constant 816 : index
    %get3A_871 = tpu.vector_load %arg6[%get3A_870] {strides = array<i32>} : memref<2048xi32, #tpu.memory_space<vmem>>, vector<16xi32>,
    %get3A_872 = vector.shape_cast %get3A_871 : vector<16xi32> to vector<16xi32>
    %mul3A_873 = arith.constant 256 : i32
    %mul3A_874 = vector.broadcast %mul3A_873 : i32 to vector<16xi32>
    %mul3A_875 = arith.muli %get3A_872, %mul3A_874 : vector<16xi32>
    %get3A_876 = arith.constant 816 : index
    %get3A_877 = tpu.vector_load %arg5[%get3A_876] {strides = array<i32>} : memref<2048xi32, #tpu.memory_space<vmem>>, vector<16xi32>,
    %get3A_878 = vector.shape_cast %get3A_877 : vector<16xi32> to vector<16xi32>
    %add3A_879 = arith.addi %mul3A_875, %get3A_878 : vector<16xi32>
    %swap3A_880 = arith.constant 6 : i32
    %swap3A_881 = arith.index_cast %swap3A_880 : i32 to index
    %swap3A_882 = arith.constant 48 : index
    %swap3A_883 = tpu.vector_load %arg7[%swap3A_881, %swap3A_882] {strides = array<i32>} : memref<16x128xi32, #tpu.memory_space<vmem>>, vector<1x16xi32>,
    %swap3A_884 = vector.shape_cast %swap3A_883 : vector<1x16xi32> to vector<16xi32>
    %swap3A_885 = vector.shape_cast %add3A_879 : vector<16xi32> to vector<1x16xi32>
    tpu.vector_store %arg7[%swap3A_881, %swap3A_882], %swap3A_885 {strides = array<i32>} : memref<16x128xi32, #tpu.memory_space<vmem>>, vector<1x16xi32>,
    %get3A_886 = arith.constant 832 : index
    %get3A_887 = tpu.vector_load %arg6[%get3A_886] {strides = array<i32>} : memref<2048xi32, #tpu.memory_space<vmem>>, vector<16xi32>,
    %get3A_888 = vector.shape_cast %get3A_887 : vector<16xi32> to vector<16xi32>
    %mul3A_889 = arith.constant 256 : i32
    %mul3A_890 = vector.broadcast %mul3A_889 : i32 to vector<16xi32>
    %mul3A_891 = arith.muli %get3A_888, %mul3A_890 : vector<16xi32>
    %get3A_892 = arith.constant 832 : index
    %get3A_893 = tpu.vector_load %arg5[%get3A_892] {strides = array<i32>} : memref<2048xi32, #tpu.memory_space<vmem>>, vector<16xi32>,
    %get3A_894 = vector.shape_cast %get3A_893 : vector<16xi32> to vector<16xi32>
    %add3A_895 = arith.addi %mul3A_891, %get3A_894 : vector<16xi32>
    %swap3A_896 = arith.constant 6 : i32
    %swap3A_897 = arith.index_cast %swap3A_896 : i32 to index
    %swap3A_898 = arith.constant 64 : index
    %swap3A_899 = tpu.vector_load %arg7[%swap3A_897, %swap3A_898] {strides = array<i32>} : memref<16x128xi32, #tpu.memory_space<vmem>>, vector<1x16xi32>,
    %swap3A_900 = vector.shape_cast %swap3A_899 : vector<1x16xi32> to vector<16xi32>
    %swap3A_901 = vector.shape_cast %add3A_895 : vector<16xi32> to vector<1x16xi32>
    tpu.vector_store %arg7[%swap3A_897, %swap3A_898], %swap3A_901 {strides = array<i32>} : memref<16x128xi32, #tpu.memory_space<vmem>>, vector<1x16xi32>,
    %get3A_902 = arith.constant 848 : index
    %get3A_903 = tpu.vector_load %arg6[%get3A_902] {strides = array<i32>} : memref<2048xi32, #tpu.memory_space<vmem>>, vector<16xi32>,
    %get3A_904 = vector.shape_cast %get3A_903 : vector<16xi32> to vector<16xi32>
    %mul3A_905 = arith.constant 256 : i32
    %mul3A_906 = vector.broadcast %mul3A_905 : i32 to vector<16xi32>
    %mul3A_907 = arith.muli %get3A_904, %mul3A_906 : vector<16xi32>
    %get3A_908 = arith.constant 848 : index
    %get3A_909 = tpu.vector_load %arg5[%get3A_908] {strides = array<i32>} : memref<2048xi32, #tpu.memory_space<vmem>>, vector<16xi32>,
    %get3A_910 = vector.shape_cast %get3A_909 : vector<16xi32> to vector<16xi32>
    %add3A_911 = arith.addi %mul3A_907, %get3A_910 : vector<16xi32>
    %swap3A_912 = arith.constant 6 : i32
    %swap3A_913 = arith.index_cast %swap3A_912 : i32 to index
    %swap3A_914 = arith.constant 80 : index
    %swap3A_915 = tpu.vector_load %arg7[%swap3A_913, %swap3A_914] {strides = array<i32>} : memref<16x128xi32, #tpu.memory_space<vmem>>, vector<1x16xi32>,
    %swap3A_916 = vector.shape_cast %swap3A_915 : vector<1x16xi32> to vector<16xi32>
    %swap3A_917 = vector.shape_cast %add3A_911 : vector<16xi32> to vector<1x16xi32>
    tpu.vector_store %arg7[%swap3A_913, %swap3A_914], %swap3A_917 {strides = array<i32>} : memref<16x128xi32, #tpu.memory_space<vmem>>, vector<1x16xi32>,
    %get3A_918 = arith.constant 864 : index
    %get3A_919 = tpu.vector_load %arg6[%get3A_918] {strides = array<i32>} : memref<2048xi32, #tpu.memory_space<vmem>>, vector<16xi32>,
    %get3A_920 = vector.shape_cast %get3A_919 : vector<16xi32> to vector<16xi32>
    %mul3A_921 = arith.constant 256 : i32
    %mul3A_922 = vector.broadcast %mul3A_921 : i32 to vector<16xi32>
    %mul3A_923 = arith.muli %get3A_920, %mul3A_922 : vector<16xi32>
    %get3A_924 = arith.constant 864 : index
    %get3A_925 = tpu.vector_load %arg5[%get3A_924] {strides = array<i32>} : memref<2048xi32, #tpu.memory_space<vmem>>, vector<16xi32>,
    %get3A_926 = vector.shape_cast %get3A_925 : vector<16xi32> to vector<16xi32>
    %add3A_927 = arith.addi %mul3A_923, %get3A_926 : vector<16xi32>
    %swap3A_928 = arith.constant 6 : i32
    %swap3A_929 = arith.index_cast %swap3A_928 : i32 to index
    %swap3A_930 = arith.constant 96 : index
    %swap3A_931 = tpu.vector_load %arg7[%swap3A_929, %swap3A_930] {strides = array<i32>} : memref<16x128xi32, #tpu.memory_space<vmem>>, vector<1x16xi32>,
    %swap3A_932 = vector.shape_cast %swap3A_931 : vector<1x16xi32> to vector<16xi32>
    %swap3A_933 = vector.shape_cast %add3A_927 : vector<16xi32> to vector<1x16xi32>
    tpu.vector_store %arg7[%swap3A_929, %swap3A_930], %swap3A_933 {strides = array<i32>} : memref<16x128xi32, #tpu.memory_space<vmem>>, vector<1x16xi32>,
    %get3A_934 = arith.constant 880 : index
    %get3A_935 = tpu.vector_load %arg6[%get3A_934] {strides = array<i32>} : memref<2048xi32, #tpu.memory_space<vmem>>, vector<16xi32>,
    %get3A_936 = vector.shape_cast %get3A_935 : vector<16xi32> to vector<16xi32>
    %mul3A_937 = arith.constant 256 : i32
    %mul3A_938 = vector.broadcast %mul3A_937 : i32 to vector<16xi32>
    %mul3A_939 = arith.muli %get3A_936, %mul3A_938 : vector<16xi32>
    %get3A_940 = arith.constant 880 : index
    %get3A_941 = tpu.vector_load %arg5[%get3A_940] {strides = array<i32>} : memref<2048xi32, #tpu.memory_space<vmem>>, vector<16xi32>,
    %get3A_942 = vector.shape_cast %get3A_941 : vector<16xi32> to vector<16xi32>
    %add3A_943 = arith.addi %mul3A_939, %get3A_942 : vector<16xi32>
    %swap3A_944 = arith.constant 6 : i32
    %swap3A_945 = arith.index_cast %swap3A_944 : i32 to index
    %swap3A_946 = arith.constant 112 : index
    %swap3A_947 = tpu.vector_load %arg7[%swap3A_945, %swap3A_946] {strides = array<i32>} : memref<16x128xi32, #tpu.memory_space<vmem>>, vector<1x16xi32>,
    %swap3A_948 = vector.shape_cast %swap3A_947 : vector<1x16xi32> to vector<16xi32>
    %swap3A_949 = vector.shape_cast %add3A_943 : vector<16xi32> to vector<1x16xi32>
    tpu.vector_store %arg7[%swap3A_945, %swap3A_946], %swap3A_949 {strides = array<i32>} : memref<16x128xi32, #tpu.memory_space<vmem>>, vector<1x16xi32>,
    %get3A_950 = arith.constant 896 : index
    %get3A_951 = tpu.vector_load %arg6[%get3A_950] {strides = array<i32>} : memref<2048xi32, #tpu.memory_space<vmem>>, vector<16xi32>,
    %get3A_952 = vector.shape_cast %get3A_951 : vector<16xi32> to vector<16xi32>
    %mul3A_953 = arith.constant 256 : i32
    %mul3A_954 = vector.broadcast %mul3A_953 : i32 to vector<16xi32>
    %mul3A_955 = arith.muli %get3A_952, %mul3A_954 : vector<16xi32>
    %get3A_956 = arith.constant 896 : index
    %get3A_957 = tpu.vector_load %arg5[%get3A_956] {strides = array<i32>} : memref<2048xi32, #tpu.memory_space<vmem>>, vector<16xi32>,
    %get3A_958 = vector.shape_cast %get3A_957 : vector<16xi32> to vector<16xi32>
    %add3A_959 = arith.addi %mul3A_955, %get3A_958 : vector<16xi32>
    %swap3A_960 = arith.constant 7 : i32
    %swap3A_961 = arith.index_cast %swap3A_960 : i32 to index
    %swap3A_962 = arith.constant 0 : index
    %swap3A_963 = tpu.vector_load %arg7[%swap3A_961, %swap3A_962] {strides = array<i32>} : memref<16x128xi32, #tpu.memory_space<vmem>>, vector<1x16xi32>,
    %swap3A_964 = vector.shape_cast %swap3A_963 : vector<1x16xi32> to vector<16xi32>
    %swap3A_965 = vector.shape_cast %add3A_959 : vector<16xi32> to vector<1x16xi32>
    tpu.vector_store %arg7[%swap3A_961, %swap3A_962], %swap3A_965 {strides = array<i32>} : memref<16x128xi32, #tpu.memory_space<vmem>>, vector<1x16xi32>,
    %get3A_966 = arith.constant 912 : index
    %get3A_967 = tpu.vector_load %arg6[%get3A_966] {strides = array<i32>} : memref<2048xi32, #tpu.memory_space<vmem>>, vector<16xi32>,
    %get3A_968 = vector.shape_cast %get3A_967 : vector<16xi32> to vector<16xi32>
    %mul3A_969 = arith.constant 256 : i32
    %mul3A_970 = vector.broadcast %mul3A_969 : i32 to vector<16xi32>
    %mul3A_971 = arith.muli %get3A_968, %mul3A_970 : vector<16xi32>
    %get3A_972 = arith.constant 912 : index
    %get3A_973 = tpu.vector_load %arg5[%get3A_972] {strides = array<i32>} : memref<2048xi32, #tpu.memory_space<vmem>>, vector<16xi32>,
    %get3A_974 = vector.shape_cast %get3A_973 : vector<16xi32> to vector<16xi32>
    %add3A_975 = arith.addi %mul3A_971, %get3A_974 : vector<16xi32>
    %swap3A_976 = arith.constant 7 : i32
    %swap3A_977 = arith.index_cast %swap3A_976 : i32 to index
    %swap3A_978 = arith.constant 16 : index
    %swap3A_979 = tpu.vector_load %arg7[%swap3A_977, %swap3A_978] {strides = array<i32>} : memref<16x128xi32, #tpu.memory_space<vmem>>, vector<1x16xi32>,
    %swap3A_980 = vector.shape_cast %swap3A_979 : vector<1x16xi32> to vector<16xi32>
    %swap3A_981 = vector.shape_cast %add3A_975 : vector<16xi32> to vector<1x16xi32>
    tpu.vector_store %arg7[%swap3A_977, %swap3A_978], %swap3A_981 {strides = array<i32>} : memref<16x128xi32, #tpu.memory_space<vmem>>, vector<1x16xi32>,
    %get3A_982 = arith.constant 928 : index
    %get3A_983 = tpu.vector_load %arg6[%get3A_982] {strides = array<i32>} : memref<2048xi32, #tpu.memory_space<vmem>>, vector<16xi32>,
    %get3A_984 = vector.shape_cast %get3A_983 : vector<16xi32> to vector<16xi32>
    %mul3A_985 = arith.constant 256 : i32
    %mul3A_986 = vector.broadcast %mul3A_985 : i32 to vector<16xi32>
    %mul3A_987 = arith.muli %get3A_984, %mul3A_986 : vector<16xi32>
    %get3A_988 = arith.constant 928 : index
    %get3A_989 = tpu.vector_load %arg5[%get3A_988] {strides = array<i32>} : memref<2048xi32, #tpu.memory_space<vmem>>, vector<16xi32>,
    %get3A_990 = vector.shape_cast %get3A_989 : vector<16xi32> to vector<16xi32>
    %add3A_991 = arith.addi %mul3A_987, %get3A_990 : vector<16xi32>
    %swap3A_992 = arith.constant 7 : i32
    %swap3A_993 = arith.index_cast %swap3A_992 : i32 to index
    %swap3A_994 = arith.constant 32 : index
    %swap3A_995 = tpu.vector_load %arg7[%swap3A_993, %swap3A_994] {strides = array<i32>} : memref<16x128xi32, #tpu.memory_space<vmem>>, vector<1x16xi32>,
    %swap3A_996 = vector.shape_cast %swap3A_995 : vector<1x16xi32> to vector<16xi32>
    %swap3A_997 = vector.shape_cast %add3A_991 : vector<16xi32> to vector<1x16xi32>
    tpu.vector_store %arg7[%swap3A_993, %swap3A_994], %swap3A_997 {strides = array<i32>} : memref<16x128xi32, #tpu.memory_space<vmem>>, vector<1x16xi32>,
    %get3A_998 = arith.constant 944 : index
    %get3A_999 = tpu.vector_load %arg6[%get3A_998] {strides = array<i32>} : memref<2048xi32, #tpu.memory_space<vmem>>, vector<16xi32>,
    %get3A_1000 = vector.shape_cast %get3A_999 : vector<16xi32> to vector<16xi32>
    %mul3A_1001 = arith.constant 256 : i32
    %mul3A_1002 = vector.broadcast %mul3A_1001 : i32 to vector<16xi32>
    %mul3A_1003 = arith.muli %get3A_1000, %mul3A_1002 : vector<16xi32>
    %get3A_1004 = arith.constant 944 : index
    %get3A_1005 = tpu.vector_load %arg5[%get3A_1004] {strides = array<i32>} : memref<2048xi32, #tpu.memory_space<vmem>>, vector<16xi32>,
    %get3A_1006 = vector.shape_cast %get3A_1005 : vector<16xi32> to vector<16xi32>
    %add3A_1007 = arith.addi %mul3A_1003, %get3A_1006 : vector<16xi32>
    %swap3A_1008 = arith.constant 7 : i32
    %swap3A_1009 = arith.index_cast %swap3A_1008 : i32 to index
    %swap3A_1010 = arith.constant 48 : index
    %swap3A_1011 = tpu.vector_load %arg7[%swap3A_1009, %swap3A_1010] {strides = array<i32>} : memref<16x128xi32, #tpu.memory_space<vmem>>, vector<1x16xi32>,
    %swap3A_1012 = vector.shape_cast %swap3A_1011 : vector<1x16xi32> to vector<16xi32>
    %swap3A_1013 = vector.shape_cast %add3A_1007 : vector<16xi32> to vector<1x16xi32>
    tpu.vector_store %arg7[%swap3A_1009, %swap3A_1010], %swap3A_1013 {strides = array<i32>} : memref<16x128xi32, #tpu.memory_space<vmem>>, vector<1x16xi32>,
    %get3A_1014 = arith.constant 960 : index
    %get3A_1015 = tpu.vector_load %arg6[%get3A_1014] {strides = array<i32>} : memref<2048xi32, #tpu.memory_space<vmem>>, vector<16xi32>,
    %get3A_1016 = vector.shape_cast %get3A_1015 : vector<16xi32> to vector<16xi32>
    %mul3A_1017 = arith.constant 256 : i32
    %mul3A_1018 = vector.broadcast %mul3A_1017 : i32 to vector<16xi32>
    %mul3A_1019 = arith.muli %get3A_1016, %mul3A_1018 : vector<16xi32>
    %get3A_1020 = arith.constant 960 : index
    %get3A_1021 = tpu.vector_load %arg5[%get3A_1020] {strides = array<i32>} : memref<2048xi32, #tpu.memory_space<vmem>>, vector<16xi32>,
    %get3A_1022 = vector.shape_cast %get3A_1021 : vector<16xi32> to vector<16xi32>
    %add3A_1023 = arith.addi %mul3A_1019, %get3A_1022 : vector<16xi32>
    %swap3A_1024 = arith.constant 7 : i32
    %swap3A_1025 = arith.index_cast %swap3A_1024 : i32 to index
    %swap3A_1026 = arith.constant 64 : index
    %swap3A_1027 = tpu.vector_load %arg7[%swap3A_1025, %swap3A_1026] {strides = array<i32>} : memref<16x128xi32, #tpu.memory_space<vmem>>, vector<1x16xi32>,
    %swap3A_1028 = vector.shape_cast %swap3A_1027 : vector<1x16xi32> to vector<16xi32>
    %swap3A_1029 = vector.shape_cast %add3A_1023 : vector<16xi32> to vector<1x16xi32>
    tpu.vector_store %arg7[%swap3A_1025, %swap3A_1026], %swap3A_1029 {strides = array<i32>} : memref<16x128xi32, #tpu.memory_space<vmem>>, vector<1x16xi32>,
    %get3A_1030 = arith.constant 976 : index
    %get3A_1031 = tpu.vector_load %arg6[%get3A_1030] {strides = array<i32>} : memref<2048xi32, #tpu.memory_space<vmem>>, vector<16xi32>,
    %get3A_1032 = vector.shape_cast %get3A_1031 : vector<16xi32> to vector<16xi32>
    %mul3A_1033 = arith.constant 256 : i32
    %mul3A_1034 = vector.broadcast %mul3A_1033 : i32 to vector<16xi32>
    %mul3A_1035 = arith.muli %get3A_1032, %mul3A_1034 : vector<16xi32>
    %get3A_1036 = arith.constant 976 : index
    %get3A_1037 = tpu.vector_load %arg5[%get3A_1036] {strides = array<i32>} : memref<2048xi32, #tpu.memory_space<vmem>>, vector<16xi32>,
    %get3A_1038 = vector.shape_cast %get3A_1037 : vector<16xi32> to vector<16xi32>
    %add3A_1039 = arith.addi %mul3A_1035, %get3A_1038 : vector<16xi32>
    %swap3A_1040 = arith.constant 7 : i32
    %swap3A_1041 = arith.index_cast %swap3A_1040 : i32 to index
    %swap3A_1042 = arith.constant 80 : index
    %swap3A_1043 = tpu.vector_load %arg7[%swap3A_1041, %swap3A_1042] {strides = array<i32>} : memref<16x128xi32, #tpu.memory_space<vmem>>, vector<1x16xi32>,
    %swap3A_1044 = vector.shape_cast %swap3A_1043 : vector<1x16xi32> to vector<16xi32>
    %swap3A_1045 = vector.shape_cast %add3A_1039 : vector<16xi32> to vector<1x16xi32>
    tpu.vector_store %arg7[%swap3A_1041, %swap3A_1042], %swap3A_1045 {strides = array<i32>} : memref<16x128xi32, #tpu.memory_space<vmem>>, vector<1x16xi32>,
    %get3A_1046 = arith.constant 992 : index
    %get3A_1047 = tpu.vector_load %arg6[%get3A_1046] {strides = array<i32>} : memref<2048xi32, #tpu.memory_space<vmem>>, vector<16xi32>,
    %get3A_1048 = vector.shape_cast %get3A_1047 : vector<16xi32> to vector<16xi32>
    %mul3A_1049 = arith.constant 256 : i32
    %mul3A_1050 = vector.broadcast %mul3A_1049 : i32 to vector<16xi32>
    %mul3A_1051 = arith.muli %get3A_1048, %mul3A_1050 : vector<16xi32>
    %get3A_1052 = arith.constant 992 : index
    %get3A_1053 = tpu.vector_load %arg5[%get3A_1052] {strides = array<i32>} : memref<2048xi32, #tpu.memory_space<vmem>>, vector<16xi32>,
    %get3A_1054 = vector.shape_cast %get3A_1053 : vector<16xi32> to vector<16xi32>
    %add3A_1055 = arith.addi %mul3A_1051, %get3A_1054 : vector<16xi32>
    %swap3A_1056 = arith.constant 7 : i32
    %swap3A_1057 = arith.index_cast %swap3A_1056 : i32 to index
    %swap3A_1058 = arith.constant 96 : index
    %swap3A_1059 = tpu.vector_load %arg7[%swap3A_1057, %swap3A_1058] {strides = array<i32>} : memref<16x128xi32, #tpu.memory_space<vmem>>, vector<1x16xi32>,
    %swap3A_1060 = vector.shape_cast %swap3A_1059 : vector<1x16xi32> to vector<16xi32>
    %swap3A_1061 = vector.shape_cast %add3A_1055 : vector<16xi32> to vector<1x16xi32>
    tpu.vector_store %arg7[%swap3A_1057, %swap3A_1058], %swap3A_1061 {strides = array<i32>} : memref<16x128xi32, #tpu.memory_space<vmem>>, vector<1x16xi32>,
    %get3A_1062 = arith.constant 1008 : index
    %get3A_1063 = tpu.vector_load %arg6[%get3A_1062] {strides = array<i32>} : memref<2048xi32, #tpu.memory_space<vmem>>, vector<16xi32>,
    %get3A_1064 = vector.shape_cast %get3A_1063 : vector<16xi32> to vector<16xi32>
    %mul3A_1065 = arith.constant 256 : i32
    %mul3A_1066 = vector.broadcast %mul3A_1065 : i32 to vector<16xi32>
    %mul3A_1067 = arith.muli %get3A_1064, %mul3A_1066 : vector<16xi32>
    %get3A_1068 = arith.constant 1008 : index
    %get3A_1069 = tpu.vector_load %arg5[%get3A_1068] {strides = array<i32>} : memref<2048xi32, #tpu.memory_space<vmem>>, vector<16xi32>,
    %get3A_1070 = vector.shape_cast %get3A_1069 : vector<16xi32> to vector<16xi32>
    %add3A_1071 = arith.addi %mul3A_1067, %get3A_1070 : vector<16xi32>
    %swap3A_1072 = arith.constant 7 : i32
    %swap3A_1073 = arith.index_cast %swap3A_1072 : i32 to index
    %swap3A_1074 = arith.constant 112 : index
    %swap3A_1075 = tpu.vector_load %arg7[%swap3A_1073, %swap3A_1074] {strides = array<i32>} : memref<16x128xi32, #tpu.memory_space<vmem>>, vector<1x16xi32>,
    %swap3A_1076 = vector.shape_cast %swap3A_1075 : vector<1x16xi32> to vector<16xi32>
    %swap3A_1077 = vector.shape_cast %add3A_1071 : vector<16xi32> to vector<1x16xi32>
    tpu.vector_store %arg7[%swap3A_1073, %swap3A_1074], %swap3A_1077 {strides = array<i32>} : memref<16x128xi32, #tpu.memory_space<vmem>>, vector<1x16xi32>,
    %get3A_1078 = arith.constant 1024 : index
    %get3A_1079 = tpu.vector_load %arg6[%get3A_1078] {strides = array<i32>} : memref<2048xi32, #tpu.memory_space<vmem>>, vector<16xi32>,
    %get3A_1080 = vector.shape_cast %get3A_1079 : vector<16xi32> to vector<16xi32>
    %mul3A_1081 = arith.constant 256 : i32
    %mul3A_1082 = vector.broadcast %mul3A_1081 : i32 to vector<16xi32>
    %mul3A_1083 = arith.muli %get3A_1080, %mul3A_1082 : vector<16xi32>
    %get3A_1084 = arith.constant 1024 : index
    %get3A_1085 = tpu.vector_load %arg5[%get3A_1084] {strides = array<i32>} : memref<2048xi32, #tpu.memory_space<vmem>>, vector<16xi32>,
    %get3A_1086 = vector.shape_cast %get3A_1085 : vector<16xi32> to vector<16xi32>
    %add3A_1087 = arith.addi %mul3A_1083, %get3A_1086 : vector<16xi32>
    %swap3A_1088 = arith.constant 8 : i32
    %swap3A_1089 = arith.index_cast %swap3A_1088 : i32 to index
    %swap3A_1090 = arith.constant 0 : index
    %swap3A_1091 = tpu.vector_load %arg7[%swap3A_1089, %swap3A_1090] {strides = array<i32>} : memref<16x128xi32, #tpu.memory_space<vmem>>, vector<1x16xi32>,
    %swap3A_1092 = vector.shape_cast %swap3A_1091 : vector<1x16xi32> to vector<16xi32>
    %swap3A_1093 = vector.shape_cast %add3A_1087 : vector<16xi32> to vector<1x16xi32>
    tpu.vector_store %arg7[%swap3A_1089, %swap3A_1090], %swap3A_1093 {strides = array<i32>} : memref<16x128xi32, #tpu.memory_space<vmem>>, vector<1x16xi32>,
    %get3A_1094 = arith.constant 1040 : index
    %get3A_1095 = tpu.vector_load %arg6[%get3A_1094] {strides = array<i32>} : memref<2048xi32, #tpu.memory_space<vmem>>, vector<16xi32>,
    %get3A_1096 = vector.shape_cast %get3A_1095 : vector<16xi32> to vector<16xi32>
    %mul3A_1097 = arith.constant 256 : i32
    %mul3A_1098 = vector.broadcast %mul3A_1097 : i32 to vector<16xi32>
    %mul3A_1099 = arith.muli %get3A_1096, %mul3A_1098 : vector<16xi32>
    %get3A_1100 = arith.constant 1040 : index
    %get3A_1101 = tpu.vector_load %arg5[%get3A_1100] {strides = array<i32>} : memref<2048xi32, #tpu.memory_space<vmem>>, vector<16xi32>,
    %get3A_1102 = vector.shape_cast %get3A_1101 : vector<16xi32> to vector<16xi32>
    %add3A_1103 = arith.addi %mul3A_1099, %get3A_1102 : vector<16xi32>
    %swap3A_1104 = arith.constant 8 : i32
    %swap3A_1105 = arith.index_cast %swap3A_1104 : i32 to index
    %swap3A_1106 = arith.constant 16 : index
    %swap3A_1107 = tpu.vector_load %arg7[%swap3A_1105, %swap3A_1106] {strides = array<i32>} : memref<16x128xi32, #tpu.memory_space<vmem>>, vector<1x16xi32>,
    %swap3A_1108 = vector.shape_cast %swap3A_1107 : vector<1x16xi32> to vector<16xi32>
    %swap3A_1109 = vector.shape_cast %add3A_1103 : vector<16xi32> to vector<1x16xi32>
    tpu.vector_store %arg7[%swap3A_1105, %swap3A_1106], %swap3A_1109 {strides = array<i32>} : memref<16x128xi32, #tpu.memory_space<vmem>>, vector<1x16xi32>,
    %get3A_1110 = arith.constant 1056 : index
    %get3A_1111 = tpu.vector_load %arg6[%get3A_1110] {strides = array<i32>} : memref<2048xi32, #tpu.memory_space<vmem>>, vector<16xi32>,
    %get3A_1112 = vector.shape_cast %get3A_1111 : vector<16xi32> to vector<16xi32>
    %mul3A_1113 = arith.constant 256 : i32
    %mul3A_1114 = vector.broadcast %mul3A_1113 : i32 to vector<16xi32>
    %mul3A_1115 = arith.muli %get3A_1112, %mul3A_1114 : vector<16xi32>
    %get3A_1116 = arith.constant 1056 : index
    %get3A_1117 = tpu.vector_load %arg5[%get3A_1116] {strides = array<i32>} : memref<2048xi32, #tpu.memory_space<vmem>>, vector<16xi32>,
    %get3A_1118 = vector.shape_cast %get3A_1117 : vector<16xi32> to vector<16xi32>
    %add3A_1119 = arith.addi %mul3A_1115, %get3A_1118 : vector<16xi32>
    %swap3A_1120 = arith.constant 8 : i32
    %swap3A_1121 = arith.index_cast %swap3A_1120 : i32 to index
    %swap3A_1122 = arith.constant 32 : index
    %swap3A_1123 = tpu.vector_load %arg7[%swap3A_1121, %swap3A_1122] {strides = array<i32>} : memref<16x128xi32, #tpu.memory_space<vmem>>, vector<1x16xi32>,
    %swap3A_1124 = vector.shape_cast %swap3A_1123 : vector<1x16xi32> to vector<16xi32>
    %swap3A_1125 = vector.shape_cast %add3A_1119 : vector<16xi32> to vector<1x16xi32>
    tpu.vector_store %arg7[%swap3A_1121, %swap3A_1122], %swap3A_1125 {strides = array<i32>} : memref<16x128xi32, #tpu.memory_space<vmem>>, vector<1x16xi32>,
    %get3A_1126 = arith.constant 1072 : index
    %get3A_1127 = tpu.vector_load %arg6[%get3A_1126] {strides = array<i32>} : memref<2048xi32, #tpu.memory_space<vmem>>, vector<16xi32>,
    %get3A_1128 = vector.shape_cast %get3A_1127 : vector<16xi32> to vector<16xi32>
    %mul3A_1129 = arith.constant 256 : i32
    %mul3A_1130 = vector.broadcast %mul3A_1129 : i32 to vector<16xi32>
    %mul3A_1131 = arith.muli %get3A_1128, %mul3A_1130 : vector<16xi32>
    %get3A_1132 = arith.constant 1072 : index
    %get3A_1133 = tpu.vector_load %arg5[%get3A_1132] {strides = array<i32>} : memref<2048xi32, #tpu.memory_space<vmem>>, vector<16xi32>,
    %get3A_1134 = vector.shape_cast %get3A_1133 : vector<16xi32> to vector<16xi32>
    %add3A_1135 = arith.addi %mul3A_1131, %get3A_1134 : vector<16xi32>
    %swap3A_1136 = arith.constant 8 : i32
    %swap3A_1137 = arith.index_cast %swap3A_1136 : i32 to index
    %swap3A_1138 = arith.constant 48 : index
    %swap3A_1139 = tpu.vector_load %arg7[%swap3A_1137, %swap3A_1138] {strides = array<i32>} : memref<16x128xi32, #tpu.memory_space<vmem>>, vector<1x16xi32>,
    %swap3A_1140 = vector.shape_cast %swap3A_1139 : vector<1x16xi32> to vector<16xi32>
    %swap3A_1141 = vector.shape_cast %add3A_1135 : vector<16xi32> to vector<1x16xi32>
    tpu.vector_store %arg7[%swap3A_1137, %swap3A_1138], %swap3A_1141 {strides = array<i32>} : memref<16x128xi32, #tpu.memory_space<vmem>>, vector<1x16xi32>,
    %get3A_1142 = arith.constant 1088 : index
    %get3A_1143 = tpu.vector_load %arg6[%get3A_1142] {strides = array<i32>} : memref<2048xi32, #tpu.memory_space<vmem>>, vector<16xi32>,
    %get3A_1144 = vector.shape_cast %get3A_1143 : vector<16xi32> to vector<16xi32>
    %mul3A_1145 = arith.constant 256 : i32
    %mul3A_1146 = vector.broadcast %mul3A_1145 : i32 to vector<16xi32>
    %mul3A_1147 = arith.muli %get3A_1144, %mul3A_1146 : vector<16xi32>
    %get3A_1148 = arith.constant 1088 : index
    %get3A_1149 = tpu.vector_load %arg5[%get3A_1148] {strides = array<i32>} : memref<2048xi32, #tpu.memory_space<vmem>>, vector<16xi32>,
    %get3A_1150 = vector.shape_cast %get3A_1149 : vector<16xi32> to vector<16xi32>
    %add3A_1151 = arith.addi %mul3A_1147, %get3A_1150 : vector<16xi32>
    %swap3A_1152 = arith.constant 8 : i32
    %swap3A_1153 = arith.index_cast %swap3A_1152 : i32 to index
    %swap3A_1154 = arith.constant 64 : index
    %swap3A_1155 = tpu.vector_load %arg7[%swap3A_1153, %swap3A_1154] {strides = array<i32>} : memref<16x128xi32, #tpu.memory_space<vmem>>, vector<1x16xi32>,
    %swap3A_1156 = vector.shape_cast %swap3A_1155 : vector<1x16xi32> to vector<16xi32>
    %swap3A_1157 = vector.shape_cast %add3A_1151 : vector<16xi32> to vector<1x16xi32>
    tpu.vector_store %arg7[%swap3A_1153, %swap3A_1154], %swap3A_1157 {strides = array<i32>} : memref<16x128xi32, #tpu.memory_space<vmem>>, vector<1x16xi32>,
    %get3A_1158 = arith.constant 1104 : index
    %get3A_1159 = tpu.vector_load %arg6[%get3A_1158] {strides = array<i32>} : memref<2048xi32, #tpu.memory_space<vmem>>, vector<16xi32>,
    %get3A_1160 = vector.shape_cast %get3A_1159 : vector<16xi32> to vector<16xi32>
    %mul3A_1161 = arith.constant 256 : i32
    %mul3A_1162 = vector.broadcast %mul3A_1161 : i32 to vector<16xi32>
    %mul3A_1163 = arith.muli %get3A_1160, %mul3A_1162 : vector<16xi32>
    %get3A_1164 = arith.constant 1104 : index
    %get3A_1165 = tpu.vector_load %arg5[%get3A_1164] {strides = array<i32>} : memref<2048xi32, #tpu.memory_space<vmem>>, vector<16xi32>,
    %get3A_1166 = vector.shape_cast %get3A_1165 : vector<16xi32> to vector<16xi32>
    %add3A_1167 = arith.addi %mul3A_1163, %get3A_1166 : vector<16xi32>
    %swap3A_1168 = arith.constant 8 : i32
    %swap3A_1169 = arith.index_cast %swap3A_1168 : i32 to index
    %swap3A_1170 = arith.constant 80 : index
    %swap3A_1171 = tpu.vector_load %arg7[%swap3A_1169, %swap3A_1170] {strides = array<i32>} : memref<16x128xi32, #tpu.memory_space<vmem>>, vector<1x16xi32>,
    %swap3A_1172 = vector.shape_cast %swap3A_1171 : vector<1x16xi32> to vector<16xi32>
    %swap3A_1173 = vector.shape_cast %add3A_1167 : vector<16xi32> to vector<1x16xi32>
    tpu.vector_store %arg7[%swap3A_1169, %swap3A_1170], %swap3A_1173 {strides = array<i32>} : memref<16x128xi32, #tpu.memory_space<vmem>>, vector<1x16xi32>,
    %get3A_1174 = arith.constant 1120 : index
    %get3A_1175 = tpu.vector_load %arg6[%get3A_1174] {strides = array<i32>} : memref<2048xi32, #tpu.memory_space<vmem>>, vector<16xi32>,
    %get3A_1176 = vector.shape_cast %get3A_1175 : vector<16xi32> to vector<16xi32>
    %mul3A_1177 = arith.constant 256 : i32
    %mul3A_1178 = vector.broadcast %mul3A_1177 : i32 to vector<16xi32>
    %mul3A_1179 = arith.muli %get3A_1176, %mul3A_1178 : vector<16xi32>
    %get3A_1180 = arith.constant 1120 : index
    %get3A_1181 = tpu.vector_load %arg5[%get3A_1180] {strides = array<i32>} : memref<2048xi32, #tpu.memory_space<vmem>>, vector<16xi32>,
    %get3A_1182 = vector.shape_cast %get3A_1181 : vector<16xi32> to vector<16xi32>
    %add3A_1183 = arith.addi %mul3A_1179, %get3A_1182 : vector<16xi32>
    %swap3A_1184 = arith.constant 8 : i32
    %swap3A_1185 = arith.index_cast %swap3A_1184 : i32 to index
    %swap3A_1186 = arith.constant 96 : index
    %swap3A_1187 = tpu.vector_load %arg7[%swap3A_1185, %swap3A_1186] {strides = array<i32>} : memref<16x128xi32, #tpu.memory_space<vmem>>, vector<1x16xi32>,
    %swap3A_1188 = vector.shape_cast %swap3A_1187 : vector<1x16xi32> to vector<16xi32>
    %swap3A_1189 = vector.shape_cast %add3A_1183 : vector<16xi32> to vector<1x16xi32>
    tpu.vector_store %arg7[%swap3A_1185, %swap3A_1186], %swap3A_1189 {strides = array<i32>} : memref<16x128xi32, #tpu.memory_space<vmem>>, vector<1x16xi32>,
    %get3A_1190 = arith.constant 1136 : index
    %get3A_1191 = tpu.vector_load %arg6[%get3A_1190] {strides = array<i32>} : memref<2048xi32, #tpu.memory_space<vmem>>, vector<16xi32>,
    %get3A_1192 = vector.shape_cast %get3A_1191 : vector<16xi32> to vector<16xi32>
    %mul3A_1193 = arith.constant 256 : i32
    %mul3A_1194 = vector.broadcast %mul3A_1193 : i32 to vector<16xi32>
    %mul3A_1195 = arith.muli %get3A_1192, %mul3A_1194 : vector<16xi32>
    %get3A_1196 = arith.constant 1136 : index
    %get3A_1197 = tpu.vector_load %arg5[%get3A_1196] {strides = array<i32>} : memref<2048xi32, #tpu.memory_space<vmem>>, vector<16xi32>,
    %get3A_1198 = vector.shape_cast %get3A_1197 : vector<16xi32> to vector<16xi32>
    %add3A_1199 = arith.addi %mul3A_1195, %get3A_1198 : vector<16xi32>
    %swap3A_1200 = arith.constant 8 : i32
    %swap3A_1201 = arith.index_cast %swap3A_1200 : i32 to index
    %swap3A_1202 = arith.constant 112 : index
    %swap3A_1203 = tpu.vector_load %arg7[%swap3A_1201, %swap3A_1202] {strides = array<i32>} : memref<16x128xi32, #tpu.memory_space<vmem>>, vector<1x16xi32>,
    %swap3A_1204 = vector.shape_cast %swap3A_1203 : vector<1x16xi32> to vector<16xi32>
    %swap3A_1205 = vector.shape_cast %add3A_1199 : vector<16xi32> to vector<1x16xi32>
    tpu.vector_store %arg7[%swap3A_1201, %swap3A_1202], %swap3A_1205 {strides = array<i32>} : memref<16x128xi32, #tpu.memory_space<vmem>>, vector<1x16xi32>,
    %get3A_1206 = arith.constant 1152 : index
    %get3A_1207 = tpu.vector_load %arg6[%get3A_1206] {strides = array<i32>} : memref<2048xi32, #tpu.memory_space<vmem>>, vector<16xi32>,
    %get3A_1208 = vector.shape_cast %get3A_1207 : vector<16xi32> to vector<16xi32>
    %mul3A_1209 = arith.constant 256 : i32
    %mul3A_1210 = vector.broadcast %mul3A_1209 : i32 to vector<16xi32>
    %mul3A_1211 = arith.muli %get3A_1208, %mul3A_1210 : vector<16xi32>
    %get3A_1212 = arith.constant 1152 : index
    %get3A_1213 = tpu.vector_load %arg5[%get3A_1212] {strides = array<i32>} : memref<2048xi32, #tpu.memory_space<vmem>>, vector<16xi32>,
    %get3A_1214 = vector.shape_cast %get3A_1213 : vector<16xi32> to vector<16xi32>
    %add3A_1215 = arith.addi %mul3A_1211, %get3A_1214 : vector<16xi32>
    %swap3A_1216 = arith.constant 9 : i32
    %swap3A_1217 = arith.index_cast %swap3A_1216 : i32 to index
    %swap3A_1218 = arith.constant 0 : index
    %swap3A_1219 = tpu.vector_load %arg7[%swap3A_1217, %swap3A_1218] {strides = array<i32>} : memref<16x128xi32, #tpu.memory_space<vmem>>, vector<1x16xi32>,
    %swap3A_1220 = vector.shape_cast %swap3A_1219 : vector<1x16xi32> to vector<16xi32>
    %swap3A_1221 = vector.shape_cast %add3A_1215 : vector<16xi32> to vector<1x16xi32>
    tpu.vector_store %arg7[%swap3A_1217, %swap3A_1218], %swap3A_1221 {strides = array<i32>} : memref<16x128xi32, #tpu.memory_space<vmem>>, vector<1x16xi32>,
    %get3A_1222 = arith.constant 1168 : index
    %get3A_1223 = tpu.vector_load %arg6[%get3A_1222] {strides = array<i32>} : memref<2048xi32, #tpu.memory_space<vmem>>, vector<16xi32>,
    %get3A_1224 = vector.shape_cast %get3A_1223 : vector<16xi32> to vector<16xi32>
    %mul3A_1225 = arith.constant 256 : i32
    %mul3A_1226 = vector.broadcast %mul3A_1225 : i32 to vector<16xi32>
    %mul3A_1227 = arith.muli %get3A_1224, %mul3A_1226 : vector<16xi32>
    %get3A_1228 = arith.constant 1168 : index
    %get3A_1229 = tpu.vector_load %arg5[%get3A_1228] {strides = array<i32>} : memref<2048xi32, #tpu.memory_space<vmem>>, vector<16xi32>,
    %get3A_1230 = vector.shape_cast %get3A_1229 : vector<16xi32> to vector<16xi32>
    %add3A_1231 = arith.addi %mul3A_1227, %get3A_1230 : vector<16xi32>
    %swap3A_1232 = arith.constant 9 : i32
    %swap3A_1233 = arith.index_cast %swap3A_1232 : i32 to index
    %swap3A_1234 = arith.constant 16 : index
    %swap3A_1235 = tpu.vector_load %arg7[%swap3A_1233, %swap3A_1234] {strides = array<i32>} : memref<16x128xi32, #tpu.memory_space<vmem>>, vector<1x16xi32>,
    %swap3A_1236 = vector.shape_cast %swap3A_1235 : vector<1x16xi32> to vector<16xi32>
    %swap3A_1237 = vector.shape_cast %add3A_1231 : vector<16xi32> to vector<1x16xi32>
    tpu.vector_store %arg7[%swap3A_1233, %swap3A_1234], %swap3A_1237 {strides = array<i32>} : memref<16x128xi32, #tpu.memory_space<vmem>>, vector<1x16xi32>,
    %get3A_1238 = arith.constant 1184 : index
    %get3A_1239 = tpu.vector_load %arg6[%get3A_1238] {strides = array<i32>} : memref<2048xi32, #tpu.memory_space<vmem>>, vector<16xi32>,
    %get3A_1240 = vector.shape_cast %get3A_1239 : vector<16xi32> to vector<16xi32>
    %mul3A_1241 = arith.constant 256 : i32
    %mul3A_1242 = vector.broadcast %mul3A_1241 : i32 to vector<16xi32>
    %mul3A_1243 = arith.muli %get3A_1240, %mul3A_1242 : vector<16xi32>
    %get3A_1244 = arith.constant 1184 : index
    %get3A_1245 = tpu.vector_load %arg5[%get3A_1244] {strides = array<i32>} : memref<2048xi32, #tpu.memory_space<vmem>>, vector<16xi32>,
    %get3A_1246 = vector.shape_cast %get3A_1245 : vector<16xi32> to vector<16xi32>
    %add3A_1247 = arith.addi %mul3A_1243, %get3A_1246 : vector<16xi32>
    %swap3A_1248 = arith.constant 9 : i32
    %swap3A_1249 = arith.index_cast %swap3A_1248 : i32 to index
    %swap3A_1250 = arith.constant 32 : index
    %swap3A_1251 = tpu.vector_load %arg7[%swap3A_1249, %swap3A_1250] {strides = array<i32>} : memref<16x128xi32, #tpu.memory_space<vmem>>, vector<1x16xi32>,
    %swap3A_1252 = vector.shape_cast %swap3A_1251 : vector<1x16xi32> to vector<16xi32>
    %swap3A_1253 = vector.shape_cast %add3A_1247 : vector<16xi32> to vector<1x16xi32>
    tpu.vector_store %arg7[%swap3A_1249, %swap3A_1250], %swap3A_1253 {strides = array<i32>} : memref<16x128xi32, #tpu.memory_space<vmem>>, vector<1x16xi32>,
    %get3A_1254 = arith.constant 1200 : index
    %get3A_1255 = tpu.vector_load %arg6[%get3A_1254] {strides = array<i32>} : memref<2048xi32, #tpu.memory_space<vmem>>, vector<16xi32>,
    %get3A_1256 = vector.shape_cast %get3A_1255 : vector<16xi32> to vector<16xi32>
    %mul3A_1257 = arith.constant 256 : i32
    %mul3A_1258 = vector.broadcast %mul3A_1257 : i32 to vector<16xi32>
    %mul3A_1259 = arith.muli %get3A_1256, %mul3A_1258 : vector<16xi32>
    %get3A_1260 = arith.constant 1200 : index
    %get3A_1261 = tpu.vector_load %arg5[%get3A_1260] {strides = array<i32>} : memref<2048xi32, #tpu.memory_space<vmem>>, vector<16xi32>,
    %get3A_1262 = vector.shape_cast %get3A_1261 : vector<16xi32> to vector<16xi32>
    %add3A_1263 = arith.addi %mul3A_1259, %get3A_1262 : vector<16xi32>
    %swap3A_1264 = arith.constant 9 : i32
    %swap3A_1265 = arith.index_cast %swap3A_1264 : i32 to index
    %swap3A_1266 = arith.constant 48 : index
    %swap3A_1267 = tpu.vector_load %arg7[%swap3A_1265, %swap3A_1266] {strides = array<i32>} : memref<16x128xi32, #tpu.memory_space<vmem>>, vector<1x16xi32>,
    %swap3A_1268 = vector.shape_cast %swap3A_1267 : vector<1x16xi32> to vector<16xi32>
    %swap3A_1269 = vector.shape_cast %add3A_1263 : vector<16xi32> to vector<1x16xi32>
    tpu.vector_store %arg7[%swap3A_1265, %swap3A_1266], %swap3A_1269 {strides = array<i32>} : memref<16x128xi32, #tpu.memory_space<vmem>>, vector<1x16xi32>,
    %get3A_1270 = arith.constant 1216 : index
    %get3A_1271 = tpu.vector_load %arg6[%get3A_1270] {strides = array<i32>} : memref<2048xi32, #tpu.memory_space<vmem>>, vector<16xi32>,
    %get3A_1272 = vector.shape_cast %get3A_1271 : vector<16xi32> to vector<16xi32>
    %mul3A_1273 = arith.constant 256 : i32
    %mul3A_1274 = vector.broadcast %mul3A_1273 : i32 to vector<16xi32>
    %mul3A_1275 = arith.muli %get3A_1272, %mul3A_1274 : vector<16xi32>
    %get3A_1276 = arith.constant 1216 : index
    %get3A_1277 = tpu.vector_load %arg5[%get3A_1276] {strides = array<i32>} : memref<2048xi32, #tpu.memory_space<vmem>>, vector<16xi32>,
    %get3A_1278 = vector.shape_cast %get3A_1277 : vector<16xi32> to vector<16xi32>
    %add3A_1279 = arith.addi %mul3A_1275, %get3A_1278 : vector<16xi32>
    %swap3A_1280 = arith.constant 9 : i32
    %swap3A_1281 = arith.index_cast %swap3A_1280 : i32 to index
    %swap3A_1282 = arith.constant 64 : index
    %swap3A_1283 = tpu.vector_load %arg7[%swap3A_1281, %swap3A_1282] {strides = array<i32>} : memref<16x128xi32, #tpu.memory_space<vmem>>, vector<1x16xi32>,
    %swap3A_1284 = vector.shape_cast %swap3A_1283 : vector<1x16xi32> to vector<16xi32>
    %swap3A_1285 = vector.shape_cast %add3A_1279 : vector<16xi32> to vector<1x16xi32>
    tpu.vector_store %arg7[%swap3A_1281, %swap3A_1282], %swap3A_1285 {strides = array<i32>} : memref<16x128xi32, #tpu.memory_space<vmem>>, vector<1x16xi32>,
    %get3A_1286 = arith.constant 1232 : index
    %get3A_1287 = tpu.vector_load %arg6[%get3A_1286] {strides = array<i32>} : memref<2048xi32, #tpu.memory_space<vmem>>, vector<16xi32>,
    %get3A_1288 = vector.shape_cast %get3A_1287 : vector<16xi32> to vector<16xi32>
    %mul3A_1289 = arith.constant 256 : i32
    %mul3A_1290 = vector.broadcast %mul3A_1289 : i32 to vector<16xi32>
    %mul3A_1291 = arith.muli %get3A_1288, %mul3A_1290 : vector<16xi32>
    %get3A_1292 = arith.constant 1232 : index
    %get3A_1293 = tpu.vector_load %arg5[%get3A_1292] {strides = array<i32>} : memref<2048xi32, #tpu.memory_space<vmem>>, vector<16xi32>,
    %get3A_1294 = vector.shape_cast %get3A_1293 : vector<16xi32> to vector<16xi32>
    %add3A_1295 = arith.addi %mul3A_1291, %get3A_1294 : vector<16xi32>
    %swap3A_1296 = arith.constant 9 : i32
    %swap3A_1297 = arith.index_cast %swap3A_1296 : i32 to index
    %swap3A_1298 = arith.constant 80 : index
    %swap3A_1299 = tpu.vector_load %arg7[%swap3A_1297, %swap3A_1298] {strides = array<i32>} : memref<16x128xi32, #tpu.memory_space<vmem>>, vector<1x16xi32>,
    %swap3A_1300 = vector.shape_cast %swap3A_1299 : vector<1x16xi32> to vector<16xi32>
    %swap3A_1301 = vector.shape_cast %add3A_1295 : vector<16xi32> to vector<1x16xi32>
    tpu.vector_store %arg7[%swap3A_1297, %swap3A_1298], %swap3A_1301 {strides = array<i32>} : memref<16x128xi32, #tpu.memory_space<vmem>>, vector<1x16xi32>,
    %get3A_1302 = arith.constant 1248 : index
    %get3A_1303 = tpu.vector_load %arg6[%get3A_1302] {strides = array<i32>} : memref<2048xi32, #tpu.memory_space<vmem>>, vector<16xi32>,
    %get3A_1304 = vector.shape_cast %get3A_1303 : vector<16xi32> to vector<16xi32>
    %mul3A_1305 = arith.constant 256 : i32
    %mul3A_1306 = vector.broadcast %mul3A_1305 : i32 to vector<16xi32>
    %mul3A_1307 = arith.muli %get3A_1304, %mul3A_1306 : vector<16xi32>
    %get3A_1308 = arith.constant 1248 : index
    %get3A_1309 = tpu.vector_load %arg5[%get3A_1308] {strides = array<i32>} : memref<2048xi32, #tpu.memory_space<vmem>>, vector<16xi32>,
    %get3A_1310 = vector.shape_cast %get3A_1309 : vector<16xi32> to vector<16xi32>
    %add3A_1311 = arith.addi %mul3A_1307, %get3A_1310 : vector<16xi32>
    %swap3A_1312 = arith.constant 9 : i32
    %swap3A_1313 = arith.index_cast %swap3A_1312 : i32 to index
    %swap3A_1314 = arith.constant 96 : index
    %swap3A_1315 = tpu.vector_load %arg7[%swap3A_1313, %swap3A_1314] {strides = array<i32>} : memref<16x128xi32, #tpu.memory_space<vmem>>, vector<1x16xi32>,
    %swap3A_1316 = vector.shape_cast %swap3A_1315 : vector<1x16xi32> to vector<16xi32>
    %swap3A_1317 = vector.shape_cast %add3A_1311 : vector<16xi32> to vector<1x16xi32>
    tpu.vector_store %arg7[%swap3A_1313, %swap3A_1314], %swap3A_1317 {strides = array<i32>} : memref<16x128xi32, #tpu.memory_space<vmem>>, vector<1x16xi32>,
    %get3A_1318 = arith.constant 1264 : index
    %get3A_1319 = tpu.vector_load %arg6[%get3A_1318] {strides = array<i32>} : memref<2048xi32, #tpu.memory_space<vmem>>, vector<16xi32>,
    %get3A_1320 = vector.shape_cast %get3A_1319 : vector<16xi32> to vector<16xi32>
    %mul3A_1321 = arith.constant 256 : i32
    %mul3A_1322 = vector.broadcast %mul3A_1321 : i32 to vector<16xi32>
    %mul3A_1323 = arith.muli %get3A_1320, %mul3A_1322 : vector<16xi32>
    %get3A_1324 = arith.constant 1264 : index
    %get3A_1325 = tpu.vector_load %arg5[%get3A_1324] {strides = array<i32>} : memref<2048xi32, #tpu.memory_space<vmem>>, vector<16xi32>,
    %get3A_1326 = vector.shape_cast %get3A_1325 : vector<16xi32> to vector<16xi32>
    %add3A_1327 = arith.addi %mul3A_1323, %get3A_1326 : vector<16xi32>
    %swap3A_1328 = arith.constant 9 : i32
    %swap3A_1329 = arith.index_cast %swap3A_1328 : i32 to index
    %swap3A_1330 = arith.constant 112 : index
    %swap3A_1331 = tpu.vector_load %arg7[%swap3A_1329, %swap3A_1330] {strides = array<i32>} : memref<16x128xi32, #tpu.memory_space<vmem>>, vector<1x16xi32>,
    %swap3A_1332 = vector.shape_cast %swap3A_1331 : vector<1x16xi32> to vector<16xi32>
    %swap3A_1333 = vector.shape_cast %add3A_1327 : vector<16xi32> to vector<1x16xi32>
    tpu.vector_store %arg7[%swap3A_1329, %swap3A_1330], %swap3A_1333 {strides = array<i32>} : memref<16x128xi32, #tpu.memory_space<vmem>>, vector<1x16xi32>,
    %get3A_1334 = arith.constant 1280 : index
    %get3A_1335 = tpu.vector_load %arg6[%get3A_1334] {strides = array<i32>} : memref<2048xi32, #tpu.memory_space<vmem>>, vector<16xi32>,
    %get3A_1336 = vector.shape_cast %get3A_1335 : vector<16xi32> to vector<16xi32>
    %mul3A_1337 = arith.constant 256 : i32
    %mul3A_1338 = vector.broadcast %mul3A_1337 : i32 to vector<16xi32>
    %mul3A_1339 = arith.muli %get3A_1336, %mul3A_1338 : vector<16xi32>
    %get3A_1340 = arith.constant 1280 : index
    %get3A_1341 = tpu.vector_load %arg5[%get3A_1340] {strides = array<i32>} : memref<2048xi32, #tpu.memory_space<vmem>>, vector<16xi32>,
    %get3A_1342 = vector.shape_cast %get3A_1341 : vector<16xi32> to vector<16xi32>
    %add3A_1343 = arith.addi %mul3A_1339, %get3A_1342 : vector<16xi32>
    %swap3A_1344 = arith.constant 10 : i32
    %swap3A_1345 = arith.index_cast %swap3A_1344 : i32 to index
    %swap3A_1346 = arith.constant 0 : index
    %swap3A_1347 = tpu.vector_load %arg7[%swap3A_1345, %swap3A_1346] {strides = array<i32>} : memref<16x128xi32, #tpu.memory_space<vmem>>, vector<1x16xi32>,
    %swap3A_1348 = vector.shape_cast %swap3A_1347 : vector<1x16xi32> to vector<16xi32>
    %swap3A_1349 = vector.shape_cast %add3A_1343 : vector<16xi32> to vector<1x16xi32>
    tpu.vector_store %arg7[%swap3A_1345, %swap3A_1346], %swap3A_1349 {strides = array<i32>} : memref<16x128xi32, #tpu.memory_space<vmem>>, vector<1x16xi32>,
    %get3A_1350 = arith.constant 1296 : index
    %get3A_1351 = tpu.vector_load %arg6[%get3A_1350] {strides = array<i32>} : memref<2048xi32, #tpu.memory_space<vmem>>, vector<16xi32>,
    %get3A_1352 = vector.shape_cast %get3A_1351 : vector<16xi32> to vector<16xi32>
    %mul3A_1353 = arith.constant 256 : i32
    %mul3A_1354 = vector.broadcast %mul3A_1353 : i32 to vector<16xi32>
    %mul3A_1355 = arith.muli %get3A_1352, %mul3A_1354 : vector<16xi32>
    %get3A_1356 = arith.constant 1296 : index
    %get3A_1357 = tpu.vector_load %arg5[%get3A_1356] {strides = array<i32>} : memref<2048xi32, #tpu.memory_space<vmem>>, vector<16xi32>,
    %get3A_1358 = vector.shape_cast %get3A_1357 : vector<16xi32> to vector<16xi32>
    %add3A_1359 = arith.addi %mul3A_1355, %get3A_1358 : vector<16xi32>
    %swap3A_1360 = arith.constant 10 : i32
    %swap3A_1361 = arith.index_cast %swap3A_1360 : i32 to index
    %swap3A_1362 = arith.constant 16 : index
    %swap3A_1363 = tpu.vector_load %arg7[%swap3A_1361, %swap3A_1362] {strides = array<i32>} : memref<16x128xi32, #tpu.memory_space<vmem>>, vector<1x16xi32>,
    %swap3A_1364 = vector.shape_cast %swap3A_1363 : vector<1x16xi32> to vector<16xi32>
    %swap3A_1365 = vector.shape_cast %add3A_1359 : vector<16xi32> to vector<1x16xi32>
    tpu.vector_store %arg7[%swap3A_1361, %swap3A_1362], %swap3A_1365 {strides = array<i32>} : memref<16x128xi32, #tpu.memory_space<vmem>>, vector<1x16xi32>,
    %get3A_1366 = arith.constant 1312 : index
    %get3A_1367 = tpu.vector_load %arg6[%get3A_1366] {strides = array<i32>} : memref<2048xi32, #tpu.memory_space<vmem>>, vector<16xi32>,
    %get3A_1368 = vector.shape_cast %get3A_1367 : vector<16xi32> to vector<16xi32>
    %mul3A_1369 = arith.constant 256 : i32
    %mul3A_1370 = vector.broadcast %mul3A_1369 : i32 to vector<16xi32>
    %mul3A_1371 = arith.muli %get3A_1368, %mul3A_1370 : vector<16xi32>
    %get3A_1372 = arith.constant 1312 : index
    %get3A_1373 = tpu.vector_load %arg5[%get3A_1372] {strides = array<i32>} : memref<2048xi32, #tpu.memory_space<vmem>>, vector<16xi32>,
    %get3A_1374 = vector.shape_cast %get3A_1373 : vector<16xi32> to vector<16xi32>
    %add3A_1375 = arith.addi %mul3A_1371, %get3A_1374 : vector<16xi32>
    %swap3A_1376 = arith.constant 10 : i32
    %swap3A_1377 = arith.index_cast %swap3A_1376 : i32 to index
    %swap3A_1378 = arith.constant 32 : index
    %swap3A_1379 = tpu.vector_load %arg7[%swap3A_1377, %swap3A_1378] {strides = array<i32>} : memref<16x128xi32, #tpu.memory_space<vmem>>, vector<1x16xi32>,
    %swap3A_1380 = vector.shape_cast %swap3A_1379 : vector<1x16xi32> to vector<16xi32>
    %swap3A_1381 = vector.shape_cast %add3A_1375 : vector<16xi32> to vector<1x16xi32>
    tpu.vector_store %arg7[%swap3A_1377, %swap3A_1378], %swap3A_1381 {strides = array<i32>} : memref<16x128xi32, #tpu.memory_space<vmem>>, vector<1x16xi32>,
    %get3A_1382 = arith.constant 1328 : index
    %get3A_1383 = tpu.vector_load %arg6[%get3A_1382] {strides = array<i32>} : memref<2048xi32, #tpu.memory_space<vmem>>, vector<16xi32>,
    %get3A_1384 = vector.shape_cast %get3A_1383 : vector<16xi32> to vector<16xi32>
    %mul3A_1385 = arith.constant 256 : i32
    %mul3A_1386 = vector.broadcast %mul3A_1385 : i32 to vector<16xi32>
    %mul3A_1387 = arith.muli %get3A_1384, %mul3A_1386 : vector<16xi32>
    %get3A_1388 = arith.constant 1328 : index
    %get3A_1389 = tpu.vector_load %arg5[%get3A_1388] {strides = array<i32>} : memref<2048xi32, #tpu.memory_space<vmem>>, vector<16xi32>,
    %get3A_1390 = vector.shape_cast %get3A_1389 : vector<16xi32> to vector<16xi32>
    %add3A_1391 = arith.addi %mul3A_1387, %get3A_1390 : vector<16xi32>
    %swap3A_1392 = arith.constant 10 : i32
    %swap3A_1393 = arith.index_cast %swap3A_1392 : i32 to index
    %swap3A_1394 = arith.constant 48 : index
    %swap3A_1395 = tpu.vector_load %arg7[%swap3A_1393, %swap3A_1394] {strides = array<i32>} : memref<16x128xi32, #tpu.memory_space<vmem>>, vector<1x16xi32>,
    %swap3A_1396 = vector.shape_cast %swap3A_1395 : vector<1x16xi32> to vector<16xi32>
    %swap3A_1397 = vector.shape_cast %add3A_1391 : vector<16xi32> to vector<1x16xi32>
    tpu.vector_store %arg7[%swap3A_1393, %swap3A_1394], %swap3A_1397 {strides = array<i32>} : memref<16x128xi32, #tpu.memory_space<vmem>>, vector<1x16xi32>,
    %get3A_1398 = arith.constant 1344 : index
    %get3A_1399 = tpu.vector_load %arg6[%get3A_1398] {strides = array<i32>} : memref<2048xi32, #tpu.memory_space<vmem>>, vector<16xi32>,
    %get3A_1400 = vector.shape_cast %get3A_1399 : vector<16xi32> to vector<16xi32>
    %mul3A_1401 = arith.constant 256 : i32
    %mul3A_1402 = vector.broadcast %mul3A_1401 : i32 to vector<16xi32>
    %mul3A_1403 = arith.muli %get3A_1400, %mul3A_1402 : vector<16xi32>
    %get3A_1404 = arith.constant 1344 : index
    %get3A_1405 = tpu.vector_load %arg5[%get3A_1404] {strides = array<i32>} : memref<2048xi32, #tpu.memory_space<vmem>>, vector<16xi32>,
    %get3A_1406 = vector.shape_cast %get3A_1405 : vector<16xi32> to vector<16xi32>
    %add3A_1407 = arith.addi %mul3A_1403, %get3A_1406 : vector<16xi32>
    %swap3A_1408 = arith.constant 10 : i32
    %swap3A_1409 = arith.index_cast %swap3A_1408 : i32 to index
    %swap3A_1410 = arith.constant 64 : index
    %swap3A_1411 = tpu.vector_load %arg7[%swap3A_1409, %swap3A_1410] {strides = array<i32>} : memref<16x128xi32, #tpu.memory_space<vmem>>, vector<1x16xi32>,
    %swap3A_1412 = vector.shape_cast %swap3A_1411 : vector<1x16xi32> to vector<16xi32>
    %swap3A_1413 = vector.shape_cast %add3A_1407 : vector<16xi32> to vector<1x16xi32>
    tpu.vector_store %arg7[%swap3A_1409, %swap3A_1410], %swap3A_1413 {strides = array<i32>} : memref<16x128xi32, #tpu.memory_space<vmem>>, vector<1x16xi32>,
    %get3A_1414 = arith.constant 1360 : index
    %get3A_1415 = tpu.vector_load %arg6[%get3A_1414] {strides = array<i32>} : memref<2048xi32, #tpu.memory_space<vmem>>, vector<16xi32>,
    %get3A_1416 = vector.shape_cast %get3A_1415 : vector<16xi32> to vector<16xi32>
    %mul3A_1417 = arith.constant 256 : i32
    %mul3A_1418 = vector.broadcast %mul3A_1417 : i32 to vector<16xi32>
    %mul3A_1419 = arith.muli %get3A_1416, %mul3A_1418 : vector<16xi32>
    %get3A_1420 = arith.constant 1360 : index
    %get3A_1421 = tpu.vector_load %arg5[%get3A_1420] {strides = array<i32>} : memref<2048xi32, #tpu.memory_space<vmem>>, vector<16xi32>,
    %get3A_1422 = vector.shape_cast %get3A_1421 : vector<16xi32> to vector<16xi32>
    %add3A_1423 = arith.addi %mul3A_1419, %get3A_1422 : vector<16xi32>
    %swap3A_1424 = arith.constant 10 : i32
    %swap3A_1425 = arith.index_cast %swap3A_1424 : i32 to index
    %swap3A_1426 = arith.constant 80 : index
    %swap3A_1427 = tpu.vector_load %arg7[%swap3A_1425, %swap3A_1426] {strides = array<i32>} : memref<16x128xi32, #tpu.memory_space<vmem>>, vector<1x16xi32>,
    %swap3A_1428 = vector.shape_cast %swap3A_1427 : vector<1x16xi32> to vector<16xi32>
    %swap3A_1429 = vector.shape_cast %add3A_1423 : vector<16xi32> to vector<1x16xi32>
    tpu.vector_store %arg7[%swap3A_1425, %swap3A_1426], %swap3A_1429 {strides = array<i32>} : memref<16x128xi32, #tpu.memory_space<vmem>>, vector<1x16xi32>,
    %get3A_1430 = arith.constant 1376 : index
    %get3A_1431 = tpu.vector_load %arg6[%get3A_1430] {strides = array<i32>} : memref<2048xi32, #tpu.memory_space<vmem>>, vector<16xi32>,
    %get3A_1432 = vector.shape_cast %get3A_1431 : vector<16xi32> to vector<16xi32>
    %mul3A_1433 = arith.constant 256 : i32
    %mul3A_1434 = vector.broadcast %mul3A_1433 : i32 to vector<16xi32>
    %mul3A_1435 = arith.muli %get3A_1432, %mul3A_1434 : vector<16xi32>
    %get3A_1436 = arith.constant 1376 : index
    %get3A_1437 = tpu.vector_load %arg5[%get3A_1436] {strides = array<i32>} : memref<2048xi32, #tpu.memory_space<vmem>>, vector<16xi32>,
    %get3A_1438 = vector.shape_cast %get3A_1437 : vector<16xi32> to vector<16xi32>
    %add3A_1439 = arith.addi %mul3A_1435, %get3A_1438 : vector<16xi32>
    %swap3A_1440 = arith.constant 10 : i32
    %swap3A_1441 = arith.index_cast %swap3A_1440 : i32 to index
    %swap3A_1442 = arith.constant 96 : index
    %swap3A_1443 = tpu.vector_load %arg7[%swap3A_1441, %swap3A_1442] {strides = array<i32>} : memref<16x128xi32, #tpu.memory_space<vmem>>, vector<1x16xi32>,
    %swap3A_1444 = vector.shape_cast %swap3A_1443 : vector<1x16xi32> to vector<16xi32>
    %swap3A_1445 = vector.shape_cast %add3A_1439 : vector<16xi32> to vector<1x16xi32>
    tpu.vector_store %arg7[%swap3A_1441, %swap3A_1442], %swap3A_1445 {strides = array<i32>} : memref<16x128xi32, #tpu.memory_space<vmem>>, vector<1x16xi32>,
    %get3A_1446 = arith.constant 1392 : index
    %get3A_1447 = tpu.vector_load %arg6[%get3A_1446] {strides = array<i32>} : memref<2048xi32, #tpu.memory_space<vmem>>, vector<16xi32>,
    %get3A_1448 = vector.shape_cast %get3A_1447 : vector<16xi32> to vector<16xi32>
    %mul3A_1449 = arith.constant 256 : i32
    %mul3A_1450 = vector.broadcast %mul3A_1449 : i32 to vector<16xi32>
    %mul3A_1451 = arith.muli %get3A_1448, %mul3A_1450 : vector<16xi32>
    %get3A_1452 = arith.constant 1392 : index
    %get3A_1453 = tpu.vector_load %arg5[%get3A_1452] {strides = array<i32>} : memref<2048xi32, #tpu.memory_space<vmem>>, vector<16xi32>,
    %get3A_1454 = vector.shape_cast %get3A_1453 : vector<16xi32> to vector<16xi32>
    %add3A_1455 = arith.addi %mul3A_1451, %get3A_1454 : vector<16xi32>
    %swap3A_1456 = arith.constant 10 : i32
    %swap3A_1457 = arith.index_cast %swap3A_1456 : i32 to index
    %swap3A_1458 = arith.constant 112 : index
    %swap3A_1459 = tpu.vector_load %arg7[%swap3A_1457, %swap3A_1458] {strides = array<i32>} : memref<16x128xi32, #tpu.memory_space<vmem>>, vector<1x16xi32>,
    %swap3A_1460 = vector.shape_cast %swap3A_1459 : vector<1x16xi32> to vector<16xi32>
    %swap3A_1461 = vector.shape_cast %add3A_1455 : vector<16xi32> to vector<1x16xi32>
    tpu.vector_store %arg7[%swap3A_1457, %swap3A_1458], %swap3A_1461 {strides = array<i32>} : memref<16x128xi32, #tpu.memory_space<vmem>>, vector<1x16xi32>,
    %get3A_1462 = arith.constant 1408 : index
    %get3A_1463 = tpu.vector_load %arg6[%get3A_1462] {strides = array<i32>} : memref<2048xi32, #tpu.memory_space<vmem>>, vector<16xi32>,
    %get3A_1464 = vector.shape_cast %get3A_1463 : vector<16xi32> to vector<16xi32>
    %mul3A_1465 = arith.constant 256 : i32
    %mul3A_1466 = vector.broadcast %mul3A_1465 : i32 to vector<16xi32>
    %mul3A_1467 = arith.muli %get3A_1464, %mul3A_1466 : vector<16xi32>
    %get3A_1468 = arith.constant 1408 : index
    %get3A_1469 = tpu.vector_load %arg5[%get3A_1468] {strides = array<i32>} : memref<2048xi32, #tpu.memory_space<vmem>>, vector<16xi32>,
    %get3A_1470 = vector.shape_cast %get3A_1469 : vector<16xi32> to vector<16xi32>
    %add3A_1471 = arith.addi %mul3A_1467, %get3A_1470 : vector<16xi32>
    %swap3A_1472 = arith.constant 11 : i32
    %swap3A_1473 = arith.index_cast %swap3A_1472 : i32 to index
    %swap3A_1474 = arith.constant 0 : index
    %swap3A_1475 = tpu.vector_load %arg7[%swap3A_1473, %swap3A_1474] {strides = array<i32>} : memref<16x128xi32, #tpu.memory_space<vmem>>, vector<1x16xi32>,
    %swap3A_1476 = vector.shape_cast %swap3A_1475 : vector<1x16xi32> to vector<16xi32>
    %swap3A_1477 = vector.shape_cast %add3A_1471 : vector<16xi32> to vector<1x16xi32>
    tpu.vector_store %arg7[%swap3A_1473, %swap3A_1474], %swap3A_1477 {strides = array<i32>} : memref<16x128xi32, #tpu.memory_space<vmem>>, vector<1x16xi32>,
    %get3A_1478 = arith.constant 1424 : index
    %get3A_1479 = tpu.vector_load %arg6[%get3A_1478] {strides = array<i32>} : memref<2048xi32, #tpu.memory_space<vmem>>, vector<16xi32>,
    %get3A_1480 = vector.shape_cast %get3A_1479 : vector<16xi32> to vector<16xi32>
    %mul3A_1481 = arith.constant 256 : i32
    %mul3A_1482 = vector.broadcast %mul3A_1481 : i32 to vector<16xi32>
    %mul3A_1483 = arith.muli %get3A_1480, %mul3A_1482 : vector<16xi32>
    %get3A_1484 = arith.constant 1424 : index
    %get3A_1485 = tpu.vector_load %arg5[%get3A_1484] {strides = array<i32>} : memref<2048xi32, #tpu.memory_space<vmem>>, vector<16xi32>,
    %get3A_1486 = vector.shape_cast %get3A_1485 : vector<16xi32> to vector<16xi32>
    %add3A_1487 = arith.addi %mul3A_1483, %get3A_1486 : vector<16xi32>
    %swap3A_1488 = arith.constant 11 : i32
    %swap3A_1489 = arith.index_cast %swap3A_1488 : i32 to index
    %swap3A_1490 = arith.constant 16 : index
    %swap3A_1491 = tpu.vector_load %arg7[%swap3A_1489, %swap3A_1490] {strides = array<i32>} : memref<16x128xi32, #tpu.memory_space<vmem>>, vector<1x16xi32>,
    %swap3A_1492 = vector.shape_cast %swap3A_1491 : vector<1x16xi32> to vector<16xi32>
    %swap3A_1493 = vector.shape_cast %add3A_1487 : vector<16xi32> to vector<1x16xi32>
    tpu.vector_store %arg7[%swap3A_1489, %swap3A_1490], %swap3A_1493 {strides = array<i32>} : memref<16x128xi32, #tpu.memory_space<vmem>>, vector<1x16xi32>,
    %get3A_1494 = arith.constant 1440 : index
    %get3A_1495 = tpu.vector_load %arg6[%get3A_1494] {strides = array<i32>} : memref<2048xi32, #tpu.memory_space<vmem>>, vector<16xi32>,
    %get3A_1496 = vector.shape_cast %get3A_1495 : vector<16xi32> to vector<16xi32>
    %mul3A_1497 = arith.constant 256 : i32
    %mul3A_1498 = vector.broadcast %mul3A_1497 : i32 to vector<16xi32>
    %mul3A_1499 = arith.muli %get3A_1496, %mul3A_1498 : vector<16xi32>
    %get3A_1500 = arith.constant 1440 : index
    %get3A_1501 = tpu.vector_load %arg5[%get3A_1500] {strides = array<i32>} : memref<2048xi32, #tpu.memory_space<vmem>>, vector<16xi32>,
    %get3A_1502 = vector.shape_cast %get3A_1501 : vector<16xi32> to vector<16xi32>
    %add3A_1503 = arith.addi %mul3A_1499, %get3A_1502 : vector<16xi32>
    %swap3A_1504 = arith.constant 11 : i32
    %swap3A_1505 = arith.index_cast %swap3A_1504 : i32 to index
    %swap3A_1506 = arith.constant 32 : index
    %swap3A_1507 = tpu.vector_load %arg7[%swap3A_1505, %swap3A_1506] {strides = array<i32>} : memref<16x128xi32, #tpu.memory_space<vmem>>, vector<1x16xi32>,
    %swap3A_1508 = vector.shape_cast %swap3A_1507 : vector<1x16xi32> to vector<16xi32>
    %swap3A_1509 = vector.shape_cast %add3A_1503 : vector<16xi32> to vector<1x16xi32>
    tpu.vector_store %arg7[%swap3A_1505, %swap3A_1506], %swap3A_1509 {strides = array<i32>} : memref<16x128xi32, #tpu.memory_space<vmem>>, vector<1x16xi32>,
    %get3A_1510 = arith.constant 1456 : index
    %get3A_1511 = tpu.vector_load %arg6[%get3A_1510] {strides = array<i32>} : memref<2048xi32, #tpu.memory_space<vmem>>, vector<16xi32>,
    %get3A_1512 = vector.shape_cast %get3A_1511 : vector<16xi32> to vector<16xi32>
    %mul3A_1513 = arith.constant 256 : i32
    %mul3A_1514 = vector.broadcast %mul3A_1513 : i32 to vector<16xi32>
    %mul3A_1515 = arith.muli %get3A_1512, %mul3A_1514 : vector<16xi32>
    %get3A_1516 = arith.constant 1456 : index
    %get3A_1517 = tpu.vector_load %arg5[%get3A_1516] {strides = array<i32>} : memref<2048xi32, #tpu.memory_space<vmem>>, vector<16xi32>,
    %get3A_1518 = vector.shape_cast %get3A_1517 : vector<16xi32> to vector<16xi32>
    %add3A_1519 = arith.addi %mul3A_1515, %get3A_1518 : vector<16xi32>
    %swap3A_1520 = arith.constant 11 : i32
    %swap3A_1521 = arith.index_cast %swap3A_1520 : i32 to index
    %swap3A_1522 = arith.constant 48 : index
    %swap3A_1523 = tpu.vector_load %arg7[%swap3A_1521, %swap3A_1522] {strides = array<i32>} : memref<16x128xi32, #tpu.memory_space<vmem>>, vector<1x16xi32>,
    %swap3A_1524 = vector.shape_cast %swap3A_1523 : vector<1x16xi32> to vector<16xi32>
    %swap3A_1525 = vector.shape_cast %add3A_1519 : vector<16xi32> to vector<1x16xi32>
    tpu.vector_store %arg7[%swap3A_1521, %swap3A_1522], %swap3A_1525 {strides = array<i32>} : memref<16x128xi32, #tpu.memory_space<vmem>>, vector<1x16xi32>,
    %get3A_1526 = arith.constant 1472 : index
    %get3A_1527 = tpu.vector_load %arg6[%get3A_1526] {strides = array<i32>} : memref<2048xi32, #tpu.memory_space<vmem>>, vector<16xi32>,
    %get3A_1528 = vector.shape_cast %get3A_1527 : vector<16xi32> to vector<16xi32>
    %mul3A_1529 = arith.constant 256 : i32
    %mul3A_1530 = vector.broadcast %mul3A_1529 : i32 to vector<16xi32>
    %mul3A_1531 = arith.muli %get3A_1528, %mul3A_1530 : vector<16xi32>
    %get3A_1532 = arith.constant 1472 : index
    %get3A_1533 = tpu.vector_load %arg5[%get3A_1532] {strides = array<i32>} : memref<2048xi32, #tpu.memory_space<vmem>>, vector<16xi32>,
    %get3A_1534 = vector.shape_cast %get3A_1533 : vector<16xi32> to vector<16xi32>
    %add3A_1535 = arith.addi %mul3A_1531, %get3A_1534 : vector<16xi32>
    %swap3A_1536 = arith.constant 11 : i32
    %swap3A_1537 = arith.index_cast %swap3A_1536 : i32 to index
    %swap3A_1538 = arith.constant 64 : index
    %swap3A_1539 = tpu.vector_load %arg7[%swap3A_1537, %swap3A_1538] {strides = array<i32>} : memref<16x128xi32, #tpu.memory_space<vmem>>, vector<1x16xi32>,
    %swap3A_1540 = vector.shape_cast %swap3A_1539 : vector<1x16xi32> to vector<16xi32>
    %swap3A_1541 = vector.shape_cast %add3A_1535 : vector<16xi32> to vector<1x16xi32>
    tpu.vector_store %arg7[%swap3A_1537, %swap3A_1538], %swap3A_1541 {strides = array<i32>} : memref<16x128xi32, #tpu.memory_space<vmem>>, vector<1x16xi32>,
    %get3A_1542 = arith.constant 1488 : index
    %get3A_1543 = tpu.vector_load %arg6[%get3A_1542] {strides = array<i32>} : memref<2048xi32, #tpu.memory_space<vmem>>, vector<16xi32>,
    %get3A_1544 = vector.shape_cast %get3A_1543 : vector<16xi32> to vector<16xi32>
    %mul3A_1545 = arith.constant 256 : i32
    %mul3A_1546 = vector.broadcast %mul3A_1545 : i32 to vector<16xi32>
    %mul3A_1547 = arith.muli %get3A_1544, %mul3A_1546 : vector<16xi32>
    %get3A_1548 = arith.constant 1488 : index
    %get3A_1549 = tpu.vector_load %arg5[%get3A_1548] {strides = array<i32>} : memref<2048xi32, #tpu.memory_space<vmem>>, vector<16xi32>,
    %get3A_1550 = vector.shape_cast %get3A_1549 : vector<16xi32> to vector<16xi32>
    %add3A_1551 = arith.addi %mul3A_1547, %get3A_1550 : vector<16xi32>
    %swap3A_1552 = arith.constant 11 : i32
    %swap3A_1553 = arith.index_cast %swap3A_1552 : i32 to index
    %swap3A_1554 = arith.constant 80 : index
    %swap3A_1555 = tpu.vector_load %arg7[%swap3A_1553, %swap3A_1554] {strides = array<i32>} : memref<16x128xi32, #tpu.memory_space<vmem>>, vector<1x16xi32>,
    %swap3A_1556 = vector.shape_cast %swap3A_1555 : vector<1x16xi32> to vector<16xi32>
    %swap3A_1557 = vector.shape_cast %add3A_1551 : vector<16xi32> to vector<1x16xi32>
    tpu.vector_store %arg7[%swap3A_1553, %swap3A_1554], %swap3A_1557 {strides = array<i32>} : memref<16x128xi32, #tpu.memory_space<vmem>>, vector<1x16xi32>,
    %get3A_1558 = arith.constant 1504 : index
    %get3A_1559 = tpu.vector_load %arg6[%get3A_1558] {strides = array<i32>} : memref<2048xi32, #tpu.memory_space<vmem>>, vector<16xi32>,
    %get3A_1560 = vector.shape_cast %get3A_1559 : vector<16xi32> to vector<16xi32>
    %mul3A_1561 = arith.constant 256 : i32
    %mul3A_1562 = vector.broadcast %mul3A_1561 : i32 to vector<16xi32>
    %mul3A_1563 = arith.muli %get3A_1560, %mul3A_1562 : vector<16xi32>
    %get3A_1564 = arith.constant 1504 : index
    %get3A_1565 = tpu.vector_load %arg5[%get3A_1564] {strides = array<i32>} : memref<2048xi32, #tpu.memory_space<vmem>>, vector<16xi32>,
    %get3A_1566 = vector.shape_cast %get3A_1565 : vector<16xi32> to vector<16xi32>
    %add3A_1567 = arith.addi %mul3A_1563, %get3A_1566 : vector<16xi32>
    %swap3A_1568 = arith.constant 11 : i32
    %swap3A_1569 = arith.index_cast %swap3A_1568 : i32 to index
    %swap3A_1570 = arith.constant 96 : index
    %swap3A_1571 = tpu.vector_load %arg7[%swap3A_1569, %swap3A_1570] {strides = array<i32>} : memref<16x128xi32, #tpu.memory_space<vmem>>, vector<1x16xi32>,
    %swap3A_1572 = vector.shape_cast %swap3A_1571 : vector<1x16xi32> to vector<16xi32>
    %swap3A_1573 = vector.shape_cast %add3A_1567 : vector<16xi32> to vector<1x16xi32>
    tpu.vector_store %arg7[%swap3A_1569, %swap3A_1570], %swap3A_1573 {strides = array<i32>} : memref<16x128xi32, #tpu.memory_space<vmem>>, vector<1x16xi32>,
    %get3A_1574 = arith.constant 1520 : index
    %get3A_1575 = tpu.vector_load %arg6[%get3A_1574] {strides = array<i32>} : memref<2048xi32, #tpu.memory_space<vmem>>, vector<16xi32>,
    %get3A_1576 = vector.shape_cast %get3A_1575 : vector<16xi32> to vector<16xi32>
    %mul3A_1577 = arith.constant 256 : i32
    %mul3A_1578 = vector.broadcast %mul3A_1577 : i32 to vector<16xi32>
    %mul3A_1579 = arith.muli %get3A_1576, %mul3A_1578 : vector<16xi32>
    %get3A_1580 = arith.constant 1520 : index
    %get3A_1581 = tpu.vector_load %arg5[%get3A_1580] {strides = array<i32>} : memref<2048xi32, #tpu.memory_space<vmem>>, vector<16xi32>,
    %get3A_1582 = vector.shape_cast %get3A_1581 : vector<16xi32> to vector<16xi32>
    %add3A_1583 = arith.addi %mul3A_1579, %get3A_1582 : vector<16xi32>
    %swap3A_1584 = arith.constant 11 : i32
    %swap3A_1585 = arith.index_cast %swap3A_1584 : i32 to index
    %swap3A_1586 = arith.constant 112 : index
    %swap3A_1587 = tpu.vector_load %arg7[%swap3A_1585, %swap3A_1586] {strides = array<i32>} : memref<16x128xi32, #tpu.memory_space<vmem>>, vector<1x16xi32>,
    %swap3A_1588 = vector.shape_cast %swap3A_1587 : vector<1x16xi32> to vector<16xi32>
    %swap3A_1589 = vector.shape_cast %add3A_1583 : vector<16xi32> to vector<1x16xi32>
    tpu.vector_store %arg7[%swap3A_1585, %swap3A_1586], %swap3A_1589 {strides = array<i32>} : memref<16x128xi32, #tpu.memory_space<vmem>>, vector<1x16xi32>,
    %get3A_1590 = arith.constant 1536 : index
    %get3A_1591 = tpu.vector_load %arg6[%get3A_1590] {strides = array<i32>} : memref<2048xi32, #tpu.memory_space<vmem>>, vector<16xi32>,
    %get3A_1592 = vector.shape_cast %get3A_1591 : vector<16xi32> to vector<16xi32>
    %mul3A_1593 = arith.constant 256 : i32
    %mul3A_1594 = vector.broadcast %mul3A_1593 : i32 to vector<16xi32>
    %mul3A_1595 = arith.muli %get3A_1592, %mul3A_1594 : vector<16xi32>
    %get3A_1596 = arith.constant 1536 : index
    %get3A_1597 = tpu.vector_load %arg5[%get3A_1596] {strides = array<i32>} : memref<2048xi32, #tpu.memory_space<vmem>>, vector<16xi32>,
    %get3A_1598 = vector.shape_cast %get3A_1597 : vector<16xi32> to vector<16xi32>
    %add3A_1599 = arith.addi %mul3A_1595, %get3A_1598 : vector<16xi32>
    %swap3A_1600 = arith.constant 12 : i32
    %swap3A_1601 = arith.index_cast %swap3A_1600 : i32 to index
    %swap3A_1602 = arith.constant 0 : index
    %swap3A_1603 = tpu.vector_load %arg7[%swap3A_1601, %swap3A_1602] {strides = array<i32>} : memref<16x128xi32, #tpu.memory_space<vmem>>, vector<1x16xi32>,
    %swap3A_1604 = vector.shape_cast %swap3A_1603 : vector<1x16xi32> to vector<16xi32>
    %swap3A_1605 = vector.shape_cast %add3A_1599 : vector<16xi32> to vector<1x16xi32>
    tpu.vector_store %arg7[%swap3A_1601, %swap3A_1602], %swap3A_1605 {strides = array<i32>} : memref<16x128xi32, #tpu.memory_space<vmem>>, vector<1x16xi32>,
    %get3A_1606 = arith.constant 1552 : index
    %get3A_1607 = tpu.vector_load %arg6[%get3A_1606] {strides = array<i32>} : memref<2048xi32, #tpu.memory_space<vmem>>, vector<16xi32>,
    %get3A_1608 = vector.shape_cast %get3A_1607 : vector<16xi32> to vector<16xi32>
    %mul3A_1609 = arith.constant 256 : i32
    %mul3A_1610 = vector.broadcast %mul3A_1609 : i32 to vector<16xi32>
    %mul3A_1611 = arith.muli %get3A_1608, %mul3A_1610 : vector<16xi32>
    %get3A_1612 = arith.constant 1552 : index
    %get3A_1613 = tpu.vector_load %arg5[%get3A_1612] {strides = array<i32>} : memref<2048xi32, #tpu.memory_space<vmem>>, vector<16xi32>,
    %get3A_1614 = vector.shape_cast %get3A_1613 : vector<16xi32> to vector<16xi32>
    %add3A_1615 = arith.addi %mul3A_1611, %get3A_1614 : vector<16xi32>
    %swap3A_1616 = arith.constant 12 : i32
    %swap3A_1617 = arith.index_cast %swap3A_1616 : i32 to index
    %swap3A_1618 = arith.constant 16 : index
    %swap3A_1619 = tpu.vector_load %arg7[%swap3A_1617, %swap3A_1618] {strides = array<i32>} : memref<16x128xi32, #tpu.memory_space<vmem>>, vector<1x16xi32>,
    %swap3A_1620 = vector.shape_cast %swap3A_1619 : vector<1x16xi32> to vector<16xi32>
    %swap3A_1621 = vector.shape_cast %add3A_1615 : vector<16xi32> to vector<1x16xi32>
    tpu.vector_store %arg7[%swap3A_1617, %swap3A_1618], %swap3A_1621 {strides = array<i32>} : memref<16x128xi32, #tpu.memory_space<vmem>>, vector<1x16xi32>,
    %get3A_1622 = arith.constant 1568 : index
    %get3A_1623 = tpu.vector_load %arg6[%get3A_1622] {strides = array<i32>} : memref<2048xi32, #tpu.memory_space<vmem>>, vector<16xi32>,
    %get3A_1624 = vector.shape_cast %get3A_1623 : vector<16xi32> to vector<16xi32>
    %mul3A_1625 = arith.constant 256 : i32
    %mul3A_1626 = vector.broadcast %mul3A_1625 : i32 to vector<16xi32>
    %mul3A_1627 = arith.muli %get3A_1624, %mul3A_1626 : vector<16xi32>
    %get3A_1628 = arith.constant 1568 : index
    %get3A_1629 = tpu.vector_load %arg5[%get3A_1628] {strides = array<i32>} : memref<2048xi32, #tpu.memory_space<vmem>>, vector<16xi32>,
    %get3A_1630 = vector.shape_cast %get3A_1629 : vector<16xi32> to vector<16xi32>
    %add3A_1631 = arith.addi %mul3A_1627, %get3A_1630 : vector<16xi32>
    %swap3A_1632 = arith.constant 12 : i32
    %swap3A_1633 = arith.index_cast %swap3A_1632 : i32 to index
    %swap3A_1634 = arith.constant 32 : index
    %swap3A_1635 = tpu.vector_load %arg7[%swap3A_1633, %swap3A_1634] {strides = array<i32>} : memref<16x128xi32, #tpu.memory_space<vmem>>, vector<1x16xi32>,
    %swap3A_1636 = vector.shape_cast %swap3A_1635 : vector<1x16xi32> to vector<16xi32>
    %swap3A_1637 = vector.shape_cast %add3A_1631 : vector<16xi32> to vector<1x16xi32>
    tpu.vector_store %arg7[%swap3A_1633, %swap3A_1634], %swap3A_1637 {strides = array<i32>} : memref<16x128xi32, #tpu.memory_space<vmem>>, vector<1x16xi32>,
    %get3A_1638 = arith.constant 1584 : index
    %get3A_1639 = tpu.vector_load %arg6[%get3A_1638] {strides = array<i32>} : memref<2048xi32, #tpu.memory_space<vmem>>, vector<16xi32>,
    %get3A_1640 = vector.shape_cast %get3A_1639 : vector<16xi32> to vector<16xi32>
    %mul3A_1641 = arith.constant 256 : i32
    %mul3A_1642 = vector.broadcast %mul3A_1641 : i32 to vector<16xi32>
    %mul3A_1643 = arith.muli %get3A_1640, %mul3A_1642 : vector<16xi32>
    %get3A_1644 = arith.constant 1584 : index
    %get3A_1645 = tpu.vector_load %arg5[%get3A_1644] {strides = array<i32>} : memref<2048xi32, #tpu.memory_space<vmem>>, vector<16xi32>,
    %get3A_1646 = vector.shape_cast %get3A_1645 : vector<16xi32> to vector<16xi32>
    %add3A_1647 = arith.addi %mul3A_1643, %get3A_1646 : vector<16xi32>
    %swap3A_1648 = arith.constant 12 : i32
    %swap3A_1649 = arith.index_cast %swap3A_1648 : i32 to index
    %swap3A_1650 = arith.constant 48 : index
    %swap3A_1651 = tpu.vector_load %arg7[%swap3A_1649, %swap3A_1650] {strides = array<i32>} : memref<16x128xi32, #tpu.memory_space<vmem>>, vector<1x16xi32>,
    %swap3A_1652 = vector.shape_cast %swap3A_1651 : vector<1x16xi32> to vector<16xi32>
    %swap3A_1653 = vector.shape_cast %add3A_1647 : vector<16xi32> to vector<1x16xi32>
    tpu.vector_store %arg7[%swap3A_1649, %swap3A_1650], %swap3A_1653 {strides = array<i32>} : memref<16x128xi32, #tpu.memory_space<vmem>>, vector<1x16xi32>,
    %get3A_1654 = arith.constant 1600 : index
    %get3A_1655 = tpu.vector_load %arg6[%get3A_1654] {strides = array<i32>} : memref<2048xi32, #tpu.memory_space<vmem>>, vector<16xi32>,
    %get3A_1656 = vector.shape_cast %get3A_1655 : vector<16xi32> to vector<16xi32>
    %mul3A_1657 = arith.constant 256 : i32
    %mul3A_1658 = vector.broadcast %mul3A_1657 : i32 to vector<16xi32>
    %mul3A_1659 = arith.muli %get3A_1656, %mul3A_1658 : vector<16xi32>
    %get3A_1660 = arith.constant 1600 : index
    %get3A_1661 = tpu.vector_load %arg5[%get3A_1660] {strides = array<i32>} : memref<2048xi32, #tpu.memory_space<vmem>>, vector<16xi32>,
    %get3A_1662 = vector.shape_cast %get3A_1661 : vector<16xi32> to vector<16xi32>
    %add3A_1663 = arith.addi %mul3A_1659, %get3A_1662 : vector<16xi32>
    %swap3A_1664 = arith.constant 12 : i32
    %swap3A_1665 = arith.index_cast %swap3A_1664 : i32 to index
    %swap3A_1666 = arith.constant 64 : index
    %swap3A_1667 = tpu.vector_load %arg7[%swap3A_1665, %swap3A_1666] {strides = array<i32>} : memref<16x128xi32, #tpu.memory_space<vmem>>, vector<1x16xi32>,
    %swap3A_1668 = vector.shape_cast %swap3A_1667 : vector<1x16xi32> to vector<16xi32>
    %swap3A_1669 = vector.shape_cast %add3A_1663 : vector<16xi32> to vector<1x16xi32>
    tpu.vector_store %arg7[%swap3A_1665, %swap3A_1666], %swap3A_1669 {strides = array<i32>} : memref<16x128xi32, #tpu.memory_space<vmem>>, vector<1x16xi32>,
    %get3A_1670 = arith.constant 1616 : index
    %get3A_1671 = tpu.vector_load %arg6[%get3A_1670] {strides = array<i32>} : memref<2048xi32, #tpu.memory_space<vmem>>, vector<16xi32>,
    %get3A_1672 = vector.shape_cast %get3A_1671 : vector<16xi32> to vector<16xi32>
    %mul3A_1673 = arith.constant 256 : i32
    %mul3A_1674 = vector.broadcast %mul3A_1673 : i32 to vector<16xi32>
    %mul3A_1675 = arith.muli %get3A_1672, %mul3A_1674 : vector<16xi32>
    %get3A_1676 = arith.constant 1616 : index
    %get3A_1677 = tpu.vector_load %arg5[%get3A_1676] {strides = array<i32>} : memref<2048xi32, #tpu.memory_space<vmem>>, vector<16xi32>,
    %get3A_1678 = vector.shape_cast %get3A_1677 : vector<16xi32> to vector<16xi32>
    %add3A_1679 = arith.addi %mul3A_1675, %get3A_1678 : vector<16xi32>
    %swap3A_1680 = arith.constant 12 : i32
    %swap3A_1681 = arith.index_cast %swap3A_1680 : i32 to index
    %swap3A_1682 = arith.constant 80 : index
    %swap3A_1683 = tpu.vector_load %arg7[%swap3A_1681, %swap3A_1682] {strides = array<i32>} : memref<16x128xi32, #tpu.memory_space<vmem>>, vector<1x16xi32>,
    %swap3A_1684 = vector.shape_cast %swap3A_1683 : vector<1x16xi32> to vector<16xi32>
    %swap3A_1685 = vector.shape_cast %add3A_1679 : vector<16xi32> to vector<1x16xi32>
    tpu.vector_store %arg7[%swap3A_1681, %swap3A_1682], %swap3A_1685 {strides = array<i32>} : memref<16x128xi32, #tpu.memory_space<vmem>>, vector<1x16xi32>,
    %get3A_1686 = arith.constant 1632 : index
    %get3A_1687 = tpu.vector_load %arg6[%get3A_1686] {strides = array<i32>} : memref<2048xi32, #tpu.memory_space<vmem>>, vector<16xi32>,
    %get3A_1688 = vector.shape_cast %get3A_1687 : vector<16xi32> to vector<16xi32>
    %mul3A_1689 = arith.constant 256 : i32
    %mul3A_1690 = vector.broadcast %mul3A_1689 : i32 to vector<16xi32>
    %mul3A_1691 = arith.muli %get3A_1688, %mul3A_1690 : vector<16xi32>
    %get3A_1692 = arith.constant 1632 : index
    %get3A_1693 = tpu.vector_load %arg5[%get3A_1692] {strides = array<i32>} : memref<2048xi32, #tpu.memory_space<vmem>>, vector<16xi32>,
    %get3A_1694 = vector.shape_cast %get3A_1693 : vector<16xi32> to vector<16xi32>
    %add3A_1695 = arith.addi %mul3A_1691, %get3A_1694 : vector<16xi32>
    %swap3A_1696 = arith.constant 12 : i32
    %swap3A_1697 = arith.index_cast %swap3A_1696 : i32 to index
    %swap3A_1698 = arith.constant 96 : index
    %swap3A_1699 = tpu.vector_load %arg7[%swap3A_1697, %swap3A_1698] {strides = array<i32>} : memref<16x128xi32, #tpu.memory_space<vmem>>, vector<1x16xi32>,
    %swap3A_1700 = vector.shape_cast %swap3A_1699 : vector<1x16xi32> to vector<16xi32>
    %swap3A_1701 = vector.shape_cast %add3A_1695 : vector<16xi32> to vector<1x16xi32>
    tpu.vector_store %arg7[%swap3A_1697, %swap3A_1698], %swap3A_1701 {strides = array<i32>} : memref<16x128xi32, #tpu.memory_space<vmem>>, vector<1x16xi32>,
    %get3A_1702 = arith.constant 1648 : index
    %get3A_1703 = tpu.vector_load %arg6[%get3A_1702] {strides = array<i32>} : memref<2048xi32, #tpu.memory_space<vmem>>, vector<16xi32>,
    %get3A_1704 = vector.shape_cast %get3A_1703 : vector<16xi32> to vector<16xi32>
    %mul3A_1705 = arith.constant 256 : i32
    %mul3A_1706 = vector.broadcast %mul3A_1705 : i32 to vector<16xi32>
    %mul3A_1707 = arith.muli %get3A_1704, %mul3A_1706 : vector<16xi32>
    %get3A_1708 = arith.constant 1648 : index
    %get3A_1709 = tpu.vector_load %arg5[%get3A_1708] {strides = array<i32>} : memref<2048xi32, #tpu.memory_space<vmem>>, vector<16xi32>,
    %get3A_1710 = vector.shape_cast %get3A_1709 : vector<16xi32> to vector<16xi32>
    %add3A_1711 = arith.addi %mul3A_1707, %get3A_1710 : vector<16xi32>
    %swap3A_1712 = arith.constant 12 : i32
    %swap3A_1713 = arith.index_cast %swap3A_1712 : i32 to index
    %swap3A_1714 = arith.constant 112 : index
    %swap3A_1715 = tpu.vector_load %arg7[%swap3A_1713, %swap3A_1714] {strides = array<i32>} : memref<16x128xi32, #tpu.memory_space<vmem>>, vector<1x16xi32>,
    %swap3A_1716 = vector.shape_cast %swap3A_1715 : vector<1x16xi32> to vector<16xi32>
    %swap3A_1717 = vector.shape_cast %add3A_1711 : vector<16xi32> to vector<1x16xi32>
    tpu.vector_store %arg7[%swap3A_1713, %swap3A_1714], %swap3A_1717 {strides = array<i32>} : memref<16x128xi32, #tpu.memory_space<vmem>>, vector<1x16xi32>,
    %get3A_1718 = arith.constant 1664 : index
    %get3A_1719 = tpu.vector_load %arg6[%get3A_1718] {strides = array<i32>} : memref<2048xi32, #tpu.memory_space<vmem>>, vector<16xi32>,
    %get3A_1720 = vector.shape_cast %get3A_1719 : vector<16xi32> to vector<16xi32>
    %mul3A_1721 = arith.constant 256 : i32
    %mul3A_1722 = vector.broadcast %mul3A_1721 : i32 to vector<16xi32>
    %mul3A_1723 = arith.muli %get3A_1720, %mul3A_1722 : vector<16xi32>
    %get3A_1724 = arith.constant 1664 : index
    %get3A_1725 = tpu.vector_load %arg5[%get3A_1724] {strides = array<i32>} : memref<2048xi32, #tpu.memory_space<vmem>>, vector<16xi32>,
    %get3A_1726 = vector.shape_cast %get3A_1725 : vector<16xi32> to vector<16xi32>
    %add3A_1727 = arith.addi %mul3A_1723, %get3A_1726 : vector<16xi32>
    %swap3A_1728 = arith.constant 13 : i32
    %swap3A_1729 = arith.index_cast %swap3A_1728 : i32 to index
    %swap3A_1730 = arith.constant 0 : index
    %swap3A_1731 = tpu.vector_load %arg7[%swap3A_1729, %swap3A_1730] {strides = array<i32>} : memref<16x128xi32, #tpu.memory_space<vmem>>, vector<1x16xi32>,
    %swap3A_1732 = vector.shape_cast %swap3A_1731 : vector<1x16xi32> to vector<16xi32>
    %swap3A_1733 = vector.shape_cast %add3A_1727 : vector<16xi32> to vector<1x16xi32>
    tpu.vector_store %arg7[%swap3A_1729, %swap3A_1730], %swap3A_1733 {strides = array<i32>} : memref<16x128xi32, #tpu.memory_space<vmem>>, vector<1x16xi32>,
    %get3A_1734 = arith.constant 1680 : index
    %get3A_1735 = tpu.vector_load %arg6[%get3A_1734] {strides = array<i32>} : memref<2048xi32, #tpu.memory_space<vmem>>, vector<16xi32>,
    %get3A_1736 = vector.shape_cast %get3A_1735 : vector<16xi32> to vector<16xi32>
    %mul3A_1737 = arith.constant 256 : i32
    %mul3A_1738 = vector.broadcast %mul3A_1737 : i32 to vector<16xi32>
    %mul3A_1739 = arith.muli %get3A_1736, %mul3A_1738 : vector<16xi32>
    %get3A_1740 = arith.constant 1680 : index
    %get3A_1741 = tpu.vector_load %arg5[%get3A_1740] {strides = array<i32>} : memref<2048xi32, #tpu.memory_space<vmem>>, vector<16xi32>,
    %get3A_1742 = vector.shape_cast %get3A_1741 : vector<16xi32> to vector<16xi32>
    %add3A_1743 = arith.addi %mul3A_1739, %get3A_1742 : vector<16xi32>
    %swap3A_1744 = arith.constant 13 : i32
    %swap3A_1745 = arith.index_cast %swap3A_1744 : i32 to index
    %swap3A_1746 = arith.constant 16 : index
    %swap3A_1747 = tpu.vector_load %arg7[%swap3A_1745, %swap3A_1746] {strides = array<i32>} : memref<16x128xi32, #tpu.memory_space<vmem>>, vector<1x16xi32>,
    %swap3A_1748 = vector.shape_cast %swap3A_1747 : vector<1x16xi32> to vector<16xi32>
    %swap3A_1749 = vector.shape_cast %add3A_1743 : vector<16xi32> to vector<1x16xi32>
    tpu.vector_store %arg7[%swap3A_1745, %swap3A_1746], %swap3A_1749 {strides = array<i32>} : memref<16x128xi32, #tpu.memory_space<vmem>>, vector<1x16xi32>,
    %get3A_1750 = arith.constant 1696 : index
    %get3A_1751 = tpu.vector_load %arg6[%get3A_1750] {strides = array<i32>} : memref<2048xi32, #tpu.memory_space<vmem>>, vector<16xi32>,
    %get3A_1752 = vector.shape_cast %get3A_1751 : vector<16xi32> to vector<16xi32>
    %mul3A_1753 = arith.constant 256 : i32
    %mul3A_1754 = vector.broadcast %mul3A_1753 : i32 to vector<16xi32>
    %mul3A_1755 = arith.muli %get3A_1752, %mul3A_1754 : vector<16xi32>
    %get3A_1756 = arith.constant 1696 : index
    %get3A_1757 = tpu.vector_load %arg5[%get3A_1756] {strides = array<i32>} : memref<2048xi32, #tpu.memory_space<vmem>>, vector<16xi32>,
    %get3A_1758 = vector.shape_cast %get3A_1757 : vector<16xi32> to vector<16xi32>
    %add3A_1759 = arith.addi %mul3A_1755, %get3A_1758 : vector<16xi32>
    %swap3A_1760 = arith.constant 13 : i32
    %swap3A_1761 = arith.index_cast %swap3A_1760 : i32 to index
    %swap3A_1762 = arith.constant 32 : index
    %swap3A_1763 = tpu.vector_load %arg7[%swap3A_1761, %swap3A_1762] {strides = array<i32>} : memref<16x128xi32, #tpu.memory_space<vmem>>, vector<1x16xi32>,
    %swap3A_1764 = vector.shape_cast %swap3A_1763 : vector<1x16xi32> to vector<16xi32>
    %swap3A_1765 = vector.shape_cast %add3A_1759 : vector<16xi32> to vector<1x16xi32>
    tpu.vector_store %arg7[%swap3A_1761, %swap3A_1762], %swap3A_1765 {strides = array<i32>} : memref<16x128xi32, #tpu.memory_space<vmem>>, vector<1x16xi32>,
    %get3A_1766 = arith.constant 1712 : index
    %get3A_1767 = tpu.vector_load %arg6[%get3A_1766] {strides = array<i32>} : memref<2048xi32, #tpu.memory_space<vmem>>, vector<16xi32>,
    %get3A_1768 = vector.shape_cast %get3A_1767 : vector<16xi32> to vector<16xi32>
    %mul3A_1769 = arith.constant 256 : i32
    %mul3A_1770 = vector.broadcast %mul3A_1769 : i32 to vector<16xi32>
    %mul3A_1771 = arith.muli %get3A_1768, %mul3A_1770 : vector<16xi32>
    %get3A_1772 = arith.constant 1712 : index
    %get3A_1773 = tpu.vector_load %arg5[%get3A_1772] {strides = array<i32>} : memref<2048xi32, #tpu.memory_space<vmem>>, vector<16xi32>,
    %get3A_1774 = vector.shape_cast %get3A_1773 : vector<16xi32> to vector<16xi32>
    %add3A_1775 = arith.addi %mul3A_1771, %get3A_1774 : vector<16xi32>
    %swap3A_1776 = arith.constant 13 : i32
    %swap3A_1777 = arith.index_cast %swap3A_1776 : i32 to index
    %swap3A_1778 = arith.constant 48 : index
    %swap3A_1779 = tpu.vector_load %arg7[%swap3A_1777, %swap3A_1778] {strides = array<i32>} : memref<16x128xi32, #tpu.memory_space<vmem>>, vector<1x16xi32>,
    %swap3A_1780 = vector.shape_cast %swap3A_1779 : vector<1x16xi32> to vector<16xi32>
    %swap3A_1781 = vector.shape_cast %add3A_1775 : vector<16xi32> to vector<1x16xi32>
    tpu.vector_store %arg7[%swap3A_1777, %swap3A_1778], %swap3A_1781 {strides = array<i32>} : memref<16x128xi32, #tpu.memory_space<vmem>>, vector<1x16xi32>,
    %get3A_1782 = arith.constant 1728 : index
    %get3A_1783 = tpu.vector_load %arg6[%get3A_1782] {strides = array<i32>} : memref<2048xi32, #tpu.memory_space<vmem>>, vector<16xi32>,
    %get3A_1784 = vector.shape_cast %get3A_1783 : vector<16xi32> to vector<16xi32>
    %mul3A_1785 = arith.constant 256 : i32
    %mul3A_1786 = vector.broadcast %mul3A_1785 : i32 to vector<16xi32>
    %mul3A_1787 = arith.muli %get3A_1784, %mul3A_1786 : vector<16xi32>
    %get3A_1788 = arith.constant 1728 : index
    %get3A_1789 = tpu.vector_load %arg5[%get3A_1788] {strides = array<i32>} : memref<2048xi32, #tpu.memory_space<vmem>>, vector<16xi32>,
    %get3A_1790 = vector.shape_cast %get3A_1789 : vector<16xi32> to vector<16xi32>
    %add3A_1791 = arith.addi %mul3A_1787, %get3A_1790 : vector<16xi32>
    %swap3A_1792 = arith.constant 13 : i32
    %swap3A_1793 = arith.index_cast %swap3A_1792 : i32 to index
    %swap3A_1794 = arith.constant 64 : index
    %swap3A_1795 = tpu.vector_load %arg7[%swap3A_1793, %swap3A_1794] {strides = array<i32>} : memref<16x128xi32, #tpu.memory_space<vmem>>, vector<1x16xi32>,
    %swap3A_1796 = vector.shape_cast %swap3A_1795 : vector<1x16xi32> to vector<16xi32>
    %swap3A_1797 = vector.shape_cast %add3A_1791 : vector<16xi32> to vector<1x16xi32>
    tpu.vector_store %arg7[%swap3A_1793, %swap3A_1794], %swap3A_1797 {strides = array<i32>} : memref<16x128xi32, #tpu.memory_space<vmem>>, vector<1x16xi32>,
    %get3A_1798 = arith.constant 1744 : index
    %get3A_1799 = tpu.vector_load %arg6[%get3A_1798] {strides = array<i32>} : memref<2048xi32, #tpu.memory_space<vmem>>, vector<16xi32>,
    %get3A_1800 = vector.shape_cast %get3A_1799 : vector<16xi32> to vector<16xi32>
    %mul3A_1801 = arith.constant 256 : i32
    %mul3A_1802 = vector.broadcast %mul3A_1801 : i32 to vector<16xi32>
    %mul3A_1803 = arith.muli %get3A_1800, %mul3A_1802 : vector<16xi32>
    %get3A_1804 = arith.constant 1744 : index
    %get3A_1805 = tpu.vector_load %arg5[%get3A_1804] {strides = array<i32>} : memref<2048xi32, #tpu.memory_space<vmem>>, vector<16xi32>,
    %get3A_1806 = vector.shape_cast %get3A_1805 : vector<16xi32> to vector<16xi32>
    %add3A_1807 = arith.addi %mul3A_1803, %get3A_1806 : vector<16xi32>
    %swap3A_1808 = arith.constant 13 : i32
    %swap3A_1809 = arith.index_cast %swap3A_1808 : i32 to index
    %swap3A_1810 = arith.constant 80 : index
    %swap3A_1811 = tpu.vector_load %arg7[%swap3A_1809, %swap3A_1810] {strides = array<i32>} : memref<16x128xi32, #tpu.memory_space<vmem>>, vector<1x16xi32>,
    %swap3A_1812 = vector.shape_cast %swap3A_1811 : vector<1x16xi32> to vector<16xi32>
    %swap3A_1813 = vector.shape_cast %add3A_1807 : vector<16xi32> to vector<1x16xi32>
    tpu.vector_store %arg7[%swap3A_1809, %swap3A_1810], %swap3A_1813 {strides = array<i32>} : memref<16x128xi32, #tpu.memory_space<vmem>>, vector<1x16xi32>,
    %get3A_1814 = arith.constant 1760 : index
    %get3A_1815 = tpu.vector_load %arg6[%get3A_1814] {strides = array<i32>} : memref<2048xi32, #tpu.memory_space<vmem>>, vector<16xi32>,
    %get3A_1816 = vector.shape_cast %get3A_1815 : vector<16xi32> to vector<16xi32>
    %mul3A_1817 = arith.constant 256 : i32
    %mul3A_1818 = vector.broadcast %mul3A_1817 : i32 to vector<16xi32>
    %mul3A_1819 = arith.muli %get3A_1816, %mul3A_1818 : vector<16xi32>
    %get3A_1820 = arith.constant 1760 : index
    %get3A_1821 = tpu.vector_load %arg5[%get3A_1820] {strides = array<i32>} : memref<2048xi32, #tpu.memory_space<vmem>>, vector<16xi32>,
    %get3A_1822 = vector.shape_cast %get3A_1821 : vector<16xi32> to vector<16xi32>
    %add3A_1823 = arith.addi %mul3A_1819, %get3A_1822 : vector<16xi32>
    %swap3A_1824 = arith.constant 13 : i32
    %swap3A_1825 = arith.index_cast %swap3A_1824 : i32 to index
    %swap3A_1826 = arith.constant 96 : index
    %swap3A_1827 = tpu.vector_load %arg7[%swap3A_1825, %swap3A_1826] {strides = array<i32>} : memref<16x128xi32, #tpu.memory_space<vmem>>, vector<1x16xi32>,
    %swap3A_1828 = vector.shape_cast %swap3A_1827 : vector<1x16xi32> to vector<16xi32>
    %swap3A_1829 = vector.shape_cast %add3A_1823 : vector<16xi32> to vector<1x16xi32>
    tpu.vector_store %arg7[%swap3A_1825, %swap3A_1826], %swap3A_1829 {strides = array<i32>} : memref<16x128xi32, #tpu.memory_space<vmem>>, vector<1x16xi32>,
    %get3A_1830 = arith.constant 1776 : index
    %get3A_1831 = tpu.vector_load %arg6[%get3A_1830] {strides = array<i32>} : memref<2048xi32, #tpu.memory_space<vmem>>, vector<16xi32>,
    %get3A_1832 = vector.shape_cast %get3A_1831 : vector<16xi32> to vector<16xi32>
    %mul3A_1833 = arith.constant 256 : i32
    %mul3A_1834 = vector.broadcast %mul3A_1833 : i32 to vector<16xi32>
    %mul3A_1835 = arith.muli %get3A_1832, %mul3A_1834 : vector<16xi32>
    %get3A_1836 = arith.constant 1776 : index
    %get3A_1837 = tpu.vector_load %arg5[%get3A_1836] {strides = array<i32>} : memref<2048xi32, #tpu.memory_space<vmem>>, vector<16xi32>,
    %get3A_1838 = vector.shape_cast %get3A_1837 : vector<16xi32> to vector<16xi32>
    %add3A_1839 = arith.addi %mul3A_1835, %get3A_1838 : vector<16xi32>
    %swap3A_1840 = arith.constant 13 : i32
    %swap3A_1841 = arith.index_cast %swap3A_1840 : i32 to index
    %swap3A_1842 = arith.constant 112 : index
    %swap3A_1843 = tpu.vector_load %arg7[%swap3A_1841, %swap3A_1842] {strides = array<i32>} : memref<16x128xi32, #tpu.memory_space<vmem>>, vector<1x16xi32>,
    %swap3A_1844 = vector.shape_cast %swap3A_1843 : vector<1x16xi32> to vector<16xi32>
    %swap3A_1845 = vector.shape_cast %add3A_1839 : vector<16xi32> to vector<1x16xi32>
    tpu.vector_store %arg7[%swap3A_1841, %swap3A_1842], %swap3A_1845 {strides = array<i32>} : memref<16x128xi32, #tpu.memory_space<vmem>>, vector<1x16xi32>,
    %get3A_1846 = arith.constant 1792 : index
    %get3A_1847 = tpu.vector_load %arg6[%get3A_1846] {strides = array<i32>} : memref<2048xi32, #tpu.memory_space<vmem>>, vector<16xi32>,
    %get3A_1848 = vector.shape_cast %get3A_1847 : vector<16xi32> to vector<16xi32>
    %mul3A_1849 = arith.constant 256 : i32
    %mul3A_1850 = vector.broadcast %mul3A_1849 : i32 to vector<16xi32>
    %mul3A_1851 = arith.muli %get3A_1848, %mul3A_1850 : vector<16xi32>
    %get3A_1852 = arith.constant 1792 : index
    %get3A_1853 = tpu.vector_load %arg5[%get3A_1852] {strides = array<i32>} : memref<2048xi32, #tpu.memory_space<vmem>>, vector<16xi32>,
    %get3A_1854 = vector.shape_cast %get3A_1853 : vector<16xi32> to vector<16xi32>
    %add3A_1855 = arith.addi %mul3A_1851, %get3A_1854 : vector<16xi32>
    %swap3A_1856 = arith.constant 14 : i32
    %swap3A_1857 = arith.index_cast %swap3A_1856 : i32 to index
    %swap3A_1858 = arith.constant 0 : index
    %swap3A_1859 = tpu.vector_load %arg7[%swap3A_1857, %swap3A_1858] {strides = array<i32>} : memref<16x128xi32, #tpu.memory_space<vmem>>, vector<1x16xi32>,
    %swap3A_1860 = vector.shape_cast %swap3A_1859 : vector<1x16xi32> to vector<16xi32>
    %swap3A_1861 = vector.shape_cast %add3A_1855 : vector<16xi32> to vector<1x16xi32>
    tpu.vector_store %arg7[%swap3A_1857, %swap3A_1858], %swap3A_1861 {strides = array<i32>} : memref<16x128xi32, #tpu.memory_space<vmem>>, vector<1x16xi32>,
    %get3A_1862 = arith.constant 1808 : index
    %get3A_1863 = tpu.vector_load %arg6[%get3A_1862] {strides = array<i32>} : memref<2048xi32, #tpu.memory_space<vmem>>, vector<16xi32>,
    %get3A_1864 = vector.shape_cast %get3A_1863 : vector<16xi32> to vector<16xi32>
    %mul3A_1865 = arith.constant 256 : i32
    %mul3A_1866 = vector.broadcast %mul3A_1865 : i32 to vector<16xi32>
    %mul3A_1867 = arith.muli %get3A_1864, %mul3A_1866 : vector<16xi32>
    %get3A_1868 = arith.constant 1808 : index
    %get3A_1869 = tpu.vector_load %arg5[%get3A_1868] {strides = array<i32>} : memref<2048xi32, #tpu.memory_space<vmem>>, vector<16xi32>,
    %get3A_1870 = vector.shape_cast %get3A_1869 : vector<16xi32> to vector<16xi32>
    %add3A_1871 = arith.addi %mul3A_1867, %get3A_1870 : vector<16xi32>
    %swap3A_1872 = arith.constant 14 : i32
    %swap3A_1873 = arith.index_cast %swap3A_1872 : i32 to index
    %swap3A_1874 = arith.constant 16 : index
    %swap3A_1875 = tpu.vector_load %arg7[%swap3A_1873, %swap3A_1874] {strides = array<i32>} : memref<16x128xi32, #tpu.memory_space<vmem>>, vector<1x16xi32>,
    %swap3A_1876 = vector.shape_cast %swap3A_1875 : vector<1x16xi32> to vector<16xi32>
    %swap3A_1877 = vector.shape_cast %add3A_1871 : vector<16xi32> to vector<1x16xi32>
    tpu.vector_store %arg7[%swap3A_1873, %swap3A_1874], %swap3A_1877 {strides = array<i32>} : memref<16x128xi32, #tpu.memory_space<vmem>>, vector<1x16xi32>,
    %get3A_1878 = arith.constant 1824 : index
    %get3A_1879 = tpu.vector_load %arg6[%get3A_1878] {strides = array<i32>} : memref<2048xi32, #tpu.memory_space<vmem>>, vector<16xi32>,
    %get3A_1880 = vector.shape_cast %get3A_1879 : vector<16xi32> to vector<16xi32>
    %mul3A_1881 = arith.constant 256 : i32
    %mul3A_1882 = vector.broadcast %mul3A_1881 : i32 to vector<16xi32>
    %mul3A_1883 = arith.muli %get3A_1880, %mul3A_1882 : vector<16xi32>
    %get3A_1884 = arith.constant 1824 : index
    %get3A_1885 = tpu.vector_load %arg5[%get3A_1884] {strides = array<i32>} : memref<2048xi32, #tpu.memory_space<vmem>>, vector<16xi32>,
    %get3A_1886 = vector.shape_cast %get3A_1885 : vector<16xi32> to vector<16xi32>
    %add3A_1887 = arith.addi %mul3A_1883, %get3A_1886 : vector<16xi32>
    %swap3A_1888 = arith.constant 14 : i32
    %swap3A_1889 = arith.index_cast %swap3A_1888 : i32 to index
    %swap3A_1890 = arith.constant 32 : index
    %swap3A_1891 = tpu.vector_load %arg7[%swap3A_1889, %swap3A_1890] {strides = array<i32>} : memref<16x128xi32, #tpu.memory_space<vmem>>, vector<1x16xi32>,
    %swap3A_1892 = vector.shape_cast %swap3A_1891 : vector<1x16xi32> to vector<16xi32>
    %swap3A_1893 = vector.shape_cast %add3A_1887 : vector<16xi32> to vector<1x16xi32>
    tpu.vector_store %arg7[%swap3A_1889, %swap3A_1890], %swap3A_1893 {strides = array<i32>} : memref<16x128xi32, #tpu.memory_space<vmem>>, vector<1x16xi32>,
    %get3A_1894 = arith.constant 1840 : index
    %get3A_1895 = tpu.vector_load %arg6[%get3A_1894] {strides = array<i32>} : memref<2048xi32, #tpu.memory_space<vmem>>, vector<16xi32>,
    %get3A_1896 = vector.shape_cast %get3A_1895 : vector<16xi32> to vector<16xi32>
    %mul3A_1897 = arith.constant 256 : i32
    %mul3A_1898 = vector.broadcast %mul3A_1897 : i32 to vector<16xi32>
    %mul3A_1899 = arith.muli %get3A_1896, %mul3A_1898 : vector<16xi32>
    %get3A_1900 = arith.constant 1840 : index
    %get3A_1901 = tpu.vector_load %arg5[%get3A_1900] {strides = array<i32>} : memref<2048xi32, #tpu.memory_space<vmem>>, vector<16xi32>,
    %get3A_1902 = vector.shape_cast %get3A_1901 : vector<16xi32> to vector<16xi32>
    %add3A_1903 = arith.addi %mul3A_1899, %get3A_1902 : vector<16xi32>
    %swap3A_1904 = arith.constant 14 : i32
    %swap3A_1905 = arith.index_cast %swap3A_1904 : i32 to index
    %swap3A_1906 = arith.constant 48 : index
    %swap3A_1907 = tpu.vector_load %arg7[%swap3A_1905, %swap3A_1906] {strides = array<i32>} : memref<16x128xi32, #tpu.memory_space<vmem>>, vector<1x16xi32>,
    %swap3A_1908 = vector.shape_cast %swap3A_1907 : vector<1x16xi32> to vector<16xi32>
    %swap3A_1909 = vector.shape_cast %add3A_1903 : vector<16xi32> to vector<1x16xi32>
    tpu.vector_store %arg7[%swap3A_1905, %swap3A_1906], %swap3A_1909 {strides = array<i32>} : memref<16x128xi32, #tpu.memory_space<vmem>>, vector<1x16xi32>,
    %get3A_1910 = arith.constant 1856 : index
    %get3A_1911 = tpu.vector_load %arg6[%get3A_1910] {strides = array<i32>} : memref<2048xi32, #tpu.memory_space<vmem>>, vector<16xi32>,
    %get3A_1912 = vector.shape_cast %get3A_1911 : vector<16xi32> to vector<16xi32>
    %mul3A_1913 = arith.constant 256 : i32
    %mul3A_1914 = vector.broadcast %mul3A_1913 : i32 to vector<16xi32>
    %mul3A_1915 = arith.muli %get3A_1912, %mul3A_1914 : vector<16xi32>
    %get3A_1916 = arith.constant 1856 : index
    %get3A_1917 = tpu.vector_load %arg5[%get3A_1916] {strides = array<i32>} : memref<2048xi32, #tpu.memory_space<vmem>>, vector<16xi32>,
    %get3A_1918 = vector.shape_cast %get3A_1917 : vector<16xi32> to vector<16xi32>
    %add3A_1919 = arith.addi %mul3A_1915, %get3A_1918 : vector<16xi32>
    %swap3A_1920 = arith.constant 14 : i32
    %swap3A_1921 = arith.index_cast %swap3A_1920 : i32 to index
    %swap3A_1922 = arith.constant 64 : index
    %swap3A_1923 = tpu.vector_load %arg7[%swap3A_1921, %swap3A_1922] {strides = array<i32>} : memref<16x128xi32, #tpu.memory_space<vmem>>, vector<1x16xi32>,
    %swap3A_1924 = vector.shape_cast %swap3A_1923 : vector<1x16xi32> to vector<16xi32>
    %swap3A_1925 = vector.shape_cast %add3A_1919 : vector<16xi32> to vector<1x16xi32>
    tpu.vector_store %arg7[%swap3A_1921, %swap3A_1922], %swap3A_1925 {strides = array<i32>} : memref<16x128xi32, #tpu.memory_space<vmem>>, vector<1x16xi32>,
    %get3A_1926 = arith.constant 1872 : index
    %get3A_1927 = tpu.vector_load %arg6[%get3A_1926] {strides = array<i32>} : memref<2048xi32, #tpu.memory_space<vmem>>, vector<16xi32>,
    %get3A_1928 = vector.shape_cast %get3A_1927 : vector<16xi32> to vector<16xi32>
    %mul3A_1929 = arith.constant 256 : i32
    %mul3A_1930 = vector.broadcast %mul3A_1929 : i32 to vector<16xi32>
    %mul3A_1931 = arith.muli %get3A_1928, %mul3A_1930 : vector<16xi32>
    %get3A_1932 = arith.constant 1872 : index
    %get3A_1933 = tpu.vector_load %arg5[%get3A_1932] {strides = array<i32>} : memref<2048xi32, #tpu.memory_space<vmem>>, vector<16xi32>,
    %get3A_1934 = vector.shape_cast %get3A_1933 : vector<16xi32> to vector<16xi32>
    %add3A_1935 = arith.addi %mul3A_1931, %get3A_1934 : vector<16xi32>
    %swap3A_1936 = arith.constant 14 : i32
    %swap3A_1937 = arith.index_cast %swap3A_1936 : i32 to index
    %swap3A_1938 = arith.constant 80 : index
    %swap3A_1939 = tpu.vector_load %arg7[%swap3A_1937, %swap3A_1938] {strides = array<i32>} : memref<16x128xi32, #tpu.memory_space<vmem>>, vector<1x16xi32>,
    %swap3A_1940 = vector.shape_cast %swap3A_1939 : vector<1x16xi32> to vector<16xi32>
    %swap3A_1941 = vector.shape_cast %add3A_1935 : vector<16xi32> to vector<1x16xi32>
    tpu.vector_store %arg7[%swap3A_1937, %swap3A_1938], %swap3A_1941 {strides = array<i32>} : memref<16x128xi32, #tpu.memory_space<vmem>>, vector<1x16xi32>,
    %get3A_1942 = arith.constant 1888 : index
    %get3A_1943 = tpu.vector_load %arg6[%get3A_1942] {strides = array<i32>} : memref<2048xi32, #tpu.memory_space<vmem>>, vector<16xi32>,
    %get3A_1944 = vector.shape_cast %get3A_1943 : vector<16xi32> to vector<16xi32>
    %mul3A_1945 = arith.constant 256 : i32
    %mul3A_1946 = vector.broadcast %mul3A_1945 : i32 to vector<16xi32>
    %mul3A_1947 = arith.muli %get3A_1944, %mul3A_1946 : vector<16xi32>
    %get3A_1948 = arith.constant 1888 : index
    %get3A_1949 = tpu.vector_load %arg5[%get3A_1948] {strides = array<i32>} : memref<2048xi32, #tpu.memory_space<vmem>>, vector<16xi32>,
    %get3A_1950 = vector.shape_cast %get3A_1949 : vector<16xi32> to vector<16xi32>
    %add3A_1951 = arith.addi %mul3A_1947, %get3A_1950 : vector<16xi32>
    %swap3A_1952 = arith.constant 14 : i32
    %swap3A_1953 = arith.index_cast %swap3A_1952 : i32 to index
    %swap3A_1954 = arith.constant 96 : index
    %swap3A_1955 = tpu.vector_load %arg7[%swap3A_1953, %swap3A_1954] {strides = array<i32>} : memref<16x128xi32, #tpu.memory_space<vmem>>, vector<1x16xi32>,
    %swap3A_1956 = vector.shape_cast %swap3A_1955 : vector<1x16xi32> to vector<16xi32>
    %swap3A_1957 = vector.shape_cast %add3A_1951 : vector<16xi32> to vector<1x16xi32>
    tpu.vector_store %arg7[%swap3A_1953, %swap3A_1954], %swap3A_1957 {strides = array<i32>} : memref<16x128xi32, #tpu.memory_space<vmem>>, vector<1x16xi32>,
    %get3A_1958 = arith.constant 1904 : index
    %get3A_1959 = tpu.vector_load %arg6[%get3A_1958] {strides = array<i32>} : memref<2048xi32, #tpu.memory_space<vmem>>, vector<16xi32>,
    %get3A_1960 = vector.shape_cast %get3A_1959 : vector<16xi32> to vector<16xi32>
    %mul3A_1961 = arith.constant 256 : i32
    %mul3A_1962 = vector.broadcast %mul3A_1961 : i32 to vector<16xi32>
    %mul3A_1963 = arith.muli %get3A_1960, %mul3A_1962 : vector<16xi32>
    %get3A_1964 = arith.constant 1904 : index
    %get3A_1965 = tpu.vector_load %arg5[%get3A_1964] {strides = array<i32>} : memref<2048xi32, #tpu.memory_space<vmem>>, vector<16xi32>,
    %get3A_1966 = vector.shape_cast %get3A_1965 : vector<16xi32> to vector<16xi32>
    %add3A_1967 = arith.addi %mul3A_1963, %get3A_1966 : vector<16xi32>
    %swap3A_1968 = arith.constant 14 : i32
    %swap3A_1969 = arith.index_cast %swap3A_1968 : i32 to index
    %swap3A_1970 = arith.constant 112 : index
    %swap3A_1971 = tpu.vector_load %arg7[%swap3A_1969, %swap3A_1970] {strides = array<i32>} : memref<16x128xi32, #tpu.memory_space<vmem>>, vector<1x16xi32>,
    %swap3A_1972 = vector.shape_cast %swap3A_1971 : vector<1x16xi32> to vector<16xi32>
    %swap3A_1973 = vector.shape_cast %add3A_1967 : vector<16xi32> to vector<1x16xi32>
    tpu.vector_store %arg7[%swap3A_1969, %swap3A_1970], %swap3A_1973 {strides = array<i32>} : memref<16x128xi32, #tpu.memory_space<vmem>>, vector<1x16xi32>,
    %get3A_1974 = arith.constant 1920 : index
    %get3A_1975 = tpu.vector_load %arg6[%get3A_1974] {strides = array<i32>} : memref<2048xi32, #tpu.memory_space<vmem>>, vector<16xi32>,
    %get3A_1976 = vector.shape_cast %get3A_1975 : vector<16xi32> to vector<16xi32>
    %mul3A_1977 = arith.constant 256 : i32
    %mul3A_1978 = vector.broadcast %mul3A_1977 : i32 to vector<16xi32>
    %mul3A_1979 = arith.muli %get3A_1976, %mul3A_1978 : vector<16xi32>
    %get3A_1980 = arith.constant 1920 : index
    %get3A_1981 = tpu.vector_load %arg5[%get3A_1980] {strides = array<i32>} : memref<2048xi32, #tpu.memory_space<vmem>>, vector<16xi32>,
    %get3A_1982 = vector.shape_cast %get3A_1981 : vector<16xi32> to vector<16xi32>
    %add3A_1983 = arith.addi %mul3A_1979, %get3A_1982 : vector<16xi32>
    %swap3A_1984 = arith.constant 15 : i32
    %swap3A_1985 = arith.index_cast %swap3A_1984 : i32 to index
    %swap3A_1986 = arith.constant 0 : index
    %swap3A_1987 = tpu.vector_load %arg7[%swap3A_1985, %swap3A_1986] {strides = array<i32>} : memref<16x128xi32, #tpu.memory_space<vmem>>, vector<1x16xi32>,
    %swap3A_1988 = vector.shape_cast %swap3A_1987 : vector<1x16xi32> to vector<16xi32>
    %swap3A_1989 = vector.shape_cast %add3A_1983 : vector<16xi32> to vector<1x16xi32>
    tpu.vector_store %arg7[%swap3A_1985, %swap3A_1986], %swap3A_1989 {strides = array<i32>} : memref<16x128xi32, #tpu.memory_space<vmem>>, vector<1x16xi32>,
    %get3A_1990 = arith.constant 1936 : index
    %get3A_1991 = tpu.vector_load %arg6[%get3A_1990] {strides = array<i32>} : memref<2048xi32, #tpu.memory_space<vmem>>, vector<16xi32>,
    %get3A_1992 = vector.shape_cast %get3A_1991 : vector<16xi32> to vector<16xi32>
    %mul3A_1993 = arith.constant 256 : i32
    %mul3A_1994 = vector.broadcast %mul3A_1993 : i32 to vector<16xi32>
    %mul3A_1995 = arith.muli %get3A_1992, %mul3A_1994 : vector<16xi32>
    %get3A_1996 = arith.constant 1936 : index
    %get3A_1997 = tpu.vector_load %arg5[%get3A_1996] {strides = array<i32>} : memref<2048xi32, #tpu.memory_space<vmem>>, vector<16xi32>,
    %get3A_1998 = vector.shape_cast %get3A_1997 : vector<16xi32> to vector<16xi32>
    %add3A_1999 = arith.addi %mul3A_1995, %get3A_1998 : vector<16xi32>
    %swap3A_2000 = arith.constant 15 : i32
    %swap3A_2001 = arith.index_cast %swap3A_2000 : i32 to index
    %swap3A_2002 = arith.constant 16 : index
    %swap3A_2003 = tpu.vector_load %arg7[%swap3A_2001, %swap3A_2002] {strides = array<i32>} : memref<16x128xi32, #tpu.memory_space<vmem>>, vector<1x16xi32>,
    %swap3A_2004 = vector.shape_cast %swap3A_2003 : vector<1x16xi32> to vector<16xi32>
    %swap3A_2005 = vector.shape_cast %add3A_1999 : vector<16xi32> to vector<1x16xi32>
    tpu.vector_store %arg7[%swap3A_2001, %swap3A_2002], %swap3A_2005 {strides = array<i32>} : memref<16x128xi32, #tpu.memory_space<vmem>>, vector<1x16xi32>,
    %get3A_2006 = arith.constant 1952 : index
    %get3A_2007 = tpu.vector_load %arg6[%get3A_2006] {strides = array<i32>} : memref<2048xi32, #tpu.memory_space<vmem>>, vector<16xi32>,
    %get3A_2008 = vector.shape_cast %get3A_2007 : vector<16xi32> to vector<16xi32>
    %mul3A_2009 = arith.constant 256 : i32
    %mul3A_2010 = vector.broadcast %mul3A_2009 : i32 to vector<16xi32>
    %mul3A_2011 = arith.muli %get3A_2008, %mul3A_2010 : vector<16xi32>
    %get3A_2012 = arith.constant 1952 : index
    %get3A_2013 = tpu.vector_load %arg5[%get3A_2012] {strides = array<i32>} : memref<2048xi32, #tpu.memory_space<vmem>>, vector<16xi32>,
    %get3A_2014 = vector.shape_cast %get3A_2013 : vector<16xi32> to vector<16xi32>
    %add3A_2015 = arith.addi %mul3A_2011, %get3A_2014 : vector<16xi32>
    %swap3A_2016 = arith.constant 15 : i32
    %swap3A_2017 = arith.index_cast %swap3A_2016 : i32 to index
    %swap3A_2018 = arith.constant 32 : index
    %swap3A_2019 = tpu.vector_load %arg7[%swap3A_2017, %swap3A_2018] {strides = array<i32>} : memref<16x128xi32, #tpu.memory_space<vmem>>, vector<1x16xi32>,
    %swap3A_2020 = vector.shape_cast %swap3A_2019 : vector<1x16xi32> to vector<16xi32>
    %swap3A_2021 = vector.shape_cast %add3A_2015 : vector<16xi32> to vector<1x16xi32>
    tpu.vector_store %arg7[%swap3A_2017, %swap3A_2018], %swap3A_2021 {strides = array<i32>} : memref<16x128xi32, #tpu.memory_space<vmem>>, vector<1x16xi32>,
    %get3A_2022 = arith.constant 1968 : index
    %get3A_2023 = tpu.vector_load %arg6[%get3A_2022] {strides = array<i32>} : memref<2048xi32, #tpu.memory_space<vmem>>, vector<16xi32>,
    %get3A_2024 = vector.shape_cast %get3A_2023 : vector<16xi32> to vector<16xi32>
    %mul3A_2025 = arith.constant 256 : i32
    %mul3A_2026 = vector.broadcast %mul3A_2025 : i32 to vector<16xi32>
    %mul3A_2027 = arith.muli %get3A_2024, %mul3A_2026 : vector<16xi32>
    %get3A_2028 = arith.constant 1968 : index
    %get3A_2029 = tpu.vector_load %arg5[%get3A_2028] {strides = array<i32>} : memref<2048xi32, #tpu.memory_space<vmem>>, vector<16xi32>,
    %get3A_2030 = vector.shape_cast %get3A_2029 : vector<16xi32> to vector<16xi32>
    %add3A_2031 = arith.addi %mul3A_2027, %get3A_2030 : vector<16xi32>
    %swap3A_2032 = arith.constant 15 : i32
    %swap3A_2033 = arith.index_cast %swap3A_2032 : i32 to index
    %swap3A_2034 = arith.constant 48 : index
    %swap3A_2035 = tpu.vector_load %arg7[%swap3A_2033, %swap3A_2034] {strides = array<i32>} : memref<16x128xi32, #tpu.memory_space<vmem>>, vector<1x16xi32>,
    %swap3A_2036 = vector.shape_cast %swap3A_2035 : vector<1x16xi32> to vector<16xi32>
    %swap3A_2037 = vector.shape_cast %add3A_2031 : vector<16xi32> to vector<1x16xi32>
    tpu.vector_store %arg7[%swap3A_2033, %swap3A_2034], %swap3A_2037 {strides = array<i32>} : memref<16x128xi32, #tpu.memory_space<vmem>>, vector<1x16xi32>,
    %get3A_2038 = arith.constant 1984 : index
    %get3A_2039 = tpu.vector_load %arg6[%get3A_2038] {strides = array<i32>} : memref<2048xi32, #tpu.memory_space<vmem>>, vector<16xi32>,
    %get3A_2040 = vector.shape_cast %get3A_2039 : vector<16xi32> to vector<16xi32>
    %mul3A_2041 = arith.constant 256 : i32
    %mul3A_2042 = vector.broadcast %mul3A_2041 : i32 to vector<16xi32>
    %mul3A_2043 = arith.muli %get3A_2040, %mul3A_2042 : vector<16xi32>
    %get3A_2044 = arith.constant 1984 : index
    %get3A_2045 = tpu.vector_load %arg5[%get3A_2044] {strides = array<i32>} : memref<2048xi32, #tpu.memory_space<vmem>>, vector<16xi32>,
    %get3A_2046 = vector.shape_cast %get3A_2045 : vector<16xi32> to vector<16xi32>
    %add3A_2047 = arith.addi %mul3A_2043, %get3A_2046 : vector<16xi32>
    %swap3A_2048 = arith.constant 15 : i32
    %swap3A_2049 = arith.index_cast %swap3A_2048 : i32 to index
    %swap3A_2050 = arith.constant 64 : index
    %swap3A_2051 = tpu.vector_load %arg7[%swap3A_2049, %swap3A_2050] {strides = array<i32>} : memref<16x128xi32, #tpu.memory_space<vmem>>, vector<1x16xi32>,
    %swap3A_2052 = vector.shape_cast %swap3A_2051 : vector<1x16xi32> to vector<16xi32>
    %swap3A_2053 = vector.shape_cast %add3A_2047 : vector<16xi32> to vector<1x16xi32>
    tpu.vector_store %arg7[%swap3A_2049, %swap3A_2050], %swap3A_2053 {strides = array<i32>} : memref<16x128xi32, #tpu.memory_space<vmem>>, vector<1x16xi32>,
    %get3A_2054 = arith.constant 2000 : index
    %get3A_2055 = tpu.vector_load %arg6[%get3A_2054] {strides = array<i32>} : memref<2048xi32, #tpu.memory_space<vmem>>, vector<16xi32>,
    %get3A_2056 = vector.shape_cast %get3A_2055 : vector<16xi32> to vector<16xi32>
    %mul3A_2057 = arith.constant 256 : i32
    %mul3A_2058 = vector.broadcast %mul3A_2057 : i32 to vector<16xi32>
    %mul3A_2059 = arith.muli %get3A_2056, %mul3A_2058 : vector<16xi32>
    %get3A_2060 = arith.constant 2000 : index
    %get3A_2061 = tpu.vector_load %arg5[%get3A_2060] {strides = array<i32>} : memref<2048xi32, #tpu.memory_space<vmem>>, vector<16xi32>,
    %get3A_2062 = vector.shape_cast %get3A_2061 : vector<16xi32> to vector<16xi32>
    %add3A_2063 = arith.addi %mul3A_2059, %get3A_2062 : vector<16xi32>
    %swap3A_2064 = arith.constant 15 : i32
    %swap3A_2065 = arith.index_cast %swap3A_2064 : i32 to index
    %swap3A_2066 = arith.constant 80 : index
    %swap3A_2067 = tpu.vector_load %arg7[%swap3A_2065, %swap3A_2066] {strides = array<i32>} : memref<16x128xi32, #tpu.memory_space<vmem>>, vector<1x16xi32>,
    %swap3A_2068 = vector.shape_cast %swap3A_2067 : vector<1x16xi32> to vector<16xi32>
    %swap3A_2069 = vector.shape_cast %add3A_2063 : vector<16xi32> to vector<1x16xi32>
    tpu.vector_store %arg7[%swap3A_2065, %swap3A_2066], %swap3A_2069 {strides = array<i32>} : memref<16x128xi32, #tpu.memory_space<vmem>>, vector<1x16xi32>,
    %get3A_2070 = arith.constant 2016 : index
    %get3A_2071 = tpu.vector_load %arg6[%get3A_2070] {strides = array<i32>} : memref<2048xi32, #tpu.memory_space<vmem>>, vector<16xi32>,
    %get3A_2072 = vector.shape_cast %get3A_2071 : vector<16xi32> to vector<16xi32>
    %mul3A_2073 = arith.constant 256 : i32
    %mul3A_2074 = vector.broadcast %mul3A_2073 : i32 to vector<16xi32>
    %mul3A_2075 = arith.muli %get3A_2072, %mul3A_2074 : vector<16xi32>
    %get3A_2076 = arith.constant 2016 : index
    %get3A_2077 = tpu.vector_load %arg5[%get3A_2076] {strides = array<i32>} : memref<2048xi32, #tpu.memory_space<vmem>>, vector<16xi32>,
    %get3A_2078 = vector.shape_cast %get3A_2077 : vector<16xi32> to vector<16xi32>
    %add3A_2079 = arith.addi %mul3A_2075, %get3A_2078 : vector<16xi32>
    %swap3A_2080 = arith.constant 15 : i32
    %swap3A_2081 = arith.index_cast %swap3A_2080 : i32 to index
    %swap3A_2082 = arith.constant 96 : index
    %swap3A_2083 = tpu.vector_load %arg7[%swap3A_2081, %swap3A_2082] {strides = array<i32>} : memref<16x128xi32, #tpu.memory_space<vmem>>, vector<1x16xi32>,
    %swap3A_2084 = vector.shape_cast %swap3A_2083 : vector<1x16xi32> to vector<16xi32>
    %swap3A_2085 = vector.shape_cast %add3A_2079 : vector<16xi32> to vector<1x16xi32>
    tpu.vector_store %arg7[%swap3A_2081, %swap3A_2082], %swap3A_2085 {strides = array<i32>} : memref<16x128xi32, #tpu.memory_space<vmem>>, vector<1x16xi32>,
    %get3A_2086 = arith.constant 2032 : index
    %get3A_2087 = tpu.vector_load %arg6[%get3A_2086] {strides = array<i32>} : memref<2048xi32, #tpu.memory_space<vmem>>, vector<16xi32>,
    %get3A_2088 = vector.shape_cast %get3A_2087 : vector<16xi32> to vector<16xi32>
    %mul3A_2089 = arith.constant 256 : i32
    %mul3A_2090 = vector.broadcast %mul3A_2089 : i32 to vector<16xi32>
    %mul3A_2091 = arith.muli %get3A_2088, %mul3A_2090 : vector<16xi32>
    %get3A_2092 = arith.constant 2032 : index
    %get3A_2093 = tpu.vector_load %arg5[%get3A_2092] {strides = array<i32>} : memref<2048xi32, #tpu.memory_space<vmem>>, vector<16xi32>,
    %get3A_2094 = vector.shape_cast %get3A_2093 : vector<16xi32> to vector<16xi32>
    %add3A_2095 = arith.addi %mul3A_2091, %get3A_2094 : vector<16xi32>
    %lt3A = arith.constant 8 : i32
    %lt3A_2096 = vector.broadcast %lt3A : i32 to vector<16xi32>
    %lt3A_2097 = arith.cmpi slt, %iota3A, %lt3A_2096 : vector<16xi32>
    %jit3A = arith.constant 0 : i32
    %broadcast_in_dim3A_2098 = vector.broadcast %jit3A : i32 to vector<16xi32>
    %select_n3A = arith.select %lt3A_2097, %add3A_2095, %broadcast_in_dim3A_2098 : vector<16xi1>, vector<16xi32>
    %swap3A_2099 = arith.constant 15 : i32
    %swap3A_2100 = arith.index_cast %swap3A_2099 : i32 to index
    %swap3A_2101 = arith.constant 112 : index
    %swap3A_2102 = tpu.vector_load %arg7[%swap3A_2100, %swap3A_2101] {strides = array<i32>} : memref<16x128xi32, #tpu.memory_space<vmem>>, vector<1x16xi32>,
    %swap3A_2103 = vector.shape_cast %swap3A_2102 : vector<1x16xi32> to vector<16xi32>
    %swap3A_2104 = vector.shape_cast %select_n3A : vector<16xi32> to vector<1x16xi32>
    tpu.vector_store %arg7[%swap3A_2100, %swap3A_2101], %swap3A_2104 {strides = array<i32>} : memref<16x128xi32, #tpu.memory_space<vmem>>, vector<1x16xi32>,
    %barrier3A = arith.constant 0 : index
    tpu.barrier barrier_id(%barrier3A)
    %dma_start3A = arith.constant 0 : i32
    %dma_start3A_2105 = arith.constant 0 : i32
    %dma_start3A_2106 = tpu.memref_slice %arg7[%dma_start3A, %dma_start3A_2105] : memref<16x128xi32, #tpu.memory_space<vmem>> -> memref<1x128xi32, #tpu.memory_space<vmem>>
    %dma_start3A_2107 = tpu.memref_squeeze %dma_start3A_2106 : memref<1x128xi32, #tpu.memory_space<vmem>> -> memref<128xi32, #tpu.memory_space<vmem>>
    %dma_start3A_2108 = arith.constant 0 : i32
    %dma_start3A_2109 = tpu.memref_slice %arg9[%dma_start3A_2108] : memref<65536xf32, #tpu.memory_space<vmem_shared>> -> memref<65536xf32, #tpu.memory_space<vmem_shared>>
    tpu.enqueue_indirect_dma source(%arg8 : memref<128xf32, #tpu.memory_space<vmem>>) target(%dma_start3A_2109 : memref<65536xf32, #tpu.memory_space<vmem_shared>>) offsets(%dma_start3A_2107 : memref<128xi32, #tpu.memory_space<vmem>>) semaphore(%arg10 : memref<!tpu.dma_semaphore, #tpu.memory_space<semaphore_mem>>) {add = true}
    %dma_start3A_2110 = arith.constant 1 : i32
    %dma_start3A_2111 = arith.constant 0 : i32
    %dma_start3A_2112 = tpu.memref_slice %arg7[%dma_start3A_2110, %dma_start3A_2111] : memref<16x128xi32, #tpu.memory_space<vmem>> -> memref<1x128xi32, #tpu.memory_space<vmem>>
    %dma_start3A_2113 = tpu.memref_squeeze %dma_start3A_2112 : memref<1x128xi32, #tpu.memory_space<vmem>> -> memref<128xi32, #tpu.memory_space<vmem>>
    %dma_start3A_2114 = arith.constant 0 : i32
    %dma_start3A_2115 = tpu.memref_slice %arg9[%dma_start3A_2114] : memref<65536xf32, #tpu.memory_space<vmem_shared>> -> memref<65536xf32, #tpu.memory_space<vmem_shared>>
    tpu.enqueue_indirect_dma source(%arg8 : memref<128xf32, #tpu.memory_space<vmem>>) target(%dma_start3A_2115 : memref<65536xf32, #tpu.memory_space<vmem_shared>>) offsets(%dma_start3A_2113 : memref<128xi32, #tpu.memory_space<vmem>>) semaphore(%arg10 : memref<!tpu.dma_semaphore, #tpu.memory_space<semaphore_mem>>) {add = true}
    %dma_start3A_2116 = arith.constant 2 : i32
    %dma_start3A_2117 = arith.constant 0 : i32
    %dma_start3A_2118 = tpu.memref_slice %arg7[%dma_start3A_2116, %dma_start3A_2117] : memref<16x128xi32, #tpu.memory_space<vmem>> -> memref<1x128xi32, #tpu.memory_space<vmem>>
    %dma_start3A_2119 = tpu.memref_squeeze %dma_start3A_2118 : memref<1x128xi32, #tpu.memory_space<vmem>> -> memref<128xi32, #tpu.memory_space<vmem>>
    %dma_start3A_2120 = arith.constant 0 : i32
    %dma_start3A_2121 = tpu.memref_slice %arg9[%dma_start3A_2120] : memref<65536xf32, #tpu.memory_space<vmem_shared>> -> memref<65536xf32, #tpu.memory_space<vmem_shared>>
    tpu.enqueue_indirect_dma source(%arg8 : memref<128xf32, #tpu.memory_space<vmem>>) target(%dma_start3A_2121 : memref<65536xf32, #tpu.memory_space<vmem_shared>>) offsets(%dma_start3A_2119 : memref<128xi32, #tpu.memory_space<vmem>>) semaphore(%arg10 : memref<!tpu.dma_semaphore, #tpu.memory_space<semaphore_mem>>) {add = true}
    %dma_start3A_2122 = arith.constant 3 : i32
    %dma_start3A_2123 = arith.constant 0 : i32
    %dma_start3A_2124 = tpu.memref_slice %arg7[%dma_start3A_2122, %dma_start3A_2123] : memref<16x128xi32, #tpu.memory_space<vmem>> -> memref<1x128xi32, #tpu.memory_space<vmem>>
    %dma_start3A_2125 = tpu.memref_squeeze %dma_start3A_2124 : memref<1x128xi32, #tpu.memory_space<vmem>> -> memref<128xi32, #tpu.memory_space<vmem>>
    %dma_start3A_2126 = arith.constant 0 : i32
    %dma_start3A_2127 = tpu.memref_slice %arg9[%dma_start3A_2126] : memref<65536xf32, #tpu.memory_space<vmem_shared>> -> memref<65536xf32, #tpu.memory_space<vmem_shared>>
    tpu.enqueue_indirect_dma source(%arg8 : memref<128xf32, #tpu.memory_space<vmem>>) target(%dma_start3A_2127 : memref<65536xf32, #tpu.memory_space<vmem_shared>>) offsets(%dma_start3A_2125 : memref<128xi32, #tpu.memory_space<vmem>>) semaphore(%arg10 : memref<!tpu.dma_semaphore, #tpu.memory_space<semaphore_mem>>) {add = true}
    %dma_start3A_2128 = arith.constant 4 : i32
    %dma_start3A_2129 = arith.constant 0 : i32
    %dma_start3A_2130 = tpu.memref_slice %arg7[%dma_start3A_2128, %dma_start3A_2129] : memref<16x128xi32, #tpu.memory_space<vmem>> -> memref<1x128xi32, #tpu.memory_space<vmem>>
    %dma_start3A_2131 = tpu.memref_squeeze %dma_start3A_2130 : memref<1x128xi32, #tpu.memory_space<vmem>> -> memref<128xi32, #tpu.memory_space<vmem>>
    %dma_start3A_2132 = arith.constant 0 : i32
    %dma_start3A_2133 = tpu.memref_slice %arg9[%dma_start3A_2132] : memref<65536xf32, #tpu.memory_space<vmem_shared>> -> memref<65536xf32, #tpu.memory_space<vmem_shared>>
    tpu.enqueue_indirect_dma source(%arg8 : memref<128xf32, #tpu.memory_space<vmem>>) target(%dma_start3A_2133 : memref<65536xf32, #tpu.memory_space<vmem_shared>>) offsets(%dma_start3A_2131 : memref<128xi32, #tpu.memory_space<vmem>>) semaphore(%arg10 : memref<!tpu.dma_semaphore, #tpu.memory_space<semaphore_mem>>) {add = true}
    %dma_start3A_2134 = arith.constant 5 : i32
    %dma_start3A_2135 = arith.constant 0 : i32
    %dma_start3A_2136 = tpu.memref_slice %arg7[%dma_start3A_2134, %dma_start3A_2135] : memref<16x128xi32, #tpu.memory_space<vmem>> -> memref<1x128xi32, #tpu.memory_space<vmem>>
    %dma_start3A_2137 = tpu.memref_squeeze %dma_start3A_2136 : memref<1x128xi32, #tpu.memory_space<vmem>> -> memref<128xi32, #tpu.memory_space<vmem>>
    %dma_start3A_2138 = arith.constant 0 : i32
    %dma_start3A_2139 = tpu.memref_slice %arg9[%dma_start3A_2138] : memref<65536xf32, #tpu.memory_space<vmem_shared>> -> memref<65536xf32, #tpu.memory_space<vmem_shared>>
    tpu.enqueue_indirect_dma source(%arg8 : memref<128xf32, #tpu.memory_space<vmem>>) target(%dma_start3A_2139 : memref<65536xf32, #tpu.memory_space<vmem_shared>>) offsets(%dma_start3A_2137 : memref<128xi32, #tpu.memory_space<vmem>>) semaphore(%arg10 : memref<!tpu.dma_semaphore, #tpu.memory_space<semaphore_mem>>) {add = true}
    %dma_start3A_2140 = arith.constant 6 : i32
    %dma_start3A_2141 = arith.constant 0 : i32
    %dma_start3A_2142 = tpu.memref_slice %arg7[%dma_start3A_2140, %dma_start3A_2141] : memref<16x128xi32, #tpu.memory_space<vmem>> -> memref<1x128xi32, #tpu.memory_space<vmem>>
    %dma_start3A_2143 = tpu.memref_squeeze %dma_start3A_2142 : memref<1x128xi32, #tpu.memory_space<vmem>> -> memref<128xi32, #tpu.memory_space<vmem>>
    %dma_start3A_2144 = arith.constant 0 : i32
    %dma_start3A_2145 = tpu.memref_slice %arg9[%dma_start3A_2144] : memref<65536xf32, #tpu.memory_space<vmem_shared>> -> memref<65536xf32, #tpu.memory_space<vmem_shared>>
    tpu.enqueue_indirect_dma source(%arg8 : memref<128xf32, #tpu.memory_space<vmem>>) target(%dma_start3A_2145 : memref<65536xf32, #tpu.memory_space<vmem_shared>>) offsets(%dma_start3A_2143 : memref<128xi32, #tpu.memory_space<vmem>>) semaphore(%arg10 : memref<!tpu.dma_semaphore, #tpu.memory_space<semaphore_mem>>) {add = true}
    %dma_start3A_2146 = arith.constant 7 : i32
    %dma_start3A_2147 = arith.constant 0 : i32
    %dma_start3A_2148 = tpu.memref_slice %arg7[%dma_start3A_2146, %dma_start3A_2147] : memref<16x128xi32, #tpu.memory_space<vmem>> -> memref<1x128xi32, #tpu.memory_space<vmem>>
    %dma_start3A_2149 = tpu.memref_squeeze %dma_start3A_2148 : memref<1x128xi32, #tpu.memory_space<vmem>> -> memref<128xi32, #tpu.memory_space<vmem>>
    %dma_start3A_2150 = arith.constant 0 : i32
    %dma_start3A_2151 = tpu.memref_slice %arg9[%dma_start3A_2150] : memref<65536xf32, #tpu.memory_space<vmem_shared>> -> memref<65536xf32, #tpu.memory_space<vmem_shared>>
    tpu.enqueue_indirect_dma source(%arg8 : memref<128xf32, #tpu.memory_space<vmem>>) target(%dma_start3A_2151 : memref<65536xf32, #tpu.memory_space<vmem_shared>>) offsets(%dma_start3A_2149 : memref<128xi32, #tpu.memory_space<vmem>>) semaphore(%arg10 : memref<!tpu.dma_semaphore, #tpu.memory_space<semaphore_mem>>) {add = true}
    %dma_start3A_2152 = arith.constant 8 : i32
    %dma_start3A_2153 = arith.constant 0 : i32
    %dma_start3A_2154 = tpu.memref_slice %arg7[%dma_start3A_2152, %dma_start3A_2153] : memref<16x128xi32, #tpu.memory_space<vmem>> -> memref<1x128xi32, #tpu.memory_space<vmem>>
    %dma_start3A_2155 = tpu.memref_squeeze %dma_start3A_2154 : memref<1x128xi32, #tpu.memory_space<vmem>> -> memref<128xi32, #tpu.memory_space<vmem>>
    %dma_start3A_2156 = arith.constant 0 : i32
    %dma_start3A_2157 = tpu.memref_slice %arg9[%dma_start3A_2156] : memref<65536xf32, #tpu.memory_space<vmem_shared>> -> memref<65536xf32, #tpu.memory_space<vmem_shared>>
    tpu.enqueue_indirect_dma source(%arg8 : memref<128xf32, #tpu.memory_space<vmem>>) target(%dma_start3A_2157 : memref<65536xf32, #tpu.memory_space<vmem_shared>>) offsets(%dma_start3A_2155 : memref<128xi32, #tpu.memory_space<vmem>>) semaphore(%arg10 : memref<!tpu.dma_semaphore, #tpu.memory_space<semaphore_mem>>) {add = true}
    %dma_start3A_2158 = arith.constant 9 : i32
    %dma_start3A_2159 = arith.constant 0 : i32
    %dma_start3A_2160 = tpu.memref_slice %arg7[%dma_start3A_2158, %dma_start3A_2159] : memref<16x128xi32, #tpu.memory_space<vmem>> -> memref<1x128xi32, #tpu.memory_space<vmem>>
    %dma_start3A_2161 = tpu.memref_squeeze %dma_start3A_2160 : memref<1x128xi32, #tpu.memory_space<vmem>> -> memref<128xi32, #tpu.memory_space<vmem>>
    %dma_start3A_2162 = arith.constant 0 : i32
    %dma_start3A_2163 = tpu.memref_slice %arg9[%dma_start3A_2162] : memref<65536xf32, #tpu.memory_space<vmem_shared>> -> memref<65536xf32, #tpu.memory_space<vmem_shared>>
    tpu.enqueue_indirect_dma source(%arg8 : memref<128xf32, #tpu.memory_space<vmem>>) target(%dma_start3A_2163 : memref<65536xf32, #tpu.memory_space<vmem_shared>>) offsets(%dma_start3A_2161 : memref<128xi32, #tpu.memory_space<vmem>>) semaphore(%arg10 : memref<!tpu.dma_semaphore, #tpu.memory_space<semaphore_mem>>) {add = true}
    %dma_start3A_2164 = arith.constant 10 : i32
    %dma_start3A_2165 = arith.constant 0 : i32
    %dma_start3A_2166 = tpu.memref_slice %arg7[%dma_start3A_2164, %dma_start3A_2165] : memref<16x128xi32, #tpu.memory_space<vmem>> -> memref<1x128xi32, #tpu.memory_space<vmem>>
    %dma_start3A_2167 = tpu.memref_squeeze %dma_start3A_2166 : memref<1x128xi32, #tpu.memory_space<vmem>> -> memref<128xi32, #tpu.memory_space<vmem>>
    %dma_start3A_2168 = arith.constant 0 : i32
    %dma_start3A_2169 = tpu.memref_slice %arg9[%dma_start3A_2168] : memref<65536xf32, #tpu.memory_space<vmem_shared>> -> memref<65536xf32, #tpu.memory_space<vmem_shared>>
    tpu.enqueue_indirect_dma source(%arg8 : memref<128xf32, #tpu.memory_space<vmem>>) target(%dma_start3A_2169 : memref<65536xf32, #tpu.memory_space<vmem_shared>>) offsets(%dma_start3A_2167 : memref<128xi32, #tpu.memory_space<vmem>>) semaphore(%arg10 : memref<!tpu.dma_semaphore, #tpu.memory_space<semaphore_mem>>) {add = true}
    %dma_start3A_2170 = arith.constant 11 : i32
    %dma_start3A_2171 = arith.constant 0 : i32
    %dma_start3A_2172 = tpu.memref_slice %arg7[%dma_start3A_2170, %dma_start3A_2171] : memref<16x128xi32, #tpu.memory_space<vmem>> -> memref<1x128xi32, #tpu.memory_space<vmem>>
    %dma_start3A_2173 = tpu.memref_squeeze %dma_start3A_2172 : memref<1x128xi32, #tpu.memory_space<vmem>> -> memref<128xi32, #tpu.memory_space<vmem>>
    %dma_start3A_2174 = arith.constant 0 : i32
    %dma_start3A_2175 = tpu.memref_slice %arg9[%dma_start3A_2174] : memref<65536xf32, #tpu.memory_space<vmem_shared>> -> memref<65536xf32, #tpu.memory_space<vmem_shared>>
    tpu.enqueue_indirect_dma source(%arg8 : memref<128xf32, #tpu.memory_space<vmem>>) target(%dma_start3A_2175 : memref<65536xf32, #tpu.memory_space<vmem_shared>>) offsets(%dma_start3A_2173 : memref<128xi32, #tpu.memory_space<vmem>>) semaphore(%arg10 : memref<!tpu.dma_semaphore, #tpu.memory_space<semaphore_mem>>) {add = true}
    %dma_start3A_2176 = arith.constant 12 : i32
    %dma_start3A_2177 = arith.constant 0 : i32
    %dma_start3A_2178 = tpu.memref_slice %arg7[%dma_start3A_2176, %dma_start3A_2177] : memref<16x128xi32, #tpu.memory_space<vmem>> -> memref<1x128xi32, #tpu.memory_space<vmem>>
    %dma_start3A_2179 = tpu.memref_squeeze %dma_start3A_2178 : memref<1x128xi32, #tpu.memory_space<vmem>> -> memref<128xi32, #tpu.memory_space<vmem>>
    %dma_start3A_2180 = arith.constant 0 : i32
    %dma_start3A_2181 = tpu.memref_slice %arg9[%dma_start3A_2180] : memref<65536xf32, #tpu.memory_space<vmem_shared>> -> memref<65536xf32, #tpu.memory_space<vmem_shared>>
    tpu.enqueue_indirect_dma source(%arg8 : memref<128xf32, #tpu.memory_space<vmem>>) target(%dma_start3A_2181 : memref<65536xf32, #tpu.memory_space<vmem_shared>>) offsets(%dma_start3A_2179 : memref<128xi32, #tpu.memory_space<vmem>>) semaphore(%arg10 : memref<!tpu.dma_semaphore, #tpu.memory_space<semaphore_mem>>) {add = true}
    %dma_start3A_2182 = arith.constant 13 : i32
    %dma_start3A_2183 = arith.constant 0 : i32
    %dma_start3A_2184 = tpu.memref_slice %arg7[%dma_start3A_2182, %dma_start3A_2183] : memref<16x128xi32, #tpu.memory_space<vmem>> -> memref<1x128xi32, #tpu.memory_space<vmem>>
    %dma_start3A_2185 = tpu.memref_squeeze %dma_start3A_2184 : memref<1x128xi32, #tpu.memory_space<vmem>> -> memref<128xi32, #tpu.memory_space<vmem>>
    %dma_start3A_2186 = arith.constant 0 : i32
    %dma_start3A_2187 = tpu.memref_slice %arg9[%dma_start3A_2186] : memref<65536xf32, #tpu.memory_space<vmem_shared>> -> memref<65536xf32, #tpu.memory_space<vmem_shared>>
    tpu.enqueue_indirect_dma source(%arg8 : memref<128xf32, #tpu.memory_space<vmem>>) target(%dma_start3A_2187 : memref<65536xf32, #tpu.memory_space<vmem_shared>>) offsets(%dma_start3A_2185 : memref<128xi32, #tpu.memory_space<vmem>>) semaphore(%arg10 : memref<!tpu.dma_semaphore, #tpu.memory_space<semaphore_mem>>) {add = true}
    %dma_start3A_2188 = arith.constant 14 : i32
    %dma_start3A_2189 = arith.constant 0 : i32
    %dma_start3A_2190 = tpu.memref_slice %arg7[%dma_start3A_2188, %dma_start3A_2189] : memref<16x128xi32, #tpu.memory_space<vmem>> -> memref<1x128xi32, #tpu.memory_space<vmem>>
    %dma_start3A_2191 = tpu.memref_squeeze %dma_start3A_2190 : memref<1x128xi32, #tpu.memory_space<vmem>> -> memref<128xi32, #tpu.memory_space<vmem>>
    %dma_start3A_2192 = arith.constant 0 : i32
    %dma_start3A_2193 = tpu.memref_slice %arg9[%dma_start3A_2192] : memref<65536xf32, #tpu.memory_space<vmem_shared>> -> memref<65536xf32, #tpu.memory_space<vmem_shared>>
    tpu.enqueue_indirect_dma source(%arg8 : memref<128xf32, #tpu.memory_space<vmem>>) target(%dma_start3A_2193 : memref<65536xf32, #tpu.memory_space<vmem_shared>>) offsets(%dma_start3A_2191 : memref<128xi32, #tpu.memory_space<vmem>>) semaphore(%arg10 : memref<!tpu.dma_semaphore, #tpu.memory_space<semaphore_mem>>) {add = true}
    %dma_start3A_2194 = arith.constant 15 : i32
    %dma_start3A_2195 = arith.constant 0 : i32
    %dma_start3A_2196 = tpu.memref_slice %arg7[%dma_start3A_2194, %dma_start3A_2195] : memref<16x128xi32, #tpu.memory_space<vmem>> -> memref<1x128xi32, #tpu.memory_space<vmem>>
    %dma_start3A_2197 = tpu.memref_squeeze %dma_start3A_2196 : memref<1x128xi32, #tpu.memory_space<vmem>> -> memref<128xi32, #tpu.memory_space<vmem>>
    %dma_start3A_2198 = arith.constant 0 : i32
    %dma_start3A_2199 = tpu.memref_slice %arg9[%dma_start3A_2198] : memref<65536xf32, #tpu.memory_space<vmem_shared>> -> memref<65536xf32, #tpu.memory_space<vmem_shared>>
    tpu.enqueue_indirect_dma source(%arg8 : memref<128xf32, #tpu.memory_space<vmem>>) target(%dma_start3A_2199 : memref<65536xf32, #tpu.memory_space<vmem_shared>>) offsets(%dma_start3A_2197 : memref<128xi32, #tpu.memory_space<vmem>>) semaphore(%arg10 : memref<!tpu.dma_semaphore, #tpu.memory_space<semaphore_mem>>) {add = true}
    %dma_wait3A = arith.constant 0 : i32
    %dma_wait3A_2200 = arith.constant 0 : i32
    %dma_wait3A_2201 = tpu.memref_slice %arg7[%dma_wait3A, %dma_wait3A_2200] : memref<16x128xi32, #tpu.memory_space<vmem>> -> memref<1x128xi32, #tpu.memory_space<vmem>>
    %dma_wait3A_2202 = tpu.memref_squeeze %dma_wait3A_2201 : memref<1x128xi32, #tpu.memory_space<vmem>> -> memref<128xi32, #tpu.memory_space<vmem>>
    %dma_wait3A_2203 = arith.constant 0 : i32
    %dma_wait3A_2204 = tpu.memref_slice %arg9[%dma_wait3A_2203] : memref<65536xf32, #tpu.memory_space<vmem_shared>> -> memref<65536xf32, #tpu.memory_space<vmem_shared>>
    tpu.wait_indirect_dma semaphore(%arg10 : memref<!tpu.dma_semaphore, #tpu.memory_space<semaphore_mem>>) src(%arg8 : memref<128xf32, #tpu.memory_space<vmem>>) dst(%dma_wait3A_2204 : memref<65536xf32, #tpu.memory_space<vmem_shared>>)
    %dma_wait3A_2205 = arith.constant 1 : i32
    %dma_wait3A_2206 = arith.constant 0 : i32
    %dma_wait3A_2207 = tpu.memref_slice %arg7[%dma_wait3A_2205, %dma_wait3A_2206] : memref<16x128xi32, #tpu.memory_space<vmem>> -> memref<1x128xi32, #tpu.memory_space<vmem>>
    %dma_wait3A_2208 = tpu.memref_squeeze %dma_wait3A_2207 : memref<1x128xi32, #tpu.memory_space<vmem>> -> memref<128xi32, #tpu.memory_space<vmem>>
    %dma_wait3A_2209 = arith.constant 0 : i32
    %dma_wait3A_2210 = tpu.memref_slice %arg9[%dma_wait3A_2209] : memref<65536xf32, #tpu.memory_space<vmem_shared>> -> memref<65536xf32, #tpu.memory_space<vmem_shared>>
    tpu.wait_indirect_dma semaphore(%arg10 : memref<!tpu.dma_semaphore, #tpu.memory_space<semaphore_mem>>) src(%arg8 : memref<128xf32, #tpu.memory_space<vmem>>) dst(%dma_wait3A_2210 : memref<65536xf32, #tpu.memory_space<vmem_shared>>)
    %dma_wait3A_2211 = arith.constant 2 : i32
    %dma_wait3A_2212 = arith.constant 0 : i32
    %dma_wait3A_2213 = tpu.memref_slice %arg7[%dma_wait3A_2211, %dma_wait3A_2212] : memref<16x128xi32, #tpu.memory_space<vmem>> -> memref<1x128xi32, #tpu.memory_space<vmem>>
    %dma_wait3A_2214 = tpu.memref_squeeze %dma_wait3A_2213 : memref<1x128xi32, #tpu.memory_space<vmem>> -> memref<128xi32, #tpu.memory_space<vmem>>
    %dma_wait3A_2215 = arith.constant 0 : i32
    %dma_wait3A_2216 = tpu.memref_slice %arg9[%dma_wait3A_2215] : memref<65536xf32, #tpu.memory_space<vmem_shared>> -> memref<65536xf32, #tpu.memory_space<vmem_shared>>
    tpu.wait_indirect_dma semaphore(%arg10 : memref<!tpu.dma_semaphore, #tpu.memory_space<semaphore_mem>>) src(%arg8 : memref<128xf32, #tpu.memory_space<vmem>>) dst(%dma_wait3A_2216 : memref<65536xf32, #tpu.memory_space<vmem_shared>>)
    %dma_wait3A_2217 = arith.constant 3 : i32
    %dma_wait3A_2218 = arith.constant 0 : i32
    %dma_wait3A_2219 = tpu.memref_slice %arg7[%dma_wait3A_2217, %dma_wait3A_2218] : memref<16x128xi32, #tpu.memory_space<vmem>> -> memref<1x128xi32, #tpu.memory_space<vmem>>
    %dma_wait3A_2220 = tpu.memref_squeeze %dma_wait3A_2219 : memref<1x128xi32, #tpu.memory_space<vmem>> -> memref<128xi32, #tpu.memory_space<vmem>>
    %dma_wait3A_2221 = arith.constant 0 : i32
    %dma_wait3A_2222 = tpu.memref_slice %arg9[%dma_wait3A_2221] : memref<65536xf32, #tpu.memory_space<vmem_shared>> -> memref<65536xf32, #tpu.memory_space<vmem_shared>>
    tpu.wait_indirect_dma semaphore(%arg10 : memref<!tpu.dma_semaphore, #tpu.memory_space<semaphore_mem>>) src(%arg8 : memref<128xf32, #tpu.memory_space<vmem>>) dst(%dma_wait3A_2222 : memref<65536xf32, #tpu.memory_space<vmem_shared>>)
    %dma_wait3A_2223 = arith.constant 4 : i32
    %dma_wait3A_2224 = arith.constant 0 : i32
    %dma_wait3A_2225 = tpu.memref_slice %arg7[%dma_wait3A_2223, %dma_wait3A_2224] : memref<16x128xi32, #tpu.memory_space<vmem>> -> memref<1x128xi32, #tpu.memory_space<vmem>>
    %dma_wait3A_2226 = tpu.memref_squeeze %dma_wait3A_2225 : memref<1x128xi32, #tpu.memory_space<vmem>> -> memref<128xi32, #tpu.memory_space<vmem>>
    %dma_wait3A_2227 = arith.constant 0 : i32
    %dma_wait3A_2228 = tpu.memref_slice %arg9[%dma_wait3A_2227] : memref<65536xf32, #tpu.memory_space<vmem_shared>> -> memref<65536xf32, #tpu.memory_space<vmem_shared>>
    tpu.wait_indirect_dma semaphore(%arg10 : memref<!tpu.dma_semaphore, #tpu.memory_space<semaphore_mem>>) src(%arg8 : memref<128xf32, #tpu.memory_space<vmem>>) dst(%dma_wait3A_2228 : memref<65536xf32, #tpu.memory_space<vmem_shared>>)
    %dma_wait3A_2229 = arith.constant 5 : i32
    %dma_wait3A_2230 = arith.constant 0 : i32
    %dma_wait3A_2231 = tpu.memref_slice %arg7[%dma_wait3A_2229, %dma_wait3A_2230] : memref<16x128xi32, #tpu.memory_space<vmem>> -> memref<1x128xi32, #tpu.memory_space<vmem>>
    %dma_wait3A_2232 = tpu.memref_squeeze %dma_wait3A_2231 : memref<1x128xi32, #tpu.memory_space<vmem>> -> memref<128xi32, #tpu.memory_space<vmem>>
    %dma_wait3A_2233 = arith.constant 0 : i32
    %dma_wait3A_2234 = tpu.memref_slice %arg9[%dma_wait3A_2233] : memref<65536xf32, #tpu.memory_space<vmem_shared>> -> memref<65536xf32, #tpu.memory_space<vmem_shared>>
    tpu.wait_indirect_dma semaphore(%arg10 : memref<!tpu.dma_semaphore, #tpu.memory_space<semaphore_mem>>) src(%arg8 : memref<128xf32, #tpu.memory_space<vmem>>) dst(%dma_wait3A_2234 : memref<65536xf32, #tpu.memory_space<vmem_shared>>)
    %dma_wait3A_2235 = arith.constant 6 : i32
    %dma_wait3A_2236 = arith.constant 0 : i32
    %dma_wait3A_2237 = tpu.memref_slice %arg7[%dma_wait3A_2235, %dma_wait3A_2236] : memref<16x128xi32, #tpu.memory_space<vmem>> -> memref<1x128xi32, #tpu.memory_space<vmem>>
    %dma_wait3A_2238 = tpu.memref_squeeze %dma_wait3A_2237 : memref<1x128xi32, #tpu.memory_space<vmem>> -> memref<128xi32, #tpu.memory_space<vmem>>
    %dma_wait3A_2239 = arith.constant 0 : i32
    %dma_wait3A_2240 = tpu.memref_slice %arg9[%dma_wait3A_2239] : memref<65536xf32, #tpu.memory_space<vmem_shared>> -> memref<65536xf32, #tpu.memory_space<vmem_shared>>
    tpu.wait_indirect_dma semaphore(%arg10 : memref<!tpu.dma_semaphore, #tpu.memory_space<semaphore_mem>>) src(%arg8 : memref<128xf32, #tpu.memory_space<vmem>>) dst(%dma_wait3A_2240 : memref<65536xf32, #tpu.memory_space<vmem_shared>>)
    %dma_wait3A_2241 = arith.constant 7 : i32
    %dma_wait3A_2242 = arith.constant 0 : i32
    %dma_wait3A_2243 = tpu.memref_slice %arg7[%dma_wait3A_2241, %dma_wait3A_2242] : memref<16x128xi32, #tpu.memory_space<vmem>> -> memref<1x128xi32, #tpu.memory_space<vmem>>
    %dma_wait3A_2244 = tpu.memref_squeeze %dma_wait3A_2243 : memref<1x128xi32, #tpu.memory_space<vmem>> -> memref<128xi32, #tpu.memory_space<vmem>>
    %dma_wait3A_2245 = arith.constant 0 : i32
    %dma_wait3A_2246 = tpu.memref_slice %arg9[%dma_wait3A_2245] : memref<65536xf32, #tpu.memory_space<vmem_shared>> -> memref<65536xf32, #tpu.memory_space<vmem_shared>>
    tpu.wait_indirect_dma semaphore(%arg10 : memref<!tpu.dma_semaphore, #tpu.memory_space<semaphore_mem>>) src(%arg8 : memref<128xf32, #tpu.memory_space<vmem>>) dst(%dma_wait3A_2246 : memref<65536xf32, #tpu.memory_space<vmem_shared>>)
    %dma_wait3A_2247 = arith.constant 8 : i32
    %dma_wait3A_2248 = arith.constant 0 : i32
    %dma_wait3A_2249 = tpu.memref_slice %arg7[%dma_wait3A_2247, %dma_wait3A_2248] : memref<16x128xi32, #tpu.memory_space<vmem>> -> memref<1x128xi32, #tpu.memory_space<vmem>>
    %dma_wait3A_2250 = tpu.memref_squeeze %dma_wait3A_2249 : memref<1x128xi32, #tpu.memory_space<vmem>> -> memref<128xi32, #tpu.memory_space<vmem>>
    %dma_wait3A_2251 = arith.constant 0 : i32
    %dma_wait3A_2252 = tpu.memref_slice %arg9[%dma_wait3A_2251] : memref<65536xf32, #tpu.memory_space<vmem_shared>> -> memref<65536xf32, #tpu.memory_space<vmem_shared>>
    tpu.wait_indirect_dma semaphore(%arg10 : memref<!tpu.dma_semaphore, #tpu.memory_space<semaphore_mem>>) src(%arg8 : memref<128xf32, #tpu.memory_space<vmem>>) dst(%dma_wait3A_2252 : memref<65536xf32, #tpu.memory_space<vmem_shared>>)
    %dma_wait3A_2253 = arith.constant 9 : i32
    %dma_wait3A_2254 = arith.constant 0 : i32
    %dma_wait3A_2255 = tpu.memref_slice %arg7[%dma_wait3A_2253, %dma_wait3A_2254] : memref<16x128xi32, #tpu.memory_space<vmem>> -> memref<1x128xi32, #tpu.memory_space<vmem>>
    %dma_wait3A_2256 = tpu.memref_squeeze %dma_wait3A_2255 : memref<1x128xi32, #tpu.memory_space<vmem>> -> memref<128xi32, #tpu.memory_space<vmem>>
    %dma_wait3A_2257 = arith.constant 0 : i32
    %dma_wait3A_2258 = tpu.memref_slice %arg9[%dma_wait3A_2257] : memref<65536xf32, #tpu.memory_space<vmem_shared>> -> memref<65536xf32, #tpu.memory_space<vmem_shared>>
    tpu.wait_indirect_dma semaphore(%arg10 : memref<!tpu.dma_semaphore, #tpu.memory_space<semaphore_mem>>) src(%arg8 : memref<128xf32, #tpu.memory_space<vmem>>) dst(%dma_wait3A_2258 : memref<65536xf32, #tpu.memory_space<vmem_shared>>)
    %dma_wait3A_2259 = arith.constant 10 : i32
    %dma_wait3A_2260 = arith.constant 0 : i32
    %dma_wait3A_2261 = tpu.memref_slice %arg7[%dma_wait3A_2259, %dma_wait3A_2260] : memref<16x128xi32, #tpu.memory_space<vmem>> -> memref<1x128xi32, #tpu.memory_space<vmem>>
    %dma_wait3A_2262 = tpu.memref_squeeze %dma_wait3A_2261 : memref<1x128xi32, #tpu.memory_space<vmem>> -> memref<128xi32, #tpu.memory_space<vmem>>
    %dma_wait3A_2263 = arith.constant 0 : i32
    %dma_wait3A_2264 = tpu.memref_slice %arg9[%dma_wait3A_2263] : memref<65536xf32, #tpu.memory_space<vmem_shared>> -> memref<65536xf32, #tpu.memory_space<vmem_shared>>
    tpu.wait_indirect_dma semaphore(%arg10 : memref<!tpu.dma_semaphore, #tpu.memory_space<semaphore_mem>>) src(%arg8 : memref<128xf32, #tpu.memory_space<vmem>>) dst(%dma_wait3A_2264 : memref<65536xf32, #tpu.memory_space<vmem_shared>>)
    %dma_wait3A_2265 = arith.constant 11 : i32
    %dma_wait3A_2266 = arith.constant 0 : i32
    %dma_wait3A_2267 = tpu.memref_slice %arg7[%dma_wait3A_2265, %dma_wait3A_2266] : memref<16x128xi32, #tpu.memory_space<vmem>> -> memref<1x128xi32, #tpu.memory_space<vmem>>
    %dma_wait3A_2268 = tpu.memref_squeeze %dma_wait3A_2267 : memref<1x128xi32, #tpu.memory_space<vmem>> -> memref<128xi32, #tpu.memory_space<vmem>>
    %dma_wait3A_2269 = arith.constant 0 : i32
    %dma_wait3A_2270 = tpu.memref_slice %arg9[%dma_wait3A_2269] : memref<65536xf32, #tpu.memory_space<vmem_shared>> -> memref<65536xf32, #tpu.memory_space<vmem_shared>>
    tpu.wait_indirect_dma semaphore(%arg10 : memref<!tpu.dma_semaphore, #tpu.memory_space<semaphore_mem>>) src(%arg8 : memref<128xf32, #tpu.memory_space<vmem>>) dst(%dma_wait3A_2270 : memref<65536xf32, #tpu.memory_space<vmem_shared>>)
    %dma_wait3A_2271 = arith.constant 12 : i32
    %dma_wait3A_2272 = arith.constant 0 : i32
    %dma_wait3A_2273 = tpu.memref_slice %arg7[%dma_wait3A_2271, %dma_wait3A_2272] : memref<16x128xi32, #tpu.memory_space<vmem>> -> memref<1x128xi32, #tpu.memory_space<vmem>>
    %dma_wait3A_2274 = tpu.memref_squeeze %dma_wait3A_2273 : memref<1x128xi32, #tpu.memory_space<vmem>> -> memref<128xi32, #tpu.memory_space<vmem>>
    %dma_wait3A_2275 = arith.constant 0 : i32
    %dma_wait3A_2276 = tpu.memref_slice %arg9[%dma_wait3A_2275] : memref<65536xf32, #tpu.memory_space<vmem_shared>> -> memref<65536xf32, #tpu.memory_space<vmem_shared>>
    tpu.wait_indirect_dma semaphore(%arg10 : memref<!tpu.dma_semaphore, #tpu.memory_space<semaphore_mem>>) src(%arg8 : memref<128xf32, #tpu.memory_space<vmem>>) dst(%dma_wait3A_2276 : memref<65536xf32, #tpu.memory_space<vmem_shared>>)
    %dma_wait3A_2277 = arith.constant 13 : i32
    %dma_wait3A_2278 = arith.constant 0 : i32
    %dma_wait3A_2279 = tpu.memref_slice %arg7[%dma_wait3A_2277, %dma_wait3A_2278] : memref<16x128xi32, #tpu.memory_space<vmem>> -> memref<1x128xi32, #tpu.memory_space<vmem>>
    %dma_wait3A_2280 = tpu.memref_squeeze %dma_wait3A_2279 : memref<1x128xi32, #tpu.memory_space<vmem>> -> memref<128xi32, #tpu.memory_space<vmem>>
    %dma_wait3A_2281 = arith.constant 0 : i32
    %dma_wait3A_2282 = tpu.memref_slice %arg9[%dma_wait3A_2281] : memref<65536xf32, #tpu.memory_space<vmem_shared>> -> memref<65536xf32, #tpu.memory_space<vmem_shared>>
    tpu.wait_indirect_dma semaphore(%arg10 : memref<!tpu.dma_semaphore, #tpu.memory_space<semaphore_mem>>) src(%arg8 : memref<128xf32, #tpu.memory_space<vmem>>) dst(%dma_wait3A_2282 : memref<65536xf32, #tpu.memory_space<vmem_shared>>)
    %dma_wait3A_2283 = arith.constant 14 : i32
    %dma_wait3A_2284 = arith.constant 0 : i32
    %dma_wait3A_2285 = tpu.memref_slice %arg7[%dma_wait3A_2283, %dma_wait3A_2284] : memref<16x128xi32, #tpu.memory_space<vmem>> -> memref<1x128xi32, #tpu.memory_space<vmem>>
    %dma_wait3A_2286 = tpu.memref_squeeze %dma_wait3A_2285 : memref<1x128xi32, #tpu.memory_space<vmem>> -> memref<128xi32, #tpu.memory_space<vmem>>
    %dma_wait3A_2287 = arith.constant 0 : i32
    %dma_wait3A_2288 = tpu.memref_slice %arg9[%dma_wait3A_2287] : memref<65536xf32, #tpu.memory_space<vmem_shared>> -> memref<65536xf32, #tpu.memory_space<vmem_shared>>
    tpu.wait_indirect_dma semaphore(%arg10 : memref<!tpu.dma_semaphore, #tpu.memory_space<semaphore_mem>>) src(%arg8 : memref<128xf32, #tpu.memory_space<vmem>>) dst(%dma_wait3A_2288 : memref<65536xf32, #tpu.memory_space<vmem_shared>>)
    %dma_wait3A_2289 = arith.constant 15 : i32
    %dma_wait3A_2290 = arith.constant 0 : i32
    %dma_wait3A_2291 = tpu.memref_slice %arg7[%dma_wait3A_2289, %dma_wait3A_2290] : memref<16x128xi32, #tpu.memory_space<vmem>> -> memref<1x128xi32, #tpu.memory_space<vmem>>
    %dma_wait3A_2292 = tpu.memref_squeeze %dma_wait3A_2291 : memref<1x128xi32, #tpu.memory_space<vmem>> -> memref<128xi32, #tpu.memory_space<vmem>>
    %dma_wait3A_2293 = arith.constant 0 : i32
    %dma_wait3A_2294 = tpu.memref_slice %arg9[%dma_wait3A_2293] : memref<65536xf32, #tpu.memory_space<vmem_shared>> -> memref<65536xf32, #tpu.memory_space<vmem_shared>>
    tpu.wait_indirect_dma semaphore(%arg10 : memref<!tpu.dma_semaphore, #tpu.memory_space<semaphore_mem>>) src(%arg8 : memref<128xf32, #tpu.memory_space<vmem>>) dst(%dma_wait3A_2294 : memref<65536xf32, #tpu.memory_space<vmem_shared>>)
    %barrier3A_2295 = arith.constant 0 : index
    tpu.barrier barrier_id(%barrier3A_2295)
    %mul3A_2296 = arith.constant 4096 : i32
    %mul3A_2297 = arith.muli %arg1, %mul3A_2296 : i32
    %mul3A_2298 = arith.constant 4096 : i32
    %mul3A_2299 = arith.muli %arg1, %mul3A_2298 : i32
    "tpu.region"() ({
      %run_scoped3A = tpu.sem_alloc : memref<!tpu.dma_semaphore, #tpu.memory_space<semaphore_mem>>
      %dma_start3A_2300 = tpu.memref_slice %arg4[%arg0, %mul3A_2299] : memref<2x65536xf32, #tpu.memory_space<hbm>> -> memref<1x4096xf32, #tpu.memory_space<hbm>>
      %dma_start3A_2301 = tpu.memref_squeeze %dma_start3A_2300 : memref<1x4096xf32, #tpu.memory_space<hbm>> -> memref<4096xf32, #tpu.memory_space<hbm>>
      %dma_start3A_2302 = tpu.memref_slice %arg9[%mul3A_2297] : memref<65536xf32, #tpu.memory_space<vmem_shared>> -> memref<4096xf32, #tpu.memory_space<vmem_shared>>
      tpu.enqueue_dma source(%dma_start3A_2302 : memref<4096xf32, #tpu.memory_space<vmem_shared>>) target(%dma_start3A_2301 : memref<4096xf32, #tpu.memory_space<hbm>>) target_semaphore(%run_scoped3A : memref<!tpu.dma_semaphore, #tpu.memory_space<semaphore_mem>>)
      %dma_wait3A_2303 = tpu.memref_slice %arg4[%arg0, %mul3A_2299] : memref<2x65536xf32, #tpu.memory_space<hbm>> -> memref<1x4096xf32, #tpu.memory_space<hbm>>
      %dma_wait3A_2304 = tpu.memref_squeeze %dma_wait3A_2303 : memref<1x4096xf32, #tpu.memory_space<hbm>> -> memref<4096xf32, #tpu.memory_space<hbm>>
      %dma_wait3A_2305 = tpu.memref_slice %arg9[%mul3A_2297] : memref<65536xf32, #tpu.memory_space<vmem_shared>> -> memref<4096xf32, #tpu.memory_space<vmem_shared>>
      tpu.wait_dma2 semaphore(%run_scoped3A : memref<!tpu.dma_semaphore, #tpu.memory_space<semaphore_mem>>) src(%dma_wait3A_2305 : memref<4096xf32, #tpu.memory_space<vmem_shared>>) dst(%dma_wait3A_2304 : memref<4096xf32, #tpu.memory_space<hbm>>)
      tpu.yield
    }) : () -> ()
    return
  }
}

module attributes {stable_mosaic.version = 14 : i64} {
  func.func @_gnn_fc_body(%arg0: i32, %arg1: memref<2x65536xf32, #tpu.memory_space<vmem>>, %arg2: memref<256x7xf32, #tpu.memory_space<vmem>>, %arg3: memref<7x128xf32, #tpu.memory_space<vmem>>, %arg4: memref<7x128xf32, #tpu.memory_space<vmem>>, %arg5: memref<1x128xf32, #tpu.memory_space<vmem>>, %arg6: memref<128x128xf32, #tpu.memory_space<vmem>>, %arg7: memref<128x128xf32, #tpu.memory_space<vmem>>, %arg8: memref<1x128xf32, #tpu.memory_space<vmem>>, %arg9: memref<128x256xf32, #tpu.memory_space<vmem>>, %arg10: memref<2x128xf32, #tpu.memory_space<vmem>>, %arg11: memref<2x128xf32, #tpu.memory_space<vmem>>, %arg12: memref<1x128xf32, #tpu.memory_space<vmem>>, %arg13: memref<7x128xf32, #tpu.memory_space<vmem>>, %arg14: memref<1x128xf32, #tpu.memory_space<vmem>>, %arg15: memref<2048x1536xf32, #tpu.memory_space<vmem>>, %arg16: memref<1x1536xf32, #tpu.memory_space<vmem>>, %arg17: memref<1x1536xf32, #tpu.memory_space<vmem>>, %arg18: memref<256x128xf32, #tpu.memory_space<vmem>>) attributes {dimension_semantics = [#tpu.dimension_semantics<arbitrary>], iteration_bounds = array<i64: 16>, scalar_prefetch = 0 : i64, scratch_operands = 1 : i64, tpu.core_type = #tpu.core_type<tc>, window_params = [{pipeline_mode = #tpu.pipeline_mode<synchronous>, transform_indices = @transform_0, window_bounds = array<i64: 2, 65536>}, {pipeline_mode = #tpu.pipeline_mode<synchronous>, transform_indices = @transform_1, window_bounds = array<i64: 256, 7>}, {pipeline_mode = #tpu.pipeline_mode<synchronous>, transform_indices = @transform_2, window_bounds = array<i64: 7, 128>}, {pipeline_mode = #tpu.pipeline_mode<synchronous>, transform_indices = @transform_3, window_bounds = array<i64: 7, 128>}, {pipeline_mode = #tpu.pipeline_mode<synchronous>, transform_indices = @transform_4, window_bounds = array<i64: 1, 128>}, {pipeline_mode = #tpu.pipeline_mode<synchronous>, transform_indices = @transform_5, window_bounds = array<i64: 128, 128>}, {pipeline_mode = #tpu.pipeline_mode<synchronous>, transform_indices = @transform_6, window_bounds = array<i64: 128, 128>}, {pipeline_mode = #tpu.pipeline_mode<synchronous>, transform_indices = @transform_7, window_bounds = array<i64: 1, 128>}, {pipeline_mode = #tpu.pipeline_mode<synchronous>, transform_indices = @transform_8, window_bounds = array<i64: 128, 256>}, {pipeline_mode = #tpu.pipeline_mode<synchronous>, transform_indices = @transform_9, window_bounds = array<i64: 2, 128>}, {pipeline_mode = #tpu.pipeline_mode<synchronous>, transform_indices = @transform_10, window_bounds = array<i64: 2, 128>}, {pipeline_mode = #tpu.pipeline_mode<synchronous>, transform_indices = @transform_11, window_bounds = array<i64: 1, 128>}, {pipeline_mode = #tpu.pipeline_mode<synchronous>, transform_indices = @transform_12, window_bounds = array<i64: 7, 128>}, {pipeline_mode = #tpu.pipeline_mode<synchronous>, transform_indices = @transform_13, window_bounds = array<i64: 1, 128>}, {transform_indices = @transform_14, window_bounds = array<i64: 2048, 1536>}, {pipeline_mode = #tpu.pipeline_mode<synchronous>, transform_indices = @transform_15, window_bounds = array<i64: 1, 1536>}, {pipeline_mode = #tpu.pipeline_mode<synchronous>, transform_indices = @transform_16, window_bounds = array<i64: 1, 1536>}]} {
    %eq3A = arith.constant 0 : i32
    %eq3A_0 = arith.cmpi eq, %arg0, %eq3A : i32
    %convert_element_type3A = arith.extui %eq3A_0 : i1 to i32
    %cond3A = arith.constant 0 : i32
    %cond3A_1 = arith.cmpi ne, %convert_element_type3A, %cond3A : i32
    scf.if %cond3A_1 {
      %iota3A = tpu.iota {dimensions = array<i32: 0>} : vector<256x256xi32>
      %iota3A_14 = tpu.iota {dimensions = array<i32: 1>} : vector<256x256xi32>
      %eq3A_15 = arith.constant 0 : i32
      %eq3A_16 = vector.broadcast %eq3A_15 : i32 to vector<256x256xi32>
      %eq3A_17 = arith.cmpi eq, %iota3A, %eq3A_16 : vector<256x256xi32>
      %eq3A_18 = arith.constant 0 : i32
      %eq3A_19 = vector.broadcast %eq3A_18 : i32 to vector<256x256xi32>
      %eq3A_20 = arith.cmpi eq, %iota3A_14, %eq3A_19 : vector<256x256xi32>
      %and3A = arith.andi %eq3A_17, %eq3A_20 : vector<256x256xi1>
      %convert_element_type3A_21 = arith.extui %and3A : vector<256x256xi1> to vector<256x256xi32>
      %convert_element_type3A_22 = arith.sitofp %convert_element_type3A_21 : vector<256x256xi32> to vector<256x256xf32>
      %get3A_23 = arith.constant 0 : index
      %get3A_24 = arith.constant 0 : index
      %get3A_25 = vector.load %arg1[%get3A_23, %get3A_24] : memref<2x65536xf32, #tpu.memory_space<vmem>>, vector<1x65536xf32>
      %get3A_26 = vector.shape_cast %get3A_25 : vector<1x65536xf32> to vector<65536xf32>
      %get3A_27 = arith.constant 1 : index
      %get3A_28 = arith.constant 0 : index
      %get3A_29 = vector.load %arg1[%get3A_27, %get3A_28] : memref<2x65536xf32, #tpu.memory_space<vmem>>, vector<1x65536xf32>
      %get3A_30 = vector.shape_cast %get3A_29 : vector<1x65536xf32> to vector<65536xf32>
      %add3A_31 = arith.addf %get3A_26, %get3A_30 : vector<65536xf32>
      %reshape3A_32 = vector.shape_cast %add3A_31 : vector<65536xf32> to vector<256x256xf32>
      %mul3A_33 = arith.constant 2.560000e+02 : f32
      %mul3A_34 = vector.broadcast %mul3A_33 : f32 to vector<256x256xf32>
      %mul3A_35 = arith.mulf %mul3A_34, %convert_element_type3A_22 : vector<256x256xf32>
      %sub3A = arith.subf %reshape3A_32, %mul3A_35 : vector<256x256xf32>
      %get3A_36 = arith.constant 0 : index
      %get3A_37 = arith.constant 0 : index
      %get3A_38 = vector.load %arg2[%get3A_36, %get3A_37] : memref<256x7xf32, #tpu.memory_space<vmem>>, vector<256x7xf32>
      %dot_general3A_39 = arith.constant dense<0.000000e+00> : vector<256x7xf32>
      %dot_general3A_40 = tpu.matmul %sub3A, %get3A_38, %dot_general3A_39 {dimension_numbers = #tpu.dot_dimension_numbers<[1], [0], [0], [1], [0, 0, 1, 1], [], []>, precision = #tpu.contract_precision<fp32>, transpose_lhs_hint = false} : vector<256x256xf32>, vector<256x7xf32>, vector<256x7xf32> -> vector<256x7xf32>
      %get3A_41 = arith.constant 0 : index
      %get3A_42 = arith.constant 0 : index
      %get3A_43 = vector.load %arg3[%get3A_41, %get3A_42] : memref<7x128xf32, #tpu.memory_space<vmem>>, vector<7x128xf32>
      %dot_general3A_44 = arith.constant dense<0.000000e+00> : vector<256x128xf32>
      %dot_general3A_45 = tpu.matmul %dot_general3A_40, %get3A_43, %dot_general3A_44 {dimension_numbers = #tpu.dot_dimension_numbers<[1], [0], [0], [1], [0, 0, 1, 1], [], []>, transpose_lhs_hint = false} : vector<256x7xf32>, vector<7x128xf32>, vector<256x128xf32> -> vector<256x128xf32>
      %get3A_46 = arith.constant 0 : index
      %get3A_47 = arith.constant 0 : index
      %get3A_48 = vector.load %arg4[%get3A_46, %get3A_47] : memref<7x128xf32, #tpu.memory_space<vmem>>, vector<7x128xf32>
      %dot_general3A_49 = arith.constant dense<0.000000e+00> : vector<256x128xf32>
      %dot_general3A_50 = tpu.matmul %get3A_38, %get3A_48, %dot_general3A_49 {dimension_numbers = #tpu.dot_dimension_numbers<[1], [0], [0], [1], [0, 0, 1, 1], [], []>, transpose_lhs_hint = false} : vector<256x7xf32>, vector<7x128xf32>, vector<256x128xf32> -> vector<256x128xf32>
      %add3A_51 = arith.addf %dot_general3A_45, %dot_general3A_50 : vector<256x128xf32>
      %get3A_52 = arith.constant 0 : index
      %get3A_53 = arith.constant 0 : index
      %get3A_54 = vector.load %arg5[%get3A_52, %get3A_53] : memref<1x128xf32, #tpu.memory_space<vmem>>, vector<1x128xf32>
      %add3A_55 = vector.broadcast %get3A_54 : vector<1x128xf32> to vector<256x128xf32>
      %add3A_56 = arith.addf %add3A_51, %add3A_55 : vector<256x128xf32>
      %get3A_57 = arith.constant 0 : index
      %get3A_58 = arith.constant 0 : index
      %get3A_59 = vector.load %arg13[%get3A_57, %get3A_58] : memref<7x128xf32, #tpu.memory_space<vmem>>, vector<7x128xf32>
      %dot_general3A_60 = arith.constant dense<0.000000e+00> : vector<256x128xf32>
      %dot_general3A_61 = tpu.matmul %get3A_38, %get3A_59, %dot_general3A_60 {dimension_numbers = #tpu.dot_dimension_numbers<[1], [0], [0], [1], [0, 0, 1, 1], [], []>, transpose_lhs_hint = false} : vector<256x7xf32>, vector<7x128xf32>, vector<256x128xf32> -> vector<256x128xf32>
      %add3A_62 = arith.addf %add3A_56, %dot_general3A_61 : vector<256x128xf32>
      %get3A_63 = arith.constant 0 : index
      %get3A_64 = arith.constant 0 : index
      %get3A_65 = vector.load %arg14[%get3A_63, %get3A_64] : memref<1x128xf32, #tpu.memory_space<vmem>>, vector<1x128xf32>
      %add3A_66 = vector.broadcast %get3A_65 : vector<1x128xf32> to vector<256x128xf32>
      %add3A_67 = arith.addf %add3A_62, %add3A_66 : vector<256x128xf32>
      %max3A = arith.constant 0.000000e+00 : f32
      %max3A_68 = vector.broadcast %max3A : f32 to vector<256x128xf32>
      %max3A_69 = arith.maximumf %add3A_67, %max3A_68 : vector<256x128xf32>
      %dot_general3A_70 = arith.constant dense<0.000000e+00> : vector<256x128xf32>
      %dot_general3A_71 = tpu.matmul %sub3A, %max3A_69, %dot_general3A_70 {dimension_numbers = #tpu.dot_dimension_numbers<[1], [0], [0], [1], [0, 0, 1, 1], [], []>, precision = #tpu.contract_precision<fp32>, transpose_lhs_hint = false} : vector<256x256xf32>, vector<256x128xf32>, vector<256x128xf32> -> vector<256x128xf32>
      %get3A_72 = arith.constant 0 : index
      %get3A_73 = arith.constant 0 : index
      %get3A_74 = vector.load %arg6[%get3A_72, %get3A_73] : memref<128x128xf32, #tpu.memory_space<vmem>>, vector<128x128xf32>
      %dot_general3A_75 = arith.constant dense<0.000000e+00> : vector<256x128xf32>
      %dot_general3A_76 = tpu.matmul %dot_general3A_71, %get3A_74, %dot_general3A_75 {dimension_numbers = #tpu.dot_dimension_numbers<[1], [0], [0], [1], [0, 0, 1, 1], [], []>, transpose_lhs_hint = false} : vector<256x128xf32>, vector<128x128xf32>, vector<256x128xf32> -> vector<256x128xf32>
      %get3A_77 = arith.constant 0 : index
      %get3A_78 = arith.constant 0 : index
      %get3A_79 = vector.load %arg7[%get3A_77, %get3A_78] : memref<128x128xf32, #tpu.memory_space<vmem>>, vector<128x128xf32>
      %dot_general3A_80 = arith.constant dense<0.000000e+00> : vector<256x128xf32>
      %dot_general3A_81 = tpu.matmul %max3A_69, %get3A_79, %dot_general3A_80 {dimension_numbers = #tpu.dot_dimension_numbers<[1], [0], [0], [1], [0, 0, 1, 1], [], []>, transpose_lhs_hint = false} : vector<256x128xf32>, vector<128x128xf32>, vector<256x128xf32> -> vector<256x128xf32>
      %add3A_82 = arith.addf %dot_general3A_76, %dot_general3A_81 : vector<256x128xf32>
      %get3A_83 = arith.constant 0 : index
      %get3A_84 = arith.constant 0 : index
      %get3A_85 = vector.load %arg8[%get3A_83, %get3A_84] : memref<1x128xf32, #tpu.memory_space<vmem>>, vector<1x128xf32>
      %add3A_86 = vector.broadcast %get3A_85 : vector<1x128xf32> to vector<256x128xf32>
      %add3A_87 = arith.addf %add3A_82, %add3A_86 : vector<256x128xf32>
      %max3A_88 = arith.constant 0.000000e+00 : f32
      %max3A_89 = vector.broadcast %max3A_88 : f32 to vector<256x128xf32>
      %max3A_90 = arith.maximumf %add3A_87, %max3A_89 : vector<256x128xf32>
      %eq3A_91 = arith.cmpi eq, %iota3A, %iota3A_14 : vector<256x256xi32>
      %convert_element_type3A_92 = arith.extui %eq3A_91 : vector<256x256xi1> to vector<256x256xi32>
      %convert_element_type3A_93 = arith.sitofp %convert_element_type3A_92 : vector<256x256xi32> to vector<256x256xf32>
      %add3A_94 = arith.addf %sub3A, %convert_element_type3A_93 : vector<256x256xf32>
      %gt3A = arith.constant 0.000000e+00 : f32
      %gt3A_95 = vector.broadcast %gt3A : f32 to vector<256x256xf32>
      %gt3A_96 = arith.cmpf ogt, %add3A_94, %gt3A_95 : vector<256x256xf32>
      %get3A_97 = arith.constant 0 : index
      %get3A_98 = arith.constant 0 : index
      %get3A_99 = vector.load %arg9[%get3A_97, %get3A_98] : memref<128x256xf32, #tpu.memory_space<vmem>>, vector<128x256xf32>
      %dot_general3A_100 = arith.constant dense<0.000000e+00> : vector<256x256xf32>
      %dot_general3A_101 = tpu.matmul %max3A_90, %get3A_99, %dot_general3A_100 {dimension_numbers = #tpu.dot_dimension_numbers<[1], [0], [0], [1], [0, 0, 1, 1], [], []>, transpose_lhs_hint = false} : vector<256x128xf32>, vector<128x256xf32>, vector<256x256xf32> -> vector<256x256xf32>
      %broadcast_in_dim3A = arith.constant 0.000000e+00 : f32
      %broadcast_in_dim3A_102 = vector.broadcast %broadcast_in_dim3A : f32 to vector<256x128xf32>
      %slice3A = vector.extract_strided_slice %dot_general3A_101 {offsets = [0, 0], sizes = [256, 128], strides = [1, 1]} : vector<256x256xf32> to vector<256x128xf32>
      %get3A_103 = arith.constant 0 : index
      %get3A_104 = arith.constant 0 : index
      %get3A_105 = vector.load %arg10[%get3A_103, %get3A_104] : memref<2x128xf32, #tpu.memory_space<vmem>>, vector<1x128xf32>
      %get3A_106 = vector.shape_cast %get3A_105 : vector<1x128xf32> to vector<128xf32>
      %broadcast_in_dim3A_107 = vector.shape_cast %get3A_106 : vector<128xf32> to vector<1x128xf32>
      %mul3A_108 = vector.broadcast %broadcast_in_dim3A_107 : vector<1x128xf32> to vector<256x128xf32>
      %mul3A_109 = arith.mulf %slice3A, %mul3A_108 : vector<256x128xf32>
      %reduce_sum3A = arith.constant dense<0.000000e+00> : vector<256xf32>
      %reduce_sum3A_110 = vector.multi_reduction <add>, %mul3A_109, %reduce_sum3A [1] : vector<256x128xf32> to vector<256xf32>
      %get3A_111 = arith.constant 0 : index
      %get3A_112 = arith.constant 0 : index
      %get3A_113 = vector.load %arg11[%get3A_111, %get3A_112] : memref<2x128xf32, #tpu.memory_space<vmem>>, vector<1x128xf32>
      %get3A_114 = vector.shape_cast %get3A_113 : vector<1x128xf32> to vector<128xf32>
      %broadcast_in_dim3A_115 = vector.shape_cast %get3A_114 : vector<128xf32> to vector<1x128xf32>
      %mul3A_116 = vector.broadcast %broadcast_in_dim3A_115 : vector<1x128xf32> to vector<256x128xf32>
      %mul3A_117 = arith.mulf %slice3A, %mul3A_116 : vector<256x128xf32>
      %reduce_sum3A_118 = arith.constant dense<0.000000e+00> : vector<256xf32>
      %reduce_sum3A_119 = vector.multi_reduction <add>, %mul3A_117, %reduce_sum3A_118 [1] : vector<256x128xf32> to vector<256xf32>
      %broadcast_in_dim3A_120 = vector.shape_cast %reduce_sum3A_119 : vector<256xf32> to vector<256x1xf32>
      %broadcast_in_dim3A_121 = vector.shape_cast %reduce_sum3A_110 : vector<256xf32> to vector<1x256xf32>
      %add3A_122 = vector.broadcast %broadcast_in_dim3A_120 : vector<256x1xf32> to vector<256x256xf32>
      %add3A_123 = vector.broadcast %broadcast_in_dim3A_121 : vector<1x256xf32> to vector<256x256xf32>
      %add3A_124 = arith.addf %add3A_122, %add3A_123 : vector<256x256xf32>
      %ge3A = arith.constant 0.000000e+00 : f32
      %ge3A_125 = vector.broadcast %ge3A : f32 to vector<256x256xf32>
      %ge3A_126 = arith.cmpf oge, %add3A_124, %ge3A_125 : vector<256x256xf32>
      %mul3A_127 = arith.constant 2.000000e-01 : f32
      %mul3A_128 = vector.broadcast %mul3A_127 : f32 to vector<256x256xf32>
      %mul3A_129 = arith.mulf %mul3A_128, %add3A_124 : vector<256x256xf32>
      %select_n3A = arith.select %ge3A_126, %add3A_124, %mul3A_129 : vector<256x256xi1>, vector<256x256xf32>
      %jit3A = arith.constant -1.000000e+30 : f32
      %broadcast_in_dim3A_130 = vector.broadcast %jit3A : f32 to vector<256x256xf32>
      %select_n3A_131 = arith.select %gt3A_96, %select_n3A, %broadcast_in_dim3A_130 : vector<256x256xi1>, vector<256x256xf32>
      %reduce_max3A = arith.constant dense<0xFF800000> : vector<256xf32>
      %reduce_max3A_132 = vector.multi_reduction <maximumf>, %select_n3A_131, %reduce_max3A [1] : vector<256x256xf32> to vector<256xf32>
      %broadcast_in_dim3A_133 = vector.shape_cast %reduce_max3A_132 : vector<256xf32> to vector<256x1xf32>
      %sub3A_134 = vector.broadcast %broadcast_in_dim3A_133 : vector<256x1xf32> to vector<256x256xf32>
      %sub3A_135 = arith.subf %select_n3A, %sub3A_134 : vector<256x256xf32>
      %min3A = arith.constant 0.000000e+00 : f32
      %min3A_136 = vector.broadcast %min3A : f32 to vector<256x256xf32>
      %min3A_137 = arith.minimumf %sub3A_135, %min3A_136 : vector<256x256xf32>
      %exp3A = math.exp %min3A_137 : vector<256x256xf32>
      %mul3A_138 = arith.mulf %add3A_94, %exp3A : vector<256x256xf32>
      %reduce_sum3A_139 = arith.constant dense<0.000000e+00> : vector<256xf32>
      %reduce_sum3A_140 = vector.multi_reduction <add>, %mul3A_138, %reduce_sum3A_139 [1] : vector<256x256xf32> to vector<256xf32>
      %broadcast_in_dim3A_141 = vector.shape_cast %reduce_sum3A_140 : vector<256xf32> to vector<256x1xf32>
      %dot_general3A_142 = arith.constant dense<0.000000e+00> : vector<256x128xf32>
      %dot_general3A_143 = tpu.matmul %mul3A_138, %slice3A, %dot_general3A_142 {dimension_numbers = #tpu.dot_dimension_numbers<[1], [0], [0], [1], [0, 0, 1, 1], [], []>, precision = #tpu.contract_precision<fp32>, transpose_lhs_hint = false} : vector<256x256xf32>, vector<256x128xf32>, vector<256x128xf32> -> vector<256x128xf32>
      %div3A = vector.broadcast %broadcast_in_dim3A_141 : vector<256x1xf32> to vector<256x128xf32>
      %div3A_144 = arith.divf %dot_general3A_143, %div3A : vector<256x128xf32>
      %add3A_145 = arith.addf %broadcast_in_dim3A_102, %div3A_144 : vector<256x128xf32>
      %slice3A_146 = vector.extract_strided_slice %dot_general3A_101 {offsets = [0, 128], sizes = [256, 128], strides = [1, 1]} : vector<256x256xf32> to vector<256x128xf32>
      %get3A_147 = arith.constant 1 : index
      %get3A_148 = arith.constant 0 : index
      %get3A_149 = vector.load %arg10[%get3A_147, %get3A_148] : memref<2x128xf32, #tpu.memory_space<vmem>>, vector<1x128xf32>
      %get3A_150 = vector.shape_cast %get3A_149 : vector<1x128xf32> to vector<128xf32>
      %broadcast_in_dim3A_151 = vector.shape_cast %get3A_150 : vector<128xf32> to vector<1x128xf32>
      %mul3A_152 = vector.broadcast %broadcast_in_dim3A_151 : vector<1x128xf32> to vector<256x128xf32>
      %mul3A_153 = arith.mulf %slice3A_146, %mul3A_152 : vector<256x128xf32>
      %reduce_sum3A_154 = arith.constant dense<0.000000e+00> : vector<256xf32>
      %reduce_sum3A_155 = vector.multi_reduction <add>, %mul3A_153, %reduce_sum3A_154 [1] : vector<256x128xf32> to vector<256xf32>
      %get3A_156 = arith.constant 1 : index
      %get3A_157 = arith.constant 0 : index
      %get3A_158 = vector.load %arg11[%get3A_156, %get3A_157] : memref<2x128xf32, #tpu.memory_space<vmem>>, vector<1x128xf32>
      %get3A_159 = vector.shape_cast %get3A_158 : vector<1x128xf32> to vector<128xf32>
      %broadcast_in_dim3A_160 = vector.shape_cast %get3A_159 : vector<128xf32> to vector<1x128xf32>
      %mul3A_161 = vector.broadcast %broadcast_in_dim3A_160 : vector<1x128xf32> to vector<256x128xf32>
      %mul3A_162 = arith.mulf %slice3A_146, %mul3A_161 : vector<256x128xf32>
      %reduce_sum3A_163 = arith.constant dense<0.000000e+00> : vector<256xf32>
      %reduce_sum3A_164 = vector.multi_reduction <add>, %mul3A_162, %reduce_sum3A_163 [1] : vector<256x128xf32> to vector<256xf32>
      %broadcast_in_dim3A_165 = vector.shape_cast %reduce_sum3A_164 : vector<256xf32> to vector<256x1xf32>
      %broadcast_in_dim3A_166 = vector.shape_cast %reduce_sum3A_155 : vector<256xf32> to vector<1x256xf32>
      %add3A_167 = vector.broadcast %broadcast_in_dim3A_165 : vector<256x1xf32> to vector<256x256xf32>
      %add3A_168 = vector.broadcast %broadcast_in_dim3A_166 : vector<1x256xf32> to vector<256x256xf32>
      %add3A_169 = arith.addf %add3A_167, %add3A_168 : vector<256x256xf32>
      %ge3A_170 = arith.constant 0.000000e+00 : f32
      %ge3A_171 = vector.broadcast %ge3A_170 : f32 to vector<256x256xf32>
      %ge3A_172 = arith.cmpf oge, %add3A_169, %ge3A_171 : vector<256x256xf32>
      %mul3A_173 = arith.constant 2.000000e-01 : f32
      %mul3A_174 = vector.broadcast %mul3A_173 : f32 to vector<256x256xf32>
      %mul3A_175 = arith.mulf %mul3A_174, %add3A_169 : vector<256x256xf32>
      %select_n3A_176 = arith.select %ge3A_172, %add3A_169, %mul3A_175 : vector<256x256xi1>, vector<256x256xf32>
      %jit3A_177 = arith.constant -1.000000e+30 : f32
      %broadcast_in_dim3A_178 = vector.broadcast %jit3A_177 : f32 to vector<256x256xf32>
      %select_n3A_179 = arith.select %gt3A_96, %select_n3A_176, %broadcast_in_dim3A_178 : vector<256x256xi1>, vector<256x256xf32>
      %reduce_max3A_180 = arith.constant dense<0xFF800000> : vector<256xf32>
      %reduce_max3A_181 = vector.multi_reduction <maximumf>, %select_n3A_179, %reduce_max3A_180 [1] : vector<256x256xf32> to vector<256xf32>
      %broadcast_in_dim3A_182 = vector.shape_cast %reduce_max3A_181 : vector<256xf32> to vector<256x1xf32>
      %sub3A_183 = vector.broadcast %broadcast_in_dim3A_182 : vector<256x1xf32> to vector<256x256xf32>
      %sub3A_184 = arith.subf %select_n3A_176, %sub3A_183 : vector<256x256xf32>
      %min3A_185 = arith.constant 0.000000e+00 : f32
      %min3A_186 = vector.broadcast %min3A_185 : f32 to vector<256x256xf32>
      %min3A_187 = arith.minimumf %sub3A_184, %min3A_186 : vector<256x256xf32>
      %exp3A_188 = math.exp %min3A_187 : vector<256x256xf32>
      %mul3A_189 = arith.mulf %add3A_94, %exp3A_188 : vector<256x256xf32>
      %reduce_sum3A_190 = arith.constant dense<0.000000e+00> : vector<256xf32>
      %reduce_sum3A_191 = vector.multi_reduction <add>, %mul3A_189, %reduce_sum3A_190 [1] : vector<256x256xf32> to vector<256xf32>
      %broadcast_in_dim3A_192 = vector.shape_cast %reduce_sum3A_191 : vector<256xf32> to vector<256x1xf32>
      %dot_general3A_193 = arith.constant dense<0.000000e+00> : vector<256x128xf32>
      %dot_general3A_194 = tpu.matmul %mul3A_189, %slice3A_146, %dot_general3A_193 {dimension_numbers = #tpu.dot_dimension_numbers<[1], [0], [0], [1], [0, 0, 1, 1], [], []>, precision = #tpu.contract_precision<fp32>, transpose_lhs_hint = false} : vector<256x256xf32>, vector<256x128xf32>, vector<256x128xf32> -> vector<256x128xf32>
      %div3A_195 = vector.broadcast %broadcast_in_dim3A_192 : vector<256x1xf32> to vector<256x128xf32>
      %div3A_196 = arith.divf %dot_general3A_194, %div3A_195 : vector<256x128xf32>
      %add3A_197 = arith.addf %add3A_145, %div3A_196 : vector<256x128xf32>
      %mul3A_198 = arith.constant 5.000000e-01 : f32
      %mul3A_199 = vector.broadcast %mul3A_198 : f32 to vector<256x128xf32>
      %mul3A_200 = arith.mulf %add3A_197, %mul3A_199 : vector<256x128xf32>
      %get3A_201 = arith.constant 0 : index
      %get3A_202 = arith.constant 0 : index
      %get3A_203 = vector.load %arg12[%get3A_201, %get3A_202] : memref<1x128xf32, #tpu.memory_space<vmem>>, vector<1x128xf32>
      %add3A_204 = vector.broadcast %get3A_203 : vector<1x128xf32> to vector<256x128xf32>
      %add3A_205 = arith.addf %mul3A_200, %add3A_204 : vector<256x128xf32>
      %max3A_206 = arith.constant 0.000000e+00 : f32
      %max3A_207 = vector.broadcast %max3A_206 : f32 to vector<256x128xf32>
      %max3A_208 = arith.maximumf %add3A_205, %max3A_207 : vector<256x128xf32>
      %swap3A_209 = arith.constant 0 : index
      %swap3A_210 = arith.constant 0 : index
      %swap3A_211 = vector.load %arg18[%swap3A_209, %swap3A_210] : memref<256x128xf32, #tpu.memory_space<vmem>>, vector<256x128xf32>
      tpu.vector_store %arg18[%swap3A_209, %swap3A_210], %max3A_208 {strides = array<i32>} : memref<256x128xf32, #tpu.memory_space<vmem>>, vector<256x128xf32>,
      %get3A_212 = arith.constant 0 : index
      %get3A_213 = arith.constant 0 : index
      %get3A_214 = vector.load %arg16[%get3A_212, %get3A_213] : memref<1x1536xf32, #tpu.memory_space<vmem>>, vector<1x1536xf32>
      %swap3A_215 = arith.constant 0 : index
      %swap3A_216 = arith.constant 0 : index
      %swap3A_217 = vector.load %arg17[%swap3A_215, %swap3A_216] : memref<1x1536xf32, #tpu.memory_space<vmem>>, vector<1x1536xf32>
      tpu.vector_store %arg17[%swap3A_215, %swap3A_216], %get3A_214 {strides = array<i32>} : memref<1x1536xf32, #tpu.memory_space<vmem>>, vector<1x1536xf32>,
    } else {
    }
    %mul3A = arith.constant 16 : i32
    %mul3A_2 = arith.muli %arg0, %mul3A : i32
    %get3A = arith.index_cast %mul3A_2 : i32 to index
    %get3A_3 = arith.constant 0 : index
    %get3A_4 = vector.load %arg18[%get3A, %get3A_3] : memref<256x128xf32, #tpu.memory_space<vmem>>, vector<16x128xf32>
    %reshape3A = vector.shape_cast %get3A_4 : vector<16x128xf32> to vector<1x2048xf32>
    %get3A_5 = arith.constant 0 : index
    %get3A_6 = arith.constant 0 : index
    %get3A_7 = vector.load %arg17[%get3A_5, %get3A_6] : memref<1x1536xf32, #tpu.memory_space<vmem>>, vector<1x1536xf32>
    %get3A_8 = arith.constant 0 : index
    %get3A_9 = arith.constant 0 : index
    %get3A_10 = vector.load %arg15[%get3A_8, %get3A_9] : memref<2048x1536xf32, #tpu.memory_space<vmem>>, vector<2048x1536xf32>
    %dot_general3A = arith.constant dense<0.000000e+00> : vector<1x1536xf32>
    %dot_general3A_11 = tpu.matmul %reshape3A, %get3A_10, %dot_general3A {dimension_numbers = #tpu.dot_dimension_numbers<[1], [0], [0], [1], [0, 0, 1, 1], [], []>, transpose_lhs_hint = false} : vector<1x2048xf32>, vector<2048x1536xf32>, vector<1x1536xf32> -> vector<1x1536xf32>
    %add3A = arith.addf %get3A_7, %dot_general3A_11 : vector<1x1536xf32>
    %swap3A = arith.constant 0 : index
    %swap3A_12 = arith.constant 0 : index
    %swap3A_13 = vector.load %arg17[%swap3A, %swap3A_12] : memref<1x1536xf32, #tpu.memory_space<vmem>>, vector<1x1536xf32>
    tpu.vector_store %arg17[%swap3A, %swap3A_12], %add3A {strides = array<i32>} : memref<1x1536xf32, #tpu.memory_space<vmem>>, vector<1x1536xf32>,
    return
  }
  func.func @transform_0(%arg0: i32) -> (i32, i32) {
    %c0_i32 = arith.constant 0 : i32
    %c0_i32_0 = arith.constant 0 : i32
    %c0_i32_1 = arith.constant 0 : i32
    return %c0_i32, %c0_i32_0 : i32, i32
  }
  func.func @transform_1(%arg0: i32) -> (i32, i32) {
    %c0_i32 = arith.constant 0 : i32
    %c0_i32_0 = arith.constant 0 : i32
    %c0_i32_1 = arith.constant 0 : i32
    return %c0_i32, %c0_i32_0 : i32, i32
  }
  func.func @transform_2(%arg0: i32) -> (i32, i32) {
    %c0_i32 = arith.constant 0 : i32
    %c0_i32_0 = arith.constant 0 : i32
    %c0_i32_1 = arith.constant 0 : i32
    return %c0_i32, %c0_i32_0 : i32, i32
  }
  func.func @transform_3(%arg0: i32) -> (i32, i32) {
    %c0_i32 = arith.constant 0 : i32
    %c0_i32_0 = arith.constant 0 : i32
    %c0_i32_1 = arith.constant 0 : i32
    return %c0_i32, %c0_i32_0 : i32, i32
  }
  func.func @transform_4(%arg0: i32) -> (i32, i32) {
    %c0_i32 = arith.constant 0 : i32
    %c0_i32_0 = arith.constant 0 : i32
    %c0_i32_1 = arith.constant 0 : i32
    return %c0_i32, %c0_i32_0 : i32, i32
  }
  func.func @transform_5(%arg0: i32) -> (i32, i32) {
    %c0_i32 = arith.constant 0 : i32
    %c0_i32_0 = arith.constant 0 : i32
    %c0_i32_1 = arith.constant 0 : i32
    return %c0_i32, %c0_i32_0 : i32, i32
  }
  func.func @transform_6(%arg0: i32) -> (i32, i32) {
    %c0_i32 = arith.constant 0 : i32
    %c0_i32_0 = arith.constant 0 : i32
    %c0_i32_1 = arith.constant 0 : i32
    return %c0_i32, %c0_i32_0 : i32, i32
  }
  func.func @transform_7(%arg0: i32) -> (i32, i32) {
    %c0_i32 = arith.constant 0 : i32
    %c0_i32_0 = arith.constant 0 : i32
    %c0_i32_1 = arith.constant 0 : i32
    return %c0_i32, %c0_i32_0 : i32, i32
  }
  func.func @transform_8(%arg0: i32) -> (i32, i32) {
    %c0_i32 = arith.constant 0 : i32
    %c0_i32_0 = arith.constant 0 : i32
    %c0_i32_1 = arith.constant 0 : i32
    return %c0_i32, %c0_i32_0 : i32, i32
  }
  func.func @transform_9(%arg0: i32) -> (i32, i32) {
    %c0_i32 = arith.constant 0 : i32
    %c0_i32_0 = arith.constant 0 : i32
    %c0_i32_1 = arith.constant 0 : i32
    return %c0_i32, %c0_i32_0 : i32, i32
  }
  func.func @transform_10(%arg0: i32) -> (i32, i32) {
    %c0_i32 = arith.constant 0 : i32
    %c0_i32_0 = arith.constant 0 : i32
    %c0_i32_1 = arith.constant 0 : i32
    return %c0_i32, %c0_i32_0 : i32, i32
  }
  func.func @transform_11(%arg0: i32) -> (i32, i32) {
    %c0_i32 = arith.constant 0 : i32
    %c0_i32_0 = arith.constant 0 : i32
    %c0_i32_1 = arith.constant 0 : i32
    return %c0_i32, %c0_i32_0 : i32, i32
  }
  func.func @transform_12(%arg0: i32) -> (i32, i32) {
    %c0_i32 = arith.constant 0 : i32
    %c0_i32_0 = arith.constant 0 : i32
    %c0_i32_1 = arith.constant 0 : i32
    return %c0_i32, %c0_i32_0 : i32, i32
  }
  func.func @transform_13(%arg0: i32) -> (i32, i32) {
    %c0_i32 = arith.constant 0 : i32
    %c0_i32_0 = arith.constant 0 : i32
    %c0_i32_1 = arith.constant 0 : i32
    return %c0_i32, %c0_i32_0 : i32, i32
  }
  func.func @transform_14(%arg0: i32) -> (i32, i32) {
    %c0_i32 = arith.constant 0 : i32
    %c0_i32_0 = arith.constant 0 : i32
    return %arg0, %c0_i32 : i32, i32
  }
  func.func @transform_15(%arg0: i32) -> (i32, i32) {
    %c0_i32 = arith.constant 0 : i32
    %c0_i32_0 = arith.constant 0 : i32
    %c0_i32_1 = arith.constant 0 : i32
    return %c0_i32, %c0_i32_0 : i32, i32
  }
  func.func @transform_16(%arg0: i32) -> (i32, i32) {
    %c0_i32 = arith.constant 0 : i32
    %c0_i32_0 = arith.constant 0 : i32
    %c0_i32_1 = arith.constant 0 : i32
    return %c0_i32, %c0_i32_0 : i32, i32
  }
}

</mosaic_0001>

<sc_bundles>
// kernel: kernel.4.cloned.1.call-start
scs
__scs_entry_jumppad:
0x0: {  	(pc) =	sbr.rel $0x88, $3  }
0x1: {  	(tag) =	ssettag $0x0;
	lr =	simm.s32 $0x1  }
0x2: {  	[smem:$0x3F91] =	sst lr;
	_ =	strace $0xD0000000  }
0x3: {  	_ = 	snop  }
0x4: {  	_ = 	snop  }
0x5: {  	_ = 	snop  }
0x6: {  	_ = 	snop  }
0x7: {  	_ = 	snop  }
__scs_overlays_trampoline_lowered:
0x8: {  	[smem:$0x3FA0] =	sst s0  }
0x9: {  	[smem:$0x3FA1] =	sst s1  }
0xa: {  	[smem:$0x3FA2] =	sst s2  }
0xb: {  	[smem:$0x3FA3] =	sst s3  }
0xc: {  	[smem:$0x3FA4] =	sst s4  }
0xd: {  	[smem:$0x3FA5] =	sst s5  }
0xe: {  	[smem:$0x3FA6] =	sst s6  }
0xf: {  	[smem:$0x3FA7] =	sst s7  }
0x10: {  	[smem:$0x3FA8] =	sst s8  }
0x11: {  	[smem:$0x3FA9] =	sst s9;
	s0 =	simm.s32 @!p0 $0x0  }
0x12: {  	s1 =	sld [smem:$0x3F8F];
	s0 =	simm.s32 @p0 $0x1  }
0x13: {  	[smem:$0x3FAA] =	sst s0;
	s0 =	simm.s32 @!p1 $0x0  }
0x14: {  	s2 =	sld [smem:$0x3F8E];
	s0 =	simm.s32 @p1 $0x1  }
0x15: {  	[smem:$0x3FAB] =	sst s0;
	s0 =	simm.s32 @!p2 $0x0  }
0x16: {  	s3 =	sld [smem:$0x3FDB];
	s0 =	simm.s32 @p2 $0x1  }
0x17: {  	s4 =	simm.s32 $0x1BF5;
	[smem:$0x3FAD] =	sst s0  }
0x18: {  	s0 =	sld [smem:$0x3F90];
	_ =	swait.ge [sflag:s4], $0x0  }
0x19: {  	s7 =	sld [smem:$0x3F91]  }
0x1a: {  	s8 =	sadd.s32 $0xFFFFE003, lr  }
0x1b: {  	s9 =	sadd.s32 $0xFFFFFEF7, lr;
	s5 =	simm.s32 $0xFFFFFFFF;
	p2 =	slt.u32 s8, $0xFFFFF086  }
0x1c: {  	p1 =	slt.u32 s9, $0xF7A;
	s5 =	simm.s32 @!p2 $0x0  }
0x1d: {  	s5 =	simm.s32 @p1 $0x1;
	p0 =	seq.s32 s7, s2  }
0x1e: {  	s7 =	smul.u32 @!p0 $0xF7A, s2;
	p2 =	seq.s32 @!p0 s5, $0x0  }
0x1f: {  	s9 =	smul.u32 $0xF7A, s1;
	s8 =	simm.s32 @!p0 $0x1BF5;
	p2 =	por !p2, p0  }
0x20: {  	[sflag:s8] =	ssyncset.s32 @!p0 $0xFFFFF086;
	s6 =	sadd.s32 @!p0 s3, s7;
	s7 =	simm.s32 @!p0 $0x108  }
0x21: {  	s3 =	sadd.s32 s3, s9;
	s6 =	sadd.s32 @!p0 $0x88, s6;
	s7 =	simm.s32 @p2 $0x1082  }
0x22: {  	[simem:s7], [sflag:s8] =	dma.local @!p0 [hbm:s6], $0xF7A  }
0x23: {  	s9 =	sor.u32 $0xD0000000, s2;
	s6 =	simm.s32 $0x108;
	_ =	swait.ge @!p0 [sflag:s8], $0x0  }
0x24: {  	s3 =	sadd.s32 $0x88, s3;
	s6 =	simm.s32 @!p1 $0x1082;
	[sflag:s4] =	ssyncset.s32 $0xFFFFF086  }
0x25: {  	[simem:s6], [sflag:s4] =	dma.local [hbm:s3], $0xF7A  }
0x26: {  	[smem:$0x3F91] =	sst s1;
	(tag) =	ssettag s2;
	_ =	strace s9  }
0x27: {  	s1 =	sld [smem:$0x3FA1]  }
0x28: {  	s2 =	sld [smem:$0x3FA2]  }
0x29: {  	s4 =	sld [smem:$0x3FA4]  }
0x2a: {  	p0 =	seq.s32 s5, $0x0;
	s5 =	sld [smem:$0x3FA5]  }
0x2b: {  	s6 =	sld [smem:$0x3FA6]  }
0x2c: {  	s7 =	sld [smem:$0x3FA7]  }
0x2d: {  	s3 =	simm.s32 $0x108;
	s8 =	sld [smem:$0x3FA8]  }
0x2e: {  	s3 =	simm.s32 @!p0 $0x1082;
	s9 =	sld [smem:$0x3FA9]  }
0x2f: {  	lr =	sadd.s32 s0, s3;
	s0 =	sld [smem:$0x3FA0]  }
0x30: {  	s3 =	sld [smem:$0x3FA3]  }
0x31: {  	[smem:$0x3FAC] =	sst s10  }
0x32: {  	s10 =	sld [smem:$0x3FAA];
	_ =	sdelay $0x3  }
0x33: {  	p0 =	seq.s32 s10, $0x1;
	s10 =	sld [smem:$0x3FAC];
	_ =	sdelay $0x3  }
0x34: {  	[smem:$0x3FAC] =	sst s10  }
0x35: {  	s10 =	sld [smem:$0x3FAB];
	_ =	sdelay $0x3  }
0x36: {  	p1 =	seq.s32 s10, $0x1;
	s10 =	sld [smem:$0x3FAC];
	_ =	sdelay $0x3  }
0x37: {  	[smem:$0x3FAC] =	sst s10  }
0x38: {  	s10 =	sld [smem:$0x3FAD]  }
0x39: {  	_ = 	snop;
	(pc) =	sbr.ind lr, $3  }
0x3a: {  	_ = 	snop  }
0x3b: {  	_ = 	snop  }
0x3c: {  	p2 =	seq.s32 s10, $0x1;
	s10 =	sld [smem:$0x3FAC]  }
0x3d: {  	_ =	shalt  }
0x3e: {  	_ =	shalt  }
0x3f: {  	_ =	shalt  }
0x40: {  	_ =	shalt  }
0x41: {  	_ =	shalt  }
0x42: {  	_ =	shalt  }
0x43: {  	_ =	shalt  }
0x44: {  	_ =	shalt  }
0x45: {  	_ =	shalt  }
0x46: {  	_ =	shalt  }
0x47: {  	_ =	shalt  }
0x48: {  	_ =	shalt  }
0x49: {  	_ =	shalt  }
0x4a: {  	_ =	shalt  }
0x4b: {  	_ =	shalt  }
0x4c: {  	_ =	shalt  }
0x4d: {  	_ =	shalt  }
0x4e: {  	_ =	shalt  }
0x4f: {  	_ =	shalt  }
0x50: {  	_ =	shalt  }
0x51: {  	_ =	shalt  }
0x52: {  	_ =	shalt  }
0x53: {  	_ =	shalt  }
0x54: {  	_ =	shalt  }
0x55: {  	_ =	shalt  }
0x56: {  	_ =	shalt  }
0x57: {  	_ =	shalt  }
0x58: {  	_ =	shalt  }
0x59: {  	_ =	shalt  }
0x5a: {  	_ =	shalt  }
0x5b: {  	_ =	shalt  }
0x5c: {  	_ =	shalt  }
0x5d: {  	_ =	shalt  }
0x5e: {  	_ =	shalt  }
0x5f: {  	_ =	shalt  }
0x60: {  	_ =	shalt  }
0x61: {  	_ =	shalt  }
0x62: {  	_ =	shalt  }
0x63: {  	_ =	shalt  }
0x64: {  	_ =	shalt  }
0x65: {  	_ =	shalt  }
0x66: {  	_ =	shalt  }
0x67: {  	_ =	shalt  }
0x68: {  	_ =	shalt  }
0x69: {  	_ =	shalt  }
0x6a: {  	_ =	shalt  }
0x6b: {  	_ =	shalt  }
0x6c: {  	_ =	shalt  }
0x6d: {  	_ =	shalt  }
0x6e: {  	_ =	shalt  }
0x6f: {  	_ =	shalt  }
0x70: {  	_ =	shalt  }
0x71: {  	_ =	shalt  }
0x72: {  	_ =	shalt  }
0x73: {  	_ =	shalt  }
0x74: {  	_ =	shalt  }
0x75: {  	_ =	shalt  }
0x76: {  	_ =	shalt  }
0x77: {  	_ =	shalt  }
0x78: {  	_ =	shalt  }
0x79: {  	_ =	shalt  }
0x7a: {  	_ =	shalt  }
0x7b: {  	_ =	shalt  }
0x7c: {  	_ =	shalt  }
0x7d: {  	_ =	shalt  }
0x7e: {  	_ =	shalt  }
0x7f: {  	_ =	shalt  }
0x80: {  	_ =	shalt  }
0x81: {  	_ =	shalt  }
0x82: {  	_ =	shalt  }
0x83: {  	_ =	shalt  }
0x84: {  	_ =	shalt  }
0x85: {  	_ =	shalt  }
0x86: {  	_ =	shalt  }
0x87: {  	_ =	shalt  }
.Lfunc_end0:
.L_simem_size_0:
called_computation_lowered:
.L_overlay_start_0:
0x88: {  	s2 =	sld [smem:$0x3FD9]  }
0x89: {  	s3 =	sld [smem:$0x3FFE];
	_ =	sdelay $0x1  }
0x8a: {  	s1 =	srdreg.scid  }
0x8b: {  	s0 =	sand.u32 $0x1, s1  }
0x8c: {  	s16 =	sshll.u32 s0, $0xA;
	s2 =	sadd.s32 s3, s2  }
0x8d: {  	s2 =	sadd.s32 s2, s16  }
0x8e: {  	[smem:$0x3FB8] =	sst s2  }
0x8f: {  	_ = 	snop  }
0x90: {  	(tm) =	ssettm $0x1  }
0x91: {  	s17 =	sld [smem:$0x3FFB];
	_ =	sdelay $0x3  }
0x92: {  	_ =	strace s17  }
0x93: {  	s2 =	sld [smem:$0x3FFC];
	_ =	sdelay $0x3  }
0x94: {  	_ =	strace s2  }
0x95: {  	s2 =	sld [smem:$0x3FFD];
	_ =	sdelay $0x3  }
0x96: {  	_ =	strace s2  }
0x97: {  	_ =	strace $0x8FFFFFFF  }
0x98: {  	s18 =	sld [smem:$0x3FDB];
	_ =	sdelay $0x1  }
0x99: {  	s19 =	simm.s32 $_scs_section_size  }
0x9a: {  	s4 =	simm.s32 $_size__tile_overlayer_lowered;
	s5 =	simm.s32 $_tile_overlayer_lowered  }
0x9b: {  	s22 =	simm.s32 $0x1BFF;
	s21 =	sshll.u32 s5, $0x1;
	s2 =	sadd.s32 s19, s18  }
0x9c: {  	s6 =	simm.s32 $0x0;
	s20 =	sshll.u32 s4, $0x1;
	s4 =	sadd.s32 s21, s2  }
0x9d: {  	[timem:s6], [sflag:s22] =	dma.local [hbm:s4], s20  }
0x9e: {  	_ =	swait.ge [sflag:s22], s20  }
0x9f: {  	s3 =	ssub.s32 $0x0, s20;
	[sflag:s22] =	ssyncset.done $0x0  }
0xa0: {  	[sflag:s22] =	ssyncadd.s32 s3;
	_ =	sdelay $0x1  }
0xa1: {  	s23 =	simm.s32 $0x1B8B  }
0xa2: {  	_ =	swait.ge [sflag:s23], $0x1  }
0xa3: {  	[sflag:s23] =	ssyncset.done $0x0  }
0xa4: {  	s25 =	simm.s32 $0x1B8E;
	s24 =	sld [smem:$0x3FFE];
	[sflag:s23] =	ssyncadd.s32 $0xFFFFFFFF  }
0xa5: {  	s26 =	simm.s32 $execute0_lowered;
	[smem:$0x3FD2] =	sst s25  }
0xa6: {  	s4 =	sshll.u32 s26, $0x1;
	_ =	strace $0x80000046;
	[dreg:$0x1] =	wrdreg $0xFFFFFFFF  }
0xa7: {  	s28 =	simm.s32 $_size_execute0_lowered;
	s2 =	sadd.s32 s2, s4;
	[dreg:$0x0] =	wrdreg $0x0  }
0xa8: {  	s4 =	sshll.u32 s28, $0x1;
	[dreg:$0x2] =	wrdreg s2  }
0xa9: {  	[dreg:$0x3] =	wrdreg s4  }
0xaa: {  	[dreg:$0x4] =	wrdreg $0xC0  }
0xab: {  	_ =	task [dreg:s6], $0x5FFFF  }
0xac: {  	[dreg:$0x1] =	wrdreg $0xFFFFFFFF  }
0xad: {  	[dreg:$0x0] =	wrdreg $0x60  }
0xae: {  	[dreg:$0x2] =	wrdreg s24  }
0xaf: {  	[dreg:$0x3] =	wrdreg $0x18800  }
0xb0: {  	[dreg:$0x4] =	wrdreg $0x9  }
0xb1: {  	_ =	task.clear_ibuf [dreg:s6], $0x5FFFF;
	_ =	strace $0x90000046  }
0xb2: {  	s29 =	simm.s32 $0x9;
	_ =	strace $0x80000048  }
0xb3: {  	_ =	swait.ge [sflag:s29], $0x1  }
0xb4: {  	[sflag:s29] =	ssyncadd.s32 $0xFFFFFFFF  }
0xb5: {  	_ =	strace $0x90000048  }
0xb6: {  	_ =	sfence  }
0xb7: {  	s30 =	sld [smem:$0x0];
	_ =	sdelay $0x2  }
0xb8: {  	s31 =	sshll.u32 s1, $0xD;
	s1 =	sshrl.u32 s1, $0x2  }
0xb9: {  	s3 =	sand.u32 $0x4000, s31;
	s1 =	sadd.s32 s1, s30  }
0xba: {  	s0 =	sor.u32 s3, s0;
	s1 =	sshll.u32 s1, $0x11  }
0xbb: {  	s0 =	sor.u32 s1, s0  }
0xbc: {  	s0 =	sadd.s32 $0x8F2B, s0  }
0xbd: {  	[sflag:s0] =	ssyncadd.remote.s32 $0x1  }
0xbe: {  	_ =	sfence.sel $0xFFFF  }
0xbf: {  	[dreg:$0x0] =	wrdreg $0xFFFFFFFF;
	(pc) =	sbr.abs _section_cstart, $3  }
0xc0: {  	[dreg:$0x1] =	wrdreg $0xFFFFFFFF  }
0xc1: {  	_ =	task.clear_ibuf [dreg:s6], $0x2FFFF;
	_ =	strace $0x9FFFFFFF  }
0xc2: {  	(tm) =	ssettm $0x7FFFFFFF  }
0xc3: {  	_ =	shalt  }
tec
execute0_lowered:
.L_overlay_start_1:
0x0: {  	(tag) =	ssettag $0x1  }
0x1: {  	s0 =	srdreg.scid;
	s4 =	rddreg [dreg:$0x0]  }
0x2: {  	s2 =	rddreg [dreg:$0x1];
	s1 =	stileid.u32;
	s3 =	simm.s32 $0x0  }
0x3: {  	s11 =	simm.s32 $0x80;
	s12 =	simm.s32 $0x1000;
	s13 =	simm.s32 $0x1800  }
0x4: {  	s14 =	simm.s32 $0x1080;
	s15 =	simm.s32 $0x1100;
	s16 =	simm.s32 $0x1180  }
0x5: {  	s17 =	simm.s32 $0x1200;
	s18 =	simm.s32 $0x1280;
	s19 =	simm.s32 $0x1300  }
0x6: {  	s20 =	simm.s32 $0x1380;
	s21 =	simm.s32 $0x1400;
	s28 =	simm.s32 $0x1700  }
0x7: {  	s29 =	simm.s32 $0x1780;
	s30 =	simm.s32 $0x1;
	s31 =	simm.s32 $0x20  }
0x8: {  	s0 =	sand.u32 $0x1, s0;
	[smem:$0x7FF] =	sst s3;
	s7 =	sshll.u32 s1, $0x9  }
0x9: {  	s24 =	sshll.u32 s1, $0xA;
	s25 =	sshll.u32 s1, $0xC;
	s5 =	sshll.u32 s0, $0x4  }
0xa: {  	s26 =	sshll.u32 s1, $0x6;
	_ =	strace $0x80000047;
	s6 =	sor.u32 s1, s5  }
0xb: {  	s0 =	ssub.s32 $0x2, s0;
	s7 =	sadd.s32 s7, s4;
	s6 =	smul.u32 $0x7F8, s6  }
0xc: {  	s10 =	sadd.s32 s25, s2;
	s9 =	sor.u32 $0x1C02, s26;
	s25 =	simm.s32 $0x1600  }
0xd: {  	s26 =	simm.s32 $0x1680;
	s8 =	sshrl.u32 s0, $0x1;
	s6 =	sshrl.u32 s6, $0x3  }
0xe: {  	s10 =	sshrl.u32 s10, $0x3;
	s0 =	ssub.s32 s0, s8;
	s6 =	sadd.s32 s6, s4  }
0xf: {  	s8 =	simm.s32 $0x800;
	s4 =	sadd.s32 s5, s4;
	s22 =	sadd.s32 $0x1E00, s6  }
0x10: {  	s23 =	sadd.s32 $0x3DE0, s6;
	s6 =	sadd.s32 s24, s4;
	s4 =	sadd.s32 $0x5E00, s7  }
0x11: {  	s7 =	simm.s32 $0x2;
	s24 =	simm.s32 $0x1580;
	[dreg:$0x3] =	wrdreg s22  }
0x12: {  	[dreg:$0x4] =	wrdreg s23;
	s5 =	sadd.s32 $0x7E00, s6;
	s6 =	smax.u32 s0, $0x1  }
0x13: {  	vm0 =	vmmov $0xff;
	s22 =	simm.s32 $0x1480;
	s23 =	simm.s32 $0x1500;
	s0 =	simm.s32 $0x10  }
.LBB2_1:
0x14: {  	s1 =	rddreg [dreg:$0x3]  }
0x15: {  	[tilespmem:s3], [sflag:$0x2] =	stream.linear.gather [hbm4b:s1+s3], $0x7F8, $0x38;
	[tilespmem:$0x2880] =	vst v63  }
0x16: {  	_ =	swait.ge [sflag:s7], $0x7F8  }
0x17: {  	[sflag:s7] =	ssyncset.done $0x0  }
0x18: {  	s1 =	rddreg [dreg:$0x4];
	[sflag:s7] =	ssyncadd.s32 $0xFFFFF808  }
0x19: {  	[tilespmem:s8], [sflag:$0x2] =	stream.linear.gather [hbm4b:s1+s3], $0x7F8, $0x38;
	[tilespmem:$0x2880] =	vst v63  }
0x1a: {  	_ =	swait.ge [sflag:s7], $0x7F8  }
0x1b: {  	[sflag:s7] =	ssyncset.done $0x0  }
0x1c: {  	[sflag:s7] =	ssyncadd.s32 $0xFFFFF808  }
0x1d: {  	[spmem:s10], [sflag:s9] =	dma.local [hbm:s4], $0x200  }
0x1e: {  	_ =	swait.ge [sflag:s7], $0x200  }
0x1f: {  	[sflag:s7] =	ssyncset.done $0x0  }
0x20: {  	[sflag:s7] =	ssyncadd.s32 $0xFFFFFE00  }
0x21: {  	v61 =	vld [tilespmem:$0x1F0];
	_ =	sdelay $0x4  }
0x22: {  	[tilespmem:$0x1FB00] =	vst v61;
	v61 =	vld [tilespmem:$0xA00];
	_ =	sdelay $0x4  }
0x23: {  	[tilespmem:$0x1FB10] =	vst v61;
	v61 =	vld [tilespmem:$0x200];
	_ =	sdelay $0x4  }
0x24: {  	[tilespmem:$0x1FB20] =	vst v61;
	v61 =	vld [tilespmem:$0xA10];
	_ =	sdelay $0x4  }
0x25: {  	[tilespmem:$0x1FB30] =	vst v61;
	v61 =	vld [tilespmem:$0x210];
	_ =	sdelay $0x2  }
0x26: {  	v0 =	vld [tilespmem:$0x800]  }
0x27: {  	v2 =	vld [tilespmem:$0x0]  }
0x28: {  	[tilespmem:$0x1FB40] =	vst v61;
	v61 =	vld [tilespmem:$0xA20]  }
0x29: {  	v1 =	vld [tilespmem:$0x810]  }
0x2a: {  	v4 =	vld [tilespmem:$0x10]  }
0x2b: {  	v3 =	vld [tilespmem:$0x820]  }
0x2c: {  	v6 =	vld [tilespmem:$0x20]  }
0x2d: {  	[tilespmem:$0x1FB50] =	vst v61;
	v61 =	vld [tilespmem:$0x220]  }
0x2e: {  	v5 =	vld [tilespmem:$0x830]  }
0x2f: {  	v8 =	vld [tilespmem:$0x30]  }
0x30: {  	v7 =	vld [tilespmem:$0x840]  }
0x31: {  	v10 =	vld [tilespmem:$0x40]  }
0x32: {  	[tilespmem:$0x1FB60] =	vst v61;
	v61 =	vld [tilespmem:$0xA30]  }
0x33: {  	v9 =	vld [tilespmem:$0x850]  }
0x34: {  	v12 =	vld [tilespmem:$0x50]  }
0x35: {  	v11 =	vld [tilespmem:$0x860]  }
0x36: {  	v14 =	vld [tilespmem:$0x60]  }
0x37: {  	[tilespmem:$0x1FB70] =	vst v61;
	v61 =	vld [tilespmem:$0x230]  }
0x38: {  	v13 =	vld [tilespmem:$0x870]  }
0x39: {  	v16 =	vld [tilespmem:$0x70]  }
0x3a: {  	v15 =	vld [tilespmem:$0x880]  }
0x3b: {  	v18 =	vld [tilespmem:$0x80]  }
0x3c: {  	[tilespmem:$0x1FB80] =	vst v61;
	v61 =	vld [tilespmem:$0xA40]  }
0x3d: {  	v17 =	vld [tilespmem:$0x890]  }
0x3e: {  	v20 =	vld [tilespmem:$0x90]  }
0x3f: {  	v19 =	vld [tilespmem:$0x8A0]  }
0x40: {  	v22 =	vld [tilespmem:$0xA0]  }
0x41: {  	[tilespmem:$0x1FB90] =	vst v61;
	v61 =	vld [tilespmem:$0x240]  }
0x42: {  	v21 =	vld [tilespmem:$0x8B0]  }
0x43: {  	v24 =	vld [tilespmem:$0xB0]  }
0x44: {  	v23 =	vld [tilespmem:$0x8C0]  }
0x45: {  	v26 =	vld [tilespmem:$0xC0]  }
0x46: {  	[tilespmem:$0x1FBA0] =	vst v61;
	v61 =	vld [tilespmem:$0xA50]  }
0x47: {  	v25 =	vld [tilespmem:$0x8D0]  }
0x48: {  	v28 =	vld [tilespmem:$0xD0]  }
0x49: {  	v27 =	vld [tilespmem:$0x8E0]  }
0x4a: {  	v30 =	vld [tilespmem:$0xE0]  }
0x4b: {  	[tilespmem:$0x1FBB0] =	vst v61;
	v61 =	vld [tilespmem:$0x250]  }
0x4c: {  	v29 =	vld [tilespmem:$0x8F0]  }
0x4d: {  	v50 =	vld [tilespmem:$0xF0]  }
0x4e: {  	v31 =	vld [tilespmem:$0x900]  }
0x4f: {  	v51 =	vld [tilespmem:$0x100]  }
0x50: {  	[tilespmem:$0x1FBC0] =	vst v61;
	v61 =	vld [tilespmem:$0xA60]  }
0x51: {  	v32 =	vld [tilespmem:$0x910]  }
0x52: {  	v56 =	vld [tilespmem:$0x110]  }
0x53: {  	v33 =	vld [tilespmem:$0x920]  }
0x54: {  	v57 =	vld [tilespmem:$0x120]  }
0x55: {  	[tilespmem:$0x1FBD0] =	vst v61;
	v61 =	vld [tilespmem:$0x260]  }
0x56: {  	v34 =	vld [tilespmem:$0x930]  }
0x57: {  	v62 =	vld [tilespmem:$0x130]  }
0x58: {  	v35 =	vld [tilespmem:$0x940]  }
0x59: {  	v63 =	vld [tilespmem:$0x140]  }
0x5a: {  	[tilespmem:$0x1FBE0] =	vst v61;
	v61 =	vld [tilespmem:$0xA70]  }
0x5b: {  	v36 =	vld [tilespmem:$0x950]  }
0x5c: {  	v38 =	vld [tilespmem:$0x150]  }
0x5d: {  	v37 =	vld [tilespmem:$0x960]  }
0x5e: {  	v39 =	vld [tilespmem:$0x160]  }
0x5f: {  	[tilespmem:$0x1FBF0] =	vst v61;
	v61 =	vld [tilespmem:$0x270]  }
0x60: {  	v40 =	vld [tilespmem:$0x970]  }
0x61: {  	v42 =	vld [tilespmem:$0x170]  }
0x62: {  	v41 =	vld [tilespmem:$0x980]  }
0x63: {  	v43 =	vld [tilespmem:$0x180]  }
0x64: {  	[tilespmem:$0x1FC00] =	vst v61;
	v61 =	vld [tilespmem:$0xA80]  }
0x65: {  	v44 =	vld [tilespmem:$0x990]  }
0x66: {  	v45 =	vld [tilespmem:$0x190]  }
0x67: {  	v46 =	vld [tilespmem:$0x9A0]  }
0x68: {  	v47 =	vld [tilespmem:$0x1A0]  }
0x69: {  	[tilespmem:$0x1FC10] =	vst v61;
	v61 =	vld [tilespmem:$0x280]  }
0x6a: {  	v48 =	vld [tilespmem:$0x9B0]  }
0x6b: {  	v52 =	vld [tilespmem:$0x1B0]  }
0x6c: {  	v49 =	vld [tilespmem:$0x9C0]  }
0x6d: {  	v53 =	vld [tilespmem:$0x1C0]  }
0x6e: {  	[tilespmem:$0x1FC20] =	vst v61;
	v61 =	vld [tilespmem:$0xA90]  }
0x6f: {  	v54 =	vld [tilespmem:$0x9D0]  }
0x70: {  	v58 =	vld [tilespmem:$0x1D0]  }
0x71: {  	v55 =	vld [tilespmem:$0x9E0]  }
0x72: {  	v59 =	vld [tilespmem:$0x1E0]  }
0x73: {  	v60 =	vld [tilespmem:$0x9F0];
	[tilespmem:$0x1FC30] =	vst v61  }
0x74: {  	v61 =	vld [tilespmem:$0x290];
	_ =	sdelay $0x4  }
0x75: {  	[tilespmem:$0x1FC40] =	vst v61;
	v61 =	vld [tilespmem:$0xAA0];
	_ =	sdelay $0x4  }
0x76: {  	[tilespmem:$0x1FC50] =	vst v61;
	v61 =	vld [tilespmem:$0x2A0];
	_ =	sdelay $0x4  }
0x77: {  	[tilespmem:$0x1FC60] =	vst v61;
	v61 =	vld [tilespmem:$0xAB0];
	_ =	sdelay $0x4  }
0x78: {  	[tilespmem:$0x1FC70] =	vst v61;
	v61 =	vld [tilespmem:$0x2B0];
	_ =	sdelay $0x4  }
0x79: {  	[tilespmem:$0x1FC80] =	vst v61;
	v61 =	vld [tilespmem:$0xAC0];
	_ =	sdelay $0x3  }
0x7a: {  	v0 =	vshll.u32 v0, $0x8  }
0x7b: {  	v1 =	vshll.u32 v1, $0x8;
	v0 =	vadd.s32 v2, v0;
	[tilespmem:$0x1FC90] =	vst v61;
	v61 =	vld [tilespmem:$0x2C0]  }
0x7c: {  	[tilespmem:$0x1000] =	vst v0;
	v0 =	vadd.s32 v4, v1;
	v4 =	vld [tilespmem:$0xC10];
	_ =	sdelay $0x1  }
0x7d: {  	v2 =	vld [tilespmem:$0x400]  }
0x7e: {  	[tilespmem:$0x1010] =	vst v0;
	v0 =	vld [tilespmem:$0xD00]  }
0x7f: {  	v1 =	vshll.u32 v3, $0x8;
	[tilespmem:$0x1FCA0] =	vst v61;
	v61 =	vld [tilespmem:$0xAD0]  }
0x80: {  	v5 =	vshll.u32 v5, $0x8;
	[tilespmem:$0x1FF20] =	vst v4;
	v4 =	vadd.s32 v6, v1;
	v6 =	vld [tilespmem:$0x410]  }
0x81: {  	[tilespmem:$0x1020] =	vst v4;
	v4 =	vadd.s32 v8, v5;
	v5 =	vshll.u32 v7, $0x8;
	v8 =	vshll.u32 v9, $0x8;
	v9 =	vld [tilespmem:$0x420]  }
0x82: {  	[tilespmem:$0x1030] =	vst v4;
	v7 =	vadd.s32 v10, v5;
	v4 =	vld [tilespmem:$0xC30]  }
0x83: {  	[tilespmem:$0x1040] =	vst v7;
	v7 =	vld [tilespmem:$0x430]  }
0x84: {  	v10 =	vadd.s32 v12, v8;
	[tilespmem:$0x1FCB0] =	vst v61;
	v61 =	vld [tilespmem:$0x2D0]  }
0x85: {  	[tilespmem:$0x1050] =	vst v10;
	v10 =	vld [tilespmem:$0xC40]  }
0x86: {  	[tilespmem:$0x1FF30] =	vst v6;
	v6 =	vld [tilespmem:$0xC20]  }
0x87: {  	v12 =	vshll.u32 v11, $0x8;
	[tilespmem:$0x1FF50] =	vst v9;
	v9 =	vshll.u32 v15, $0x8;
	v15 =	vshll.u32 v19, $0x8;
	v19 =	vld [tilespmem:$0x450]  }
0x88: {  	v5 =	vadd.s32 v14, v12;
	v12 =	vshll.u32 v17, $0x8;
	v17 =	vadd.s32 v22, v15;
	v22 =	vld [tilespmem:$0xC60]  }
0x89: {  	[tilespmem:$0x1FCC0] =	vst v61;
	v61 =	vld [tilespmem:$0xAE0]  }
0x8a: {  	[tilespmem:$0x1FF60] =	vst v4;
	v4 =	vld [tilespmem:$0xC70]  }
0x8b: {  	v11 =	vadd.s32 v18, v9;
	v18 =	vshll.u32 v21, $0x8;
	v9 =	vshll.u32 v31, $0x8;
	v31 =	vld [tilespmem:$0x1FC30]  }
0x8c: {  	v14 =	vadd.s32 v20, v12;
	v20 =	vadd.s32 v24, v18;
	v24 =	vshll.u32 v25, $0x8;
	v25 =	vld [tilespmem:$0x460]  }
0x8d: {  	[tilespmem:$0x1FF70] =	vst v7;
	v7 =	vld [tilespmem:$0x470]  }
0x8e: {  	[tilespmem:$0x1FCD0] =	vst v61;
	v61 =	vld [tilespmem:$0x2E0]  }
0x8f: {  	[tilespmem:$0x1FF80] =	vst v10;
	v10 =	vadd.s32 v51, v9;
	v51 =	vld [tilespmem:$0x480]  }
0x90: {  	[tilespmem:$0x1080] =	vst v11;
	v11 =	vshll.u32 v32, $0x8;
	v32 =	vld [tilespmem:$0xCC0]  }
0x91: {  	[tilespmem:$0x10A0] =	vst v17;
	v17 =	vshll.u32 v35, $0x8;
	v12 =	vadd.s32 v56, v11;
	v56 =	vld [tilespmem:$0xC90]  }
0x92: {  	v18 =	vadd.s32 v63, v17;
	v63 =	vld [tilespmem:$0x4A0]  }
0x93: {  	[tilespmem:$0x1FCE0] =	vst v61;
	v61 =	vld [tilespmem:$0xAF0]  }
0x94: {  	v21 =	vshll.u32 v23, $0x8;
	[tilespmem:$0x1100] =	vst v10;
	v10 =	vld [tilespmem:$0x1FB80]  }
0x95: {  	v23 =	vadd.s32 v26, v21;
	v11 =	vld [tilespmem:$0x1FB90]  }
0x96: {  	v35 =	vshll.u32 v46, $0x8;
	v26 =	vadd.s32 v28, v24;
	v28 =	vshll.u32 v27, $0x8;
	v27 =	vld [tilespmem:$0x1FC10]  }
0x97: {  	[tilespmem:$0x1060] =	vst v5;
	v21 =	vshll.u32 v37, $0x8;
	v37 =	vadd.s32 v47, v35;
	v35 =	vld [tilespmem:$0x1FC50]  }
0x98: {  	[tilespmem:$0x1FCF0] =	vst v61;
	v61 =	vld [tilespmem:$0x2F0]  }
0x99: {  	[tilespmem:$0x1FF40] =	vst v6;
	v6 =	vshll.u32 v13, $0x8;
	v13 =	vld [tilespmem:$0x440]  }
0x9a: {  	[tilespmem:$0x10C0] =	vst v23;
	v23 =	vshll.u32 v40, $0x8;
	v5 =	vadd.s32 v30, v28;
	v28 =	vld [tilespmem:$0x4C0]  }
0x9b: {  	v24 =	vadd.s32 v42, v23;
	v23 =	vld [tilespmem:$0xCD0]  }
0x9c: {  	[tilespmem:$0x1110] =	vst v12;
	v12 =	vld [tilespmem:$0x4E0]  }
0x9d: {  	[tilespmem:$0x1FD00] =	vst v61;
	v61 =	vld [tilespmem:$0xB00]  }
0x9e: {  	[tilespmem:$0x1140] =	vst v18;
	v18 =	vld [tilespmem:$0x1FBC0]  }
0x9f: {  	v30 =	vld [tilespmem:$0x1FC20]  }
0xa0: {  	v8 =	vadd.s32 v16, v6;
	v16 =	vld [tilespmem:$0xC50]  }
0xa1: {  	[tilespmem:$0x1FFB0] =	vst v19;
	v19 =	vshll.u32 v36, $0x8;
	v36 =	vld [tilespmem:$0x4B0]  }
0xa2: {  	[tilespmem:$0x1FD10] =	vst v61;
	v61 =	vld [tilespmem:$0x300]  }
0xa3: {  	v6 =	vshll.u32 v29, $0x8;
	[tilespmem:$0x1170] =	vst v24;
	v24 =	vld [tilespmem:$0x1FBF0]  }
0xa4: {  	[tilespmem:$0x1070] =	vst v8;
	v8 =	vadd.s32 v50, v6;
	v50 =	vld [tilespmem:$0xC80]  }
0xa5: {  	[tilespmem:$0x10B0] =	vst v20;
	v20 =	vadd.s32 v38, v19;
	v38 =	vld [tilespmem:$0xCB0]  }
0xa6: {  	[tilespmem:$0x1FFE0] =	vst v4;
	v4 =	vld [tilespmem:$0x4F0]  }
0xa7: {  	[tilespmem:$0x1FD20] =	vst v61;
	v61 =	vld [tilespmem:$0xB10]  }
0xa8: {  	[tilespmem:$0x1FFC0] =	vst v22;
	v22 =	vadd.s32 v39, v21;
	v39 =	vshll.u32 v48, $0x8;
	v48 =	vld [tilespmem:$0x1FB00]  }
0xa9: {  	v6 =	vld [tilespmem:$0x1FB60]  }
0xaa: {  	v19 =	vld [tilespmem:$0x1FBD0]  }
0xab: {  	[tilespmem:$0x1150] =	vst v20;
	v20 =	vld [tilespmem:$0x4D0]  }
0xac: {  	[tilespmem:$0x1FD30] =	vst v61;
	v61 =	vld [tilespmem:$0x310]  }
0xad: {  	[tilespmem:$0x10F0] =	vst v8;
	v8 =	vld [tilespmem:$0xCF0]  }
0xae: {  	[tilespmem:$0x1FFD0] =	vst v25;
	v25 =	vshll.u32 v41, $0x8;
	v41 =	vshll.u32 v49, $0x8;
	v49 =	vld [tilespmem:$0x1FB10]  }
0xaf: {  	[tilespmem:$0x1FFF0] =	vst v7;
	v7 =	vld [tilespmem:$0x1FB70]  }
0xb0: {  	[tilespmem:$0x1160] =	vst v22;
	v22 =	vld [tilespmem:$0x1FBE0]  }
0xb1: {  	[tilespmem:$0x1FD40] =	vst v61;
	v61 =	vld [tilespmem:$0xB20]  }
0xb2: {  	v40 =	vadd.s32 v52, v39;
	v39 =	vld [tilespmem:$0x1FC60]  }
0xb3: {  	v42 =	vadd.s32 v53, v41;
	v53 =	vld [tilespmem:$0x1FB20]  }
0xb4: {  	[tilespmem:$0x10D0] =	vst v26;
	v26 =	vadd.s32 v43, v25;
	v43 =	vshll.u32 v54, $0x8;
	v54 =	vld [tilespmem:$0x1FB30]  }
0xb5: {  	[tilespmem:$0x1FF90] =	vst v13;
	v13 =	vshll.u32 v33, $0x8;
	v33 =	vshll.u32 v44, $0x8;
	v44 =	vadd.s32 v58, v43;
	v58 =	vld [tilespmem:$0x1FB40]  }
0xb6: {  	[tilespmem:$0x1FD50] =	vst v61;
	v61 =	vld [tilespmem:$0x320]  }
0xb7: {  	v32 =	vshll.u32 v32, $0x8;
	[tilespmem:$0x1180] =	vst v26;
	v26 =	vld [tilespmem:$0x1FC00]  }
0xb8: {  	v28 =	vadd.s32 v28, v32;
	v32 =	vld [tilespmem:$0x660]  }
0xb9: {  	[tilespmem:$0x1090] =	vst v14;
	v15 =	vshll.u32 v34, $0x8;
	v14 =	vadd.s32 v57, v13;
	v57 =	vld [tilespmem:$0x490]  }
0xba: {  	[tilespmem:$0x1FFA0] =	vst v16;
	v16 =	vadd.s32 v62, v15;
	v62 =	vld [tilespmem:$0xCA0]  }
0xbb: {  	[tilespmem:$0x1FD60] =	vst v61;
	v61 =	vld [tilespmem:$0xB30]  }
0xbc: {  	v15 =	vld [tilespmem:$0x1FBA0]  }
0xbd: {  	[tilespmem:$0x11B0] =	vst v40;
	v40 =	vld [tilespmem:$0x1FC70]  }
0xbe: {  	v34 =	vadd.s32 v45, v33;
	v45 =	vshll.u32 v55, $0x8;
	[tilespmem:$0x1120] =	vst v14;
	v14 =	vld [tilespmem:$0xCE0]  }
0xbf: {  	v46 =	vadd.s32 v59, v45;
	v59 =	vld [tilespmem:$0x1FB50]  }
0xc0: {  	[tilespmem:$0x1FD70] =	vst v61;
	v61 =	vld [tilespmem:$0x330]  }
0xc1: {  	v47 =	vshll.u32 v60, $0x8;
	[tilespmem:$0x1130] =	vst v16;
	v16 =	vld [tilespmem:$0x1FBB0]  }
0xc2: {  	[tilespmem:$0x1190] =	vst v34;
	v1 =	vadd.s32 v48, v47;
	v34 =	vld [tilespmem:$0x1FC40]  }
0xc3: {  	v38 =	vshll.u32 v38, $0x8;
	[tilespmem:$0x11F0] =	vst v1;
	v1 =	vld [tilespmem:$0x500]  }
0xc4: {  	v36 =	vadd.s32 v36, v38;
	v38 =	vld [tilespmem:$0xE60]  }
0xc5: {  	v23 =	vshll.u32 v23, $0x8;
	[tilespmem:$0x1FD80] =	vst v61;
	v61 =	vld [tilespmem:$0xB40]  }
0xc6: {  	[tilespmem:$0x1FF10] =	vst v2;
	v52 =	vshll.u32 v49, $0x8;
	v20 =	vadd.s32 v20, v23;
	v23 =	vld [tilespmem:$0xE70];
	v8 =	vshll.u32 v8, $0x8  }
0xc7: {  	[tilespmem:$0x11A0] =	vst v37;
	v2 =	vadd.s32 v53, v52;
	v4 =	vadd.s32 v4, v8;
	v8 =	vld [tilespmem:$0xE80]  }
0xc8: {  	[tilespmem:$0x1200] =	vst v2;
	v2 =	vld [tilespmem:$0xD10]  }
0xc9: {  	v55 =	vshll.u32 v54, $0x8;
	[tilespmem:$0x14F0] =	vst v4;
	v4 =	vld [tilespmem:$0x690]  }
0xca: {  	v25 =	vshll.u32 v24, $0x8;
	v3 =	vadd.s32 v58, v55;
	[tilespmem:$0x1FD90] =	vst v61;
	v61 =	vld [tilespmem:$0x340]  }
0xcb: {  	v13 =	vshll.u32 v11, $0x8;
	v11 =	vadd.s32 v26, v25;
	[tilespmem:$0x1210] =	vst v3;
	v3 =	vld [tilespmem:$0x510]  }
0xcc: {  	[tilespmem:$0x1270] =	vst v11;
	v11 =	vld [tilespmem:$0x540]  }
0xcd: {  	[tilespmem:$0x11C0] =	vst v42;
	v9 =	vshll.u32 v7, $0x8;
	v7 =	vadd.s32 v15, v13;
	v42 =	vld [tilespmem:$0x1FC80]  }
0xce: {  	v29 =	vshll.u32 v27, $0x8;
	[tilespmem:$0x1240] =	vst v7;
	v7 =	vld [tilespmem:$0xD30]  }
0xcf: {  	v33 =	vshll.u32 v31, $0x8;
	v13 =	vadd.s32 v30, v29;
	[tilespmem:$0x1FDA0] =	vst v61;
	v61 =	vld [tilespmem:$0xB50]  }
0xd0: {  	v37 =	vshll.u32 v35, $0x8;
	[tilespmem:$0x1280] =	vst v13;
	v15 =	vadd.s32 v34, v33;
	v13 =	vld [tilespmem:$0xD50]  }
0xd1: {  	v17 =	vshll.u32 v16, $0x8;
	v16 =	vadd.s32 v39, v37;
	[tilespmem:$0x1290] =	vst v15;
	v15 =	vld [tilespmem:$0x550]  }
0xd2: {  	v14 =	vshll.u32 v14, $0x8;
	[tilespmem:$0x12A0] =	vst v16;
	v16 =	vld [tilespmem:$0xD60]  }
0xd3: {  	[tilespmem:$0x10E0] =	vst v5;
	v60 =	vshll.u32 v59, $0x8;
	v12 =	vadd.s32 v12, v14;
	v14 =	vld [tilespmem:$0x670]  }
0xd4: {  	v5 =	vadd.s32 v6, v60;
	[tilespmem:$0x1FDB0] =	vst v61;
	v61 =	vld [tilespmem:$0x350]  }
0xd5: {  	v6 =	vadd.s32 v10, v9;
	[tilespmem:$0x1220] =	vst v5;
	v5 =	vld [tilespmem:$0xD20]  }
0xd6: {  	v21 =	vshll.u32 v19, $0x8;
	v9 =	vadd.s32 v18, v17;
	[tilespmem:$0x1230] =	vst v6;
	v6 =	vld [tilespmem:$0x520]  }
0xd7: {  	v10 =	vadd.s32 v22, v21;
	[tilespmem:$0x1250] =	vst v9;
	v9 =	vld [tilespmem:$0x530]  }
0xd8: {  	[tilespmem:$0x1260] =	vst v10;
	v10 =	vld [tilespmem:$0xD40]  }
0xd9: {  	v41 =	vshll.u32 v40, $0x8;
	[tilespmem:$0x1FDC0] =	vst v61;
	v61 =	vld [tilespmem:$0xB60]  }
0xda: {  	v17 =	vadd.s32 v42, v41;
	v43 =	vld [tilespmem:$0x1FC90]  }
0xdb: {  	[tilespmem:$0x12B0] =	vst v17;
	v17 =	vld [tilespmem:$0x560];
	v13 =	vshll.u32 v13, $0x8  }
0xdc: {  	v15 =	vadd.s32 v15, v13;
	v13 =	vld [tilespmem:$0x6D0]  }
0xdd: {  	[tilespmem:$0x1550] =	vst v15;
	v15 =	vld [tilespmem:$0xEE0]  }
0xde: {  	v10 =	vshll.u32 v10, $0x8;
	[tilespmem:$0x1FDD0] =	vst v61;
	v61 =	vld [tilespmem:$0x360]  }
0xdf: {  	[tilespmem:$0x14E0] =	vst v12;
	v12 =	vadd.s32 v11, v10;
	v10 =	vld [tilespmem:$0xEC0]  }
0xe0: {  	v45 =	vld [tilespmem:$0x1FCA0]  }
0xe1: {  	[tilespmem:$0x11E0] =	vst v46;
	v46 =	vld [tilespmem:$0x1FCB0]  }
0xe2: {  	v48 =	vld [tilespmem:$0x1FCC0]  }
0xe3: {  	[tilespmem:$0x1FDE0] =	vst v61;
	v61 =	vld [tilespmem:$0xB70]  }
0xe4: {  	[tilespmem:$0x11D0] =	vst v44;
	v11 =	vld [tilespmem:$0x6C0]  }
0xe5: {  	v16 =	vshll.u32 v16, $0x8;
	v44 =	vshll.u32 v43, $0x8;
	[tilespmem:$0x1540] =	vst v12;
	v12 =	vld [tilespmem:$0xED0]  }
0xe6: {  	v17 =	vadd.s32 v17, v16;
	v16 =	vld [tilespmem:$0x6E0];
	v18 =	vadd.s32 v45, v44  }
0xe7: {  	[tilespmem:$0x12C0] =	vst v18;
	v18 =	vld [tilespmem:$0xD70];
	v47 =	vshll.u32 v46, $0x8  }
0xe8: {  	v19 =	vadd.s32 v48, v47;
	[tilespmem:$0x1FDF0] =	vst v61;
	v61 =	vld [tilespmem:$0x370]  }
0xe9: {  	[tilespmem:$0x12D0] =	vst v19;
	v19 =	vld [tilespmem:$0x570]  }
0xea: {  	[tilespmem:$0x1560] =	vst v17;
	v17 =	vld [tilespmem:$0xEF0]  }
0xeb: {  	v49 =	vld [tilespmem:$0x1FCD0]  }
0xec: {  	v53 =	vld [tilespmem:$0x1FCE0]  }
0xed: {  	v18 =	vshll.u32 v18, $0x8;
	[tilespmem:$0x1FE00] =	vst v61;
	v61 =	vld [tilespmem:$0xB80]  }
0xee: {  	[tilespmem:$0x14D0] =	vst v20;
	v20 =	vadd.s32 v19, v18;
	v18 =	vld [tilespmem:$0x6F0]  }
0xef: {  	v54 =	vld [tilespmem:$0x1FCF0]  }
0xf0: {  	v58 =	vld [tilespmem:$0x1FD00]  }
0xf1: {  	v19 =	vld [tilespmem:$0xF00]  }
0xf2: {  	v52 =	vshll.u32 v49, $0x8;
	[tilespmem:$0x1FE10] =	vst v61;
	v61 =	vld [tilespmem:$0x380]  }
0xf3: {  	[tilespmem:$0x1570] =	vst v20;
	v20 =	vld [tilespmem:$0x700];
	v21 =	vadd.s32 v53, v52  }
0xf4: {  	[tilespmem:$0x12E0] =	vst v21;
	v21 =	vld [tilespmem:$0xD80];
	v55 =	vshll.u32 v54, $0x8  }
0xf5: {  	v22 =	vadd.s32 v58, v55;
	v59 =	vld [tilespmem:$0x1FD10]  }
0xf6: {  	[tilespmem:$0x12F0] =	vst v22;
	v22 =	vld [tilespmem:$0x580]  }
0xf7: {  	[tilespmem:$0x1FE20] =	vst v61;
	v61 =	vld [tilespmem:$0xB90]  }
0xf8: {  	v26 =	vld [tilespmem:$0x1FD20]  }
0xf9: {  	v27 =	vld [tilespmem:$0x1FD30]  }
0xfa: {  	v21 =	vshll.u32 v21, $0x8;
	v30 =	vld [tilespmem:$0x1FD40]  }
0xfb: {  	v22 =	vadd.s32 v22, v21;
	v21 =	vld [tilespmem:$0xF10]  }
0xfc: {  	v60 =	vshll.u32 v59, $0x8;
	[tilespmem:$0x1FE30] =	vst v61;
	v61 =	vld [tilespmem:$0x390]  }
0xfd: {  	[tilespmem:$0x1580] =	vst v22;
	v22 =	vld [tilespmem:$0x710];
	v24 =	vadd.s32 v26, v60  }
0xfe: {  	[tilespmem:$0x1300] =	vst v24;
	v24 =	vld [tilespmem:$0xD90];
	v29 =	vshll.u32 v27, $0x8  }
0xff: {  	v25 =	vadd.s32 v30, v29;
	v31 =	vld [tilespmem:$0x1FD50]  }
0x100: {  	[tilespmem:$0x1310] =	vst v25;
	v25 =	vld [tilespmem:$0x590]  }
0x101: {  	[tilespmem:$0x1FE40] =	vst v61;
	v61 =	vld [tilespmem:$0xBA0]  }
0x102: {  	v34 =	vld [tilespmem:$0x1FD60]  }
0x103: {  	v35 =	vld [tilespmem:$0x1FD70]  }
0x104: {  	v39 =	vld [tilespmem:$0x1FD80]  }
0x105: {  	v40 =	vld [tilespmem:$0x1FD90]  }
0x106: {  	[tilespmem:$0x1FE50] =	vst v61;
	v61 =	vld [tilespmem:$0x3A0]  }
0x107: {  	v42 =	vld [tilespmem:$0x1FDA0]  }
0x108: {  	v33 =	vshll.u32 v31, $0x8;
	v43 =	vld [tilespmem:$0x1FDB0]  }
0x109: {  	v26 =	vadd.s32 v34, v33;
	v45 =	vld [tilespmem:$0x1FDC0]  }
0x10a: {  	[tilespmem:$0x1320] =	vst v26;
	v26 =	vld [tilespmem:$0xDA0];
	v37 =	vshll.u32 v35, $0x8  }
0x10b: {  	v27 =	vadd.s32 v39, v37;
	v41 =	vshll.u32 v40, $0x8;
	[tilespmem:$0x1FE60] =	vst v61;
	v61 =	vld [tilespmem:$0xBB0]  }
0x10c: {  	[tilespmem:$0x1330] =	vst v27;
	v27 =	vld [tilespmem:$0x5A0];
	v29 =	vadd.s32 v42, v41  }
0x10d: {  	[tilespmem:$0x1340] =	vst v29;
	v29 =	vld [tilespmem:$0xDB0];
	v44 =	vshll.u32 v43, $0x8  }
0x10e: {  	v30 =	vadd.s32 v45, v44;
	v46 =	vld [tilespmem:$0x1FDD0]  }
0x10f: {  	[tilespmem:$0x1350] =	vst v30;
	v30 =	vld [tilespmem:$0x5B0]  }
0x110: {  	[tilespmem:$0x1FE70] =	vst v61;
	v61 =	vld [tilespmem:$0x3B0]  }
0x111: {  	v48 =	vld [tilespmem:$0x1FDE0]  }
0x112: {  	v49 =	vld [tilespmem:$0x1FDF0]  }
0x113: {  	v53 =	vld [tilespmem:$0x1FE00]  }
0x114: {  	v54 =	vld [tilespmem:$0x1FE10]  }
0x115: {  	[tilespmem:$0x1FE80] =	vst v61;
	v61 =	vld [tilespmem:$0xBC0]  }
0x116: {  	v29 =	vshll.u32 v29, $0x8;
	v47 =	vshll.u32 v46, $0x8;
	v58 =	vld [tilespmem:$0x1FE20]  }
0x117: {  	v30 =	vadd.s32 v30, v29;
	v29 =	vld [tilespmem:$0xF20];
	v31 =	vadd.s32 v48, v47;
	v52 =	vshll.u32 v49, $0x8  }
0x118: {  	[tilespmem:$0x1360] =	vst v31;
	v31 =	vld [tilespmem:$0xDC0];
	v33 =	vadd.s32 v53, v52  }
0x119: {  	[tilespmem:$0x1370] =	vst v33;
	v33 =	vld [tilespmem:$0x5C0]  }
0x11a: {  	v55 =	vshll.u32 v54, $0x8;
	[tilespmem:$0x1FE90] =	vst v61;
	v61 =	vld [tilespmem:$0x3C0]  }
0x11b: {  	v34 =	vadd.s32 v58, v55;
	v59 =	vld [tilespmem:$0x1FE30]  }
0x11c: {  	[tilespmem:$0x1380] =	vst v34;
	v34 =	vld [tilespmem:$0xDD0]  }
0x11d: {  	v37 =	vld [tilespmem:$0x1FE40]  }
0x11e: {  	v39 =	vld [tilespmem:$0x1FE50]  }
0x11f: {  	[tilespmem:$0x1FEA0] =	vst v61;
	v61 =	vld [tilespmem:$0xBD0]  }
0x120: {  	v41 =	vld [tilespmem:$0x1FE60]  }
0x121: {  	v60 =	vshll.u32 v59, $0x8;
	v42 =	vld [tilespmem:$0x1FE70]  }
0x122: {  	v35 =	vadd.s32 v37, v60;
	v44 =	vld [tilespmem:$0x1FE80]  }
0x123: {  	v31 =	vshll.u32 v31, $0x8;
	[tilespmem:$0x1390] =	vst v35;
	v35 =	vld [tilespmem:$0x5D0]  }
0x124: {  	v33 =	vadd.s32 v33, v31;
	v40 =	vshll.u32 v39, $0x8;
	[tilespmem:$0x1FEB0] =	vst v61;
	v61 =	vld [tilespmem:$0x3D0]  }
0x125: {  	[tilespmem:$0x15C0] =	vst v33;
	v33 =	vld [tilespmem:$0x720];
	v37 =	vadd.s32 v41, v40  }
0x126: {  	[tilespmem:$0x13A0] =	vst v37;
	v37 =	vld [tilespmem:$0xDE0];
	v43 =	vshll.u32 v42, $0x8  }
0x127: {  	[tilespmem:$0x14B0] =	vst v36;
	v39 =	vadd.s32 v44, v43;
	v45 =	vld [tilespmem:$0x1FE90]  }
0x128: {  	v34 =	vshll.u32 v34, $0x8;
	[tilespmem:$0x13B0] =	vst v39;
	v39 =	vld [tilespmem:$0x5E0]  }
0x129: {  	v36 =	vadd.s32 v35, v34;
	[tilespmem:$0x1FEC0] =	vst v61;
	v61 =	vld [tilespmem:$0xBE0]  }
0x12a: {  	[tilespmem:$0x15D0] =	vst v36;
	v36 =	vld [tilespmem:$0xF30]  }
0x12b: {  	v44 =	vld [tilespmem:$0xE00]  }
0x12c: {  	v47 =	vld [tilespmem:$0x1FEA0]  }
0x12d: {  	v37 =	vshll.u32 v37, $0x8;
	v46 =	vshll.u32 v45, $0x8;
	v45 =	vld [tilespmem:$0x600]  }
0x12e: {  	v39 =	vadd.s32 v39, v37;
	[tilespmem:$0x1FED0] =	vst v61;
	v61 =	vld [tilespmem:$0x3E0]  }
0x12f: {  	[tilespmem:$0x15E0] =	vst v39;
	v39 =	vld [tilespmem:$0x730]  }
0x130: {  	v48 =	vld [tilespmem:$0x1FEB0]  }
0x131: {  	v40 =	vadd.s32 v47, v46;
	v47 =	vld [tilespmem:$0x1FF10]  }
0x132: {  	v46 =	vld [tilespmem:$0xE10]  }
0x133: {  	[tilespmem:$0x1FEE0] =	vst v61;
	v61 =	vld [tilespmem:$0xBF0]  }
0x134: {  	v52 =	vld [tilespmem:$0x1FEC0]  }
0x135: {  	[tilespmem:$0x13C0] =	vst v40;
	v40 =	vld [tilespmem:$0xDF0]  }
0x136: {  	v49 =	vshll.u32 v48, $0x8;
	v48 =	vld [tilespmem:$0x1FF20]  }
0x137: {  	v53 =	vld [tilespmem:$0x1FED0]  }
0x138: {  	[tilespmem:$0x1FEF0] =	vst v61;
	v61 =	vld [tilespmem:$0x3F0]  }
0x139: {  	v0 =	vshll.u32 v0, $0x8;
	v41 =	vadd.s32 v52, v49;
	v49 =	vld [tilespmem:$0x1FF30]  }
0x13a: {  	[tilespmem:$0x14C0] =	vst v28;
	v0 =	vadd.s32 v1, v0;
	v24 =	vshll.u32 v24, $0x8;
	v52 =	vld [tilespmem:$0x1FF40]  }
0x13b: {  	[tilespmem:$0x1500] =	vst v0;
	v25 =	vadd.s32 v25, v24;
	v55 =	vld [tilespmem:$0x1FEE0]  }
0x13c: {  	[tilespmem:$0x1590] =	vst v25;
	v26 =	vshll.u32 v26, $0x8;
	v58 =	vld [tilespmem:$0x1FEF0]  }
0x13d: {  	v28 =	vadd.s32 v27, v26;
	[tilespmem:$0x1FF00] =	vst v61;
	v61 =	vld [tilespmem:$0xC00]  }
0x13e: {  	[tilespmem:$0x15A0] =	vst v28;
	v27 =	vshll.u32 v29, $0x8;
	v60 =	vld [tilespmem:$0x1FF00]  }
0x13f: {  	[tilespmem:$0x15B0] =	vst v30;
	v29 =	vadd.s32 v33, v27;
	v35 =	vshll.u32 v38, $0x8;
	v54 =	vshll.u32 v53, $0x8;
	v53 =	vld [tilespmem:$0x1FF50]  }
0x140: {  	[tilespmem:$0x1720] =	vst v29;
	v37 =	vadd.s32 v32, v35;
	v42 =	vadd.s32 v55, v54;
	v54 =	vld [tilespmem:$0x1FF60]  }
0x141: {  	[tilespmem:$0x1660] =	vst v37;
	v55 =	vld [tilespmem:$0x1FF70]  }
0x142: {  	[tilespmem:$0x13D0] =	vst v41;
	v59 =	vshll.u32 v58, $0x8;
	v58 =	vld [tilespmem:$0x1FF80]  }
0x143: {  	[tilespmem:$0x13E0] =	vst v42;
	v61 =	vshll.u32 v61, $0x8;
	v42 =	vadd.s32 v60, v59;
	v59 =	vld [tilespmem:$0x1FF90]  }
0x144: {  	v43 =	vshll.u32 v48, $0x8;
	v60 =	vld [tilespmem:$0x1FFA0];
	[tilespmem:$0x13F0] =	vst v42;
	v42 =	vadd.s32 v47, v61  }
0x145: {  	v61 =	vld [tilespmem:$0x1FFB0];
	[tilespmem:$0x1400] =	vst v42;
	v42 =	vadd.s32 v49, v43;
	v43 =	vshll.u32 v52, $0x8  }
0x146: {  	v48 =	vld [tilespmem:$0xE20];
	[tilespmem:$0x1410] =	vst v42;
	v42 =	vadd.s32 v53, v43;
	v43 =	vshll.u32 v54, $0x8  }
0x147: {  	v41 =	vld [tilespmem:$0x5F0];
	[tilespmem:$0x1420] =	vst v42;
	v42 =	vadd.s32 v55, v43;
	v43 =	vshll.u32 v58, $0x8  }
0x148: {  	v47 =	vld [tilespmem:$0x610];
	v58 =	vshll.u32 v50, $0x8;
	[tilespmem:$0x1430] =	vst v42;
	v42 =	vadd.s32 v59, v43  }
0x149: {  	v52 =	vld [tilespmem:$0x1FFC0];
	v43 =	vshll.u32 v60, $0x8;
	v59 =	vadd.s32 v51, v58;
	[tilespmem:$0x1440] =	vst v42  }
0x14a: {  	v53 =	vld [tilespmem:$0x1FFD0];
	v60 =	vshll.u32 v56, $0x8;
	v42 =	vadd.s32 v61, v43;
	[tilespmem:$0x1480] =	vst v59  }
0x14b: {  	v49 =	vld [tilespmem:$0x620];
	v61 =	vadd.s32 v57, v60;
	v57 =	vshll.u32 v62, $0x8;
	[tilespmem:$0x1450] =	vst v42  }
0x14c: {  	v54 =	vld [tilespmem:$0x1FFE0];
	v59 =	vshll.u32 v2, $0x8;
	[tilespmem:$0x1490] =	vst v61;
	v58 =	vadd.s32 v63, v57  }
0x14d: {  	v55 =	vld [tilespmem:$0x1FFF0];
	v56 =	vshll.u32 v44, $0x8;
	v60 =	vadd.s32 v3, v59;
	[tilespmem:$0x14A0] =	vst v58  }
0x14e: {  	v50 =	vld [tilespmem:$0xE40];
	v43 =	vshll.u32 v52, $0x8;
	v57 =	vadd.s32 v45, v56;
	[tilespmem:$0x1510] =	vst v60  }
0x14f: {  	v51 =	vld [tilespmem:$0x640];
	v61 =	vshll.u32 v5, $0x8;
	v42 =	vadd.s32 v53, v43;
	[tilespmem:$0x1600] =	vst v57  }
0x150: {  	v2 =	vld [tilespmem:$0x680];
	v63 =	vshll.u32 v7, $0x8;
	v62 =	vadd.s32 v6, v61;
	[tilespmem:$0x1460] =	vst v42  }
0x151: {  	v52 =	vld [tilespmem:$0xE30];
	v43 =	vshll.u32 v54, $0x8;
	v9 =	vadd.s32 v9, v63;
	[tilespmem:$0x1520] =	vst v62  }
0x152: {  	v3 =	vld [tilespmem:$0xE90];
	v58 =	vshll.u32 v46, $0x8;
	v42 =	vadd.s32 v55, v43;
	[tilespmem:$0x1530] =	vst v9  }
0x153: {  	v5 =	vld [tilespmem:$0xEA0];
	v60 =	vshll.u32 v48, $0x8;
	v59 =	vadd.s32 v47, v58;
	[tilespmem:$0x1470] =	vst v42  }
0x154: {  	v7 =	vld [tilespmem:$0xEB0];
	v56 =	vshll.u32 v12, $0x8;
	v61 =	vadd.s32 v49, v60;
	[tilespmem:$0x1610] =	vst v59  }
0x155: {  	v45 =	vld [tilespmem:$0x740];
	v28 =	vshll.u32 v50, $0x8;
	v58 =	vadd.s32 v13, v56;
	[tilespmem:$0x1620] =	vst v61  }
0x156: {  	v38 =	vshll.u32 v23, $0x8;
	v53 =	vld [tilespmem:$0x630];
	v30 =	vadd.s32 v51, v28;
	[tilespmem:$0x16D0] =	vst v58  }
0x157: {  	v54 =	vld [tilespmem:$0xE50];
	v42 =	vshll.u32 v40, $0x8;
	v40 =	vadd.s32 v14, v38;
	[tilespmem:$0x1640] =	vst v30  }
0x158: {  	v6 =	vld [tilespmem:$0x6A0];
	v59 =	vshll.u32 v15, $0x8;
	v55 =	vadd.s32 v41, v42;
	[tilespmem:$0x1670] =	vst v40  }
0x159: {  	v43 =	vld [tilespmem:$0x650];
	v61 =	vadd.s32 v16, v59;
	v30 =	vshll.u32 v36, $0x8;
	[tilespmem:$0x15F0] =	vst v55  }
0x15a: {  	v48 =	vld [tilespmem:$0xF50];
	v62 =	vshll.u32 v52, $0x8;
	[tilespmem:$0x16E0] =	vst v61;
	v32 =	vadd.s32 v39, v30  }
0x15b: {  	v9 =	vld [tilespmem:$0x6B0];
	v44 =	vshll.u32 v3, $0x8;
	v63 =	vadd.s32 v53, v62;
	[tilespmem:$0x1730] =	vst v32  }
0x15c: {  	v57 =	vld [tilespmem:$0x760];
	v47 =	vshll.u32 v5, $0x8;
	v46 =	vadd.s32 v4, v44;
	[tilespmem:$0x1630] =	vst v63  }
0x15d: {  	v60 =	vld [tilespmem:$0xF70];
	v31 =	vshll.u32 v54, $0x8;
	v49 =	vadd.s32 v6, v47;
	[tilespmem:$0x1690] =	vst v46  }
0x15e: {  	v51 =	vld [tilespmem:$0x750];
	v41 =	vshll.u32 v8, $0x8;
	v34 =	vadd.s32 v43, v31;
	[tilespmem:$0x16A0] =	vst v49  }
0x15f: {  	v42 =	vld [tilespmem:$0xF40];
	v50 =	vshll.u32 v7, $0x8;
	v43 =	vadd.s32 v2, v41;
	[tilespmem:$0x1650] =	vst v34  }
0x160: {  	v59 =	vld [tilespmem:$0xFE0];
	v53 =	vshll.u32 v10, $0x8;
	v52 =	vadd.s32 v9, v50;
	[tilespmem:$0x1680] =	vst v43  }
0x161: {  	v61 =	vld [tilespmem:$0x7E0];
	v62 =	vshll.u32 v17, $0x8;
	v55 =	vadd.s32 v11, v53;
	[tilespmem:$0x16B0] =	vst v52  }
0x162: {  	v54 =	vld [tilespmem:$0xF60];
	v17 =	vshll.u32 v19, $0x8;
	v16 =	vadd.s32 v18, v62;
	[tilespmem:$0x16C0] =	vst v55  }
0x163: {  	v28 =	vld [tilespmem:$0xF90];
	v19 =	vadd.s32 v20, v17;
	v20 =	vshll.u32 v21, $0x8;
	[tilespmem:$0x16F0] =	vst v16  }
0x164: {  	v36 =	vshll.u32 v48, $0x8;
	v63 =	vld [tilespmem:$0x770];
	[tilespmem:$0x1700] =	vst v19;
	v22 =	vadd.s32 v22, v20  }
0x165: {  	v31 =	vld [tilespmem:$0x790];
	v38 =	vadd.s32 v51, v36;
	[tilespmem:$0x1710] =	vst v22;
	v33 =	vshll.u32 v42, $0x8  }
0x166: {  	[tilespmem:$0x1750] =	vst v38;
	v3 =	vshll.u32 v59, $0x8;
	v35 =	vadd.s32 v45, v33  }
0x167: {  	v37 =	vld [tilespmem:$0x7A0];
	v2 =	vadd.s32 v61, v3;
	[tilespmem:$0x1740] =	vst v35;
	v39 =	vshll.u32 v54, $0x8  }
0x168: {  	v56 =	vld [tilespmem:$0x7D0];
	v42 =	vshll.u32 v60, $0x8;
	[tilespmem:$0x17E0] =	vst v2;
	v41 =	vadd.s32 v57, v39  }
0x169: {  	v40 =	vld [tilespmem:$0xFB0];
	v47 =	vshll.u32 v28, $0x8;
	v44 =	vadd.s32 v63, v42;
	[tilespmem:$0x1760] =	vst v41  }
0x16a: {  	v48 =	vld [tilespmem:$0xFC0];
	v49 =	vadd.s32 v31, v47;
	[tilespmem:$0x1770] =	vst v44  }
0x16b: {  	v18 =	vld [tilespmem:$0xF80];
	v57 =	vimm.f32 $1.000000000e+00;
	[tilespmem:$0x1790] =	vst v49  }
0x16c: {  	v21 =	vld [tilespmem:$0x780];
	[tilespmem:$0x1800] =	vst v57  }
0x16d: {  	v62 =	vld [tilespmem:$0xFF0];
	[tilespmem:$0x1810] =	vst v57  }
0x16e: {  	v43 =	vld [tilespmem:$0x7B0];
	[tilespmem:$0x1820] =	vst v57  }
0x16f: {  	v51 =	vld [tilespmem:$0x7C0];
	[tilespmem:$0x1830] =	vst v57  }
0x170: {  	v54 =	vld [tilespmem:$0xFD0];
	[tilespmem:$0x1840] =	vst v57  }
0x171: {  	v34 =	vld [tilespmem:$0xFA0];
	[tilespmem:$0x1850] =	vst v57  }
0x172: {  	v45 =	vshll.u32 v18, $0x8;
	v63 =	vld [tilespmem:$0x7F0];
	[tilespmem:$0x1860] =	vst v57  }
0x173: {  	v53 =	vshll.u32 v40, $0x8;
	v46 =	vadd.s32 v21, v45;
	[tilespmem:$0x1870] =	vst v57  }
0x174: {  	v58 =	vshll.u32 v48, $0x8;
	v55 =	vadd.s32 v43, v53;
	[tilespmem:$0x1780] =	vst v46  }
0x175: {  	v0 =	vadd.s32 v51, v58;
	[tilespmem:$0x17B0] =	vst v55;
	v60 =	vshll.u32 v54, $0x8  }
0x176: {  	v1 =	vshll.u32 v62, $0x8;
	v50 =	vshll.u32 v34, $0x8;
	[tilespmem:$0x17C0] =	vst v0;
	v0 =	vadd.s32 v56, v60  }
0x177: {  	v52 =	vadd.s32 v37, v50;
	[tilespmem:$0x17D0] =	vst v0;
	v0 =	vadd.s32 v63, v1  }
0x178: {  	[tilespmem:$0x17A0] =	vst v52;
	v0 =	vnsel vm0, $0x0, v0  }
0x179: {  	[tilespmem:$0x17F0] =	vst v0  }
0x17a: {  	[bflag:$0x0] =	sbarrier.arrive $0xFFFF  }
0x17b: {  	[spmem:s2] =	stream.indirect.scatter.add.f32 [tilespmem:s13], [sflag:$0x1], $0x1, s12, s11, $0xb8;
	[tilespmem:$0x2880] =	vst v63  }
0x17c: {  	_ = 	snop  }
0x17d: {  	[spmem:s2] =	stream.indirect.scatter.add.f32 [tilespmem:s13], [sflag:$0x1], $0x1, s14, s11, $0xb8;
	[tilespmem:$0x2880] =	vst v63  }
0x17e: {  	_ = 	snop  }
0x17f: {  	[spmem:s2] =	stream.indirect.scatter.add.f32 [tilespmem:s13], [sflag:$0x1], $0x1, s15, s11, $0xb8;
	[tilespmem:$0x2880] =	vst v63  }
0x180: {  	_ = 	snop  }
0x181: {  	[spmem:s2] =	stream.indirect.scatter.add.f32 [tilespmem:s13], [sflag:$0x1], $0x1, s16, s11, $0xb8;
	[tilespmem:$0x2880] =	vst v63  }
0x182: {  	_ = 	snop  }
0x183: {  	[spmem:s2] =	stream.indirect.scatter.add.f32 [tilespmem:s13], [sflag:$0x1], $0x1, s17, s11, $0xb8;
	[tilespmem:$0x2880] =	vst v63  }
0x184: {  	_ = 	snop  }
0x185: {  	[spmem:s2] =	stream.indirect.scatter.add.f32 [tilespmem:s13], [sflag:$0x1], $0x1, s18, s11, $0xb8;
	[tilespmem:$0x2880] =	vst v63  }
0x186: {  	_ = 	snop  }
0x187: {  	[spmem:s2] =	stream.indirect.scatter.add.f32 [tilespmem:s13], [sflag:$0x1], $0x1, s19, s11, $0xb8;
	[tilespmem:$0x2880] =	vst v63  }
0x188: {  	_ = 	snop  }
0x189: {  	[spmem:s2] =	stream.indirect.scatter.add.f32 [tilespmem:s13], [sflag:$0x1], $0x1, s20, s11, $0xb8;
	[tilespmem:$0x2880] =	vst v63  }
0x18a: {  	_ = 	snop  }
0x18b: {  	[spmem:s2] =	stream.indirect.scatter.add.f32 [tilespmem:s13], [sflag:$0x1], $0x1, s21, s11, $0xb8;
	[tilespmem:$0x2880] =	vst v63  }
0x18c: {  	_ = 	snop  }
0x18d: {  	[spmem:s2] =	stream.indirect.scatter.add.f32 [tilespmem:s13], [sflag:$0x1], $0x1, s22, s11, $0xb8;
	[tilespmem:$0x2880] =	vst v63  }
0x18e: {  	_ = 	snop  }
0x18f: {  	[spmem:s2] =	stream.indirect.scatter.add.f32 [tilespmem:s13], [sflag:$0x1], $0x1, s23, s11, $0xb8;
	[tilespmem:$0x2880] =	vst v63  }
0x190: {  	_ = 	snop  }
0x191: {  	[spmem:s2] =	stream.indirect.scatter.add.f32 [tilespmem:s13], [sflag:$0x1], $0x1, s24, s11, $0xb8;
	[tilespmem:$0x2880] =	vst v63  }
0x192: {  	_ = 	snop  }
0x193: {  	[spmem:s2] =	stream.indirect.scatter.add.f32 [tilespmem:s13], [sflag:$0x1], $0x1, s25, s11, $0xb8;
	[tilespmem:$0x2880] =	vst v63  }
0x194: {  	_ = 	snop  }
0x195: {  	[spmem:s2] =	stream.indirect.scatter.add.f32 [tilespmem:s13], [sflag:$0x1], $0x1, s26, s11, $0xb8;
	[tilespmem:$0x2880] =	vst v63  }
0x196: {  	_ = 	snop  }
0x197: {  	[spmem:s2] =	stream.indirect.scatter.add.f32 [tilespmem:s13], [sflag:$0x1], $0x1, s28, s11, $0xb8;
	[tilespmem:$0x2880] =	vst v63  }
0x198: {  	_ = 	snop  }
0x199: {  	[spmem:s2] =	stream.indirect.scatter.add.f32 [tilespmem:s13], [sflag:$0x1], $0x1, s29, s11, $0xb8;
	[tilespmem:$0x2880] =	vst v63  }
0x19a: {  	_ =	swait.ge [sflag:s30], $0x80  }
0x19b: {  	[sflag:s30] =	ssyncset.done $0x0  }
0x19c: {  	[sflag:s30] =	ssyncadd.s32 $0xFFFFFF80  }
0x19d: {  	_ =	swait.ge [sflag:s30], $0x80  }
0x19e: {  	[sflag:s30] =	ssyncset.done $0x0  }
0x19f: {  	[sflag:s30] =	ssyncadd.s32 $0xFFFFFF80  }
0x1a0: {  	_ =	swait.ge [sflag:s30], $0x80  }
0x1a1: {  	[sflag:s30] =	ssyncset.done $0x0  }
0x1a2: {  	[sflag:s30] =	ssyncadd.s32 $0xFFFFFF80  }
0x1a3: {  	_ =	swait.ge [sflag:s30], $0x80  }
0x1a4: {  	[sflag:s30] =	ssyncset.done $0x0  }
0x1a5: {  	[sflag:s30] =	ssyncadd.s32 $0xFFFFFF80  }
0x1a6: {  	_ =	swait.ge [sflag:s30], $0x80  }
0x1a7: {  	[sflag:s30] =	ssyncset.done $0x0  }
0x1a8: {  	[sflag:s30] =	ssyncadd.s32 $0xFFFFFF80  }
0x1a9: {  	_ =	swait.ge [sflag:s30], $0x80  }
0x1aa: {  	[sflag:s30] =	ssyncset.done $0x0  }
0x1ab: {  	[sflag:s30] =	ssyncadd.s32 $0xFFFFFF80  }
0x1ac: {  	_ =	swait.ge [sflag:s30], $0x80  }
0x1ad: {  	[sflag:s30] =	ssyncset.done $0x0  }
0x1ae: {  	[sflag:s30] =	ssyncadd.s32 $0xFFFFFF80  }
0x1af: {  	_ =	swait.ge [sflag:s30], $0x80  }
0x1b0: {  	[sflag:s30] =	ssyncset.done $0x0  }
0x1b1: {  	[sflag:s30] =	ssyncadd.s32 $0xFFFFFF80  }
0x1b2: {  	_ =	swait.ge [sflag:s30], $0x80  }
0x1b3: {  	[sflag:s30] =	ssyncset.done $0x0  }
0x1b4: {  	[sflag:s30] =	ssyncadd.s32 $0xFFFFFF80  }
0x1b5: {  	_ =	swait.ge [sflag:s30], $0x80  }
0x1b6: {  	[sflag:s30] =	ssyncset.done $0x0  }
0x1b7: {  	[sflag:s30] =	ssyncadd.s32 $0xFFFFFF80  }
0x1b8: {  	_ =	swait.ge [sflag:s30], $0x80  }
0x1b9: {  	[sflag:s30] =	ssyncset.done $0x0  }
0x1ba: {  	[sflag:s30] =	ssyncadd.s32 $0xFFFFFF80  }
0x1bb: {  	_ =	swait.ge [sflag:s30], $0x80  }
0x1bc: {  	[sflag:s30] =	ssyncset.done $0x0  }
0x1bd: {  	[sflag:s30] =	ssyncadd.s32 $0xFFFFFF80  }
0x1be: {  	_ =	swait.ge [sflag:s30], $0x80  }
0x1bf: {  	[sflag:s30] =	ssyncset.done $0x0  }
0x1c0: {  	[sflag:s30] =	ssyncadd.s32 $0xFFFFFF80  }
0x1c1: {  	_ =	swait.ge [sflag:s30], $0x80  }
0x1c2: {  	[sflag:s30] =	ssyncset.done $0x0  }
0x1c3: {  	[sflag:s30] =	ssyncadd.s32 $0xFFFFFF80  }
0x1c4: {  	_ =	swait.ge [sflag:s30], $0x80  }
0x1c5: {  	[sflag:s30] =	ssyncset.done $0x0  }
0x1c6: {  	[sflag:s30] =	ssyncadd.s32 $0xFFFFFF80  }
0x1c7: {  	_ =	swait.ge [sflag:s30], $0x80  }
0x1c8: {  	[sflag:s30] =	ssyncset.done $0x0  }
0x1c9: {  	p0 =	sne.s32 s6, $0x1;
	[sflag:s30] =	ssyncadd.s32 $0xFFFFFF80  }
.Ltmp0:
0x1ca: {  	[bflag:$0x0] =	sbarrier.arrive $0xFFFF;
	(pc) =	sbr.rel @p0 .LBB2_1-.Ltmp0, $4  }
0x1cb: {  	[hbm:s5@s31], [sflag:s9] =	dma.strided [spmem:s10@s0], $0x200, s30, $0x10   }
0x1cc: {  	_ =	swait.ge [sflag:s7], $0x200  }
0x1cd: {  	[sflag:s7] =	ssyncset.done $0x0  }
0x1ce: {  	s6 =	sadd.s32 $0xFFFFFFFF, s6;
	[sflag:s7] =	ssyncadd.s32 $0xFFFFFE00  }
0x1cf: {  	_ =	sfence.sel $0x180000  }
0x1d0: {  	[bflag:$0x0] =	sbarrier.arrive $0xFFFF  }
0x1d1: {  	_ =	strace $0x90000047  }
0x1d2: {  	s0 =	stileid.u32;
	[bflag:$0x2] =	sbarrier.arrive $0xFFFF  }
0x1d3: {  	p0 =	sne.s32 s0, $0x0;
	s0 =	rddreg [dreg:$0x2]  }
0x1d4: {  	s0 =	sadd.s32 @!p0 $0x100000, s0  }
0x1d5: {  	[sflag:s0] =	ssyncadd.tile.s32 @!p0 $0x1;
	_ =	shalt  }
.Lfunc_end2:
_tile_overlayer_lowered:
.L_overlay_start_2:
0x1d6: {  	(tag) =	ssettag $0x2  }
0x1d7: {  	s0 =	rddreg [dreg:$0x0];
	s2 =	stileid.u32  }
0x1d8: {  	s1 =	rddreg [dreg:$0x1];
	p0 =	sne.s32 s2, $0x0  }
0x1d9: {  	s3 =	rddreg [dreg:$0x2];
	[bflag:$0x3] =	sbarrier.arrive $0xFFFF;
	s2 =	simm.s32 @!p0 $0x1C02  }
0x1da: {  	[timem:s3], [sflag:s2] =	dma.local @!p0 [hbm:s0], s1  }
0x1db: {  	s0 =	simm.s32 @!p0 $0x2  }
0x1dc: {  	_ =	swait.ge @!p0 [sflag:s0], s1  }
0x1dd: {  	s1 =	ssub.s32 @!p0 $0x0, s1;
	[sflag:s0] =	ssyncset.done @!p0 $0x0  }
0x1de: {  	[sflag:s0] =	ssyncadd.s32 @!p0 s1  }
0x1df: {  	[bflag:$0x3] =	sbarrier.arrive $0xFFFF  }
0x1e0: {  	_ =	shalt  }

</sc_bundles>
